<compile_context>
chip_gen: v7x
topology: tpu7x:2x2x1
jax: 0.10.2.dev20260603
libtpu: 0.0.44.dev20260713+nightly
codegen_flags: <defaults>
</compile_context>

<pallas_src>
import functools

import jax
import jax.numpy as jnp
from jax import lax
from jax.experimental import pallas as pl
from jax.experimental.pallas import tpu as pltpu
from jax.experimental.pallas import tpu_sc as plsc

BATCH = 16384
D = 64
NREL = 100000
NC = 2
NS = 16
HALF = BATCH // NC
DPT = D // NS
CHUNK = 4096
NCHK = HALF // CHUNK
OUTW = HALF // NS

_mesh = plsc.VectorSubcoreMesh(core_axis_name="c", subcore_axis_name="s")


@functools.partial(
    pl.kernel,
    mesh=_mesh,
    out_type=jax.ShapeDtypeStruct((BATCH,), jnp.float32),
    compiler_params=pltpu.CompilerParams(needs_layout_passes=False),
    scratch_types=[
        pltpu.VMEM((NREL,), jnp.float32),
        pltpu.VMEM((HALF,), jnp.int32),
        pltpu.VMEM((CHUNK,), jnp.float32),
        pltpu.VMEM((CHUNK,), jnp.float32),
        pltpu.VMEM((HALF,), jnp.float32),
        pltpu.VMEM((OUTW,), jnp.float32),
        pltpu.VMEM_SHARED((NS, HALF // 2), jnp.float32),
        pltpu.SemaphoreType.DMA,
        pltpu.SemaphoreType.DMA,
        pltpu.SemaphoreType.DMA,
    ],
)
def _distmult_sc(ht_hbm, rel_hbm, tt_hbm, et_hbm, out_hbm,
                 row_v, idx_v, h_v, t_v, part_v, o_v, shared_s,
                 rsem, csem, isem):
    sc = lax.axis_index("c")
    tec = lax.axis_index("s")
    base = sc * HALF

    cp_idx = pltpu.async_copy(rel_hbm.at[pl.ds(base, HALF)], idx_v, isem)
    d0 = tec * DPT
    off = lax.rem(tec, DPT)

    def dsel(q):
        return d0 + lax.rem(q + off, DPT)

    cp_row = pltpu.async_copy(et_hbm.at[dsel(0), :], row_v, rsem)

    cp_idx.wait()

    for q in range(DPT):
        dd = dsel(q)
        for c in range(NCHK):
            cb = base + c * CHUNK
            cp_h = pltpu.async_copy(ht_hbm.at[dd, pl.ds(cb, CHUNK)], h_v, csem)
            cp_t = pltpu.async_copy(tt_hbm.at[dd, pl.ds(cb, CHUNK)], t_v, csem)
            if c == 0:
                cp_row.wait()
            cp_h.wait()
            cp_t.wait()

            @plsc.parallel_loop(0, CHUNK, step=16, unroll=4)
            def group(e, q=q, c=c):
                eoff = c * CHUNK + e
                iv = idx_v[pl.ds(eoff, 16)]
                rv = plsc.load_gather(row_v, [iv])
                v = rv * h_v[pl.ds(e, 16)] * t_v[pl.ds(e, 16)]
                if q == 0:
                    part_v[pl.ds(eoff, 16)] = v
                else:
                    part_v[pl.ds(eoff, 16)] = part_v[pl.ds(eoff, 16)] + v
        if q + 1 < DPT:
            cp_row = pltpu.async_copy(et_hbm.at[dsel(q + 1), :], row_v, rsem)

    ph_mine = tec // (NS // 2)
    for ph in range(2):
        pltpu.sync_copy(part_v.at[pl.ds(ph * (HALF // 2), HALF // 2)],
                        shared_s.at[tec])
        plsc.subcore_barrier()

        @pl.when(ph_mine == ph)
        def _read(ph=ph):
            for i in range(NS):
                pltpu.sync_copy(
                    shared_s.at[i, pl.ds(tec * OUTW - ph * (HALF // 2), OUTW)],
                    row_v.at[pl.ds(i * OUTW, OUTW)])

        plsc.subcore_barrier()

    @plsc.parallel_loop(0, OUTW, step=16)
    def osum(e):
        acc = row_v[pl.ds(e, 16)]
        for i in range(1, NS):
            acc = acc + row_v[pl.ds(i * OUTW + e, 16)]
        o_v[pl.ds(e, 16)] = acc

    pltpu.sync_copy(o_v, out_hbm.at[pl.ds(base + tec * OUTW, OUTW)])


def kernel(head, rel, tail, rel_emb):
    return _distmult_sc(head.T, rel.astype(jnp.int32), tail.T, rel_emb.T)

# --- scband reference (transcript-rebuilt; emitter-appended) ---
"""Pipeline reference for scband-dist-mult-decoder-22582938042964 (READ-ONLY COPY).

The authoritative reference and input builder live on the scoring server;
editing this copy changes nothing except your own understanding.
"""

import jax, jax.numpy as jnp
import numpy as np

NUM_RELS = 100000
EMB_DIM = 64
BATCH = 16384

def setup_inputs(seed: int = 0) -> dict:
    key = jax.random.key(seed)
    k1, k2, k3, k4 = jax.random.split(key, 4)
    head = jax.random.normal(k1, (BATCH, EMB_DIM), dtype=jnp.float32)
    tail = jax.random.normal(k2, (BATCH, EMB_DIM), dtype=jnp.float32)
    rel = jax.random.randint(k3, (BATCH,), 0, NUM_RELS, dtype=jnp.int64 if jax.config.jax_enable_x64 else jnp.int32)
    # learned relation embedding table (nn.Embedding default init: N(0,1))
    rel_emb = jax.random.normal(k4, (NUM_RELS, EMB_DIM), dtype=jnp.float32)
    return {"head": head, "rel": rel, "tail": tail, "rel_emb": rel_emb}

def reference(head, rel, tail, rel_emb):
    r = jnp.take(rel_emb, rel, axis=0)  # embedding lookup (gather)
    return jnp.sum(head * r * tail, axis=-1)

if __name__ == "__main__":
    import jax
    _d = setup_inputs()
    print(jax.jit(kernel)(*tuple(_d.values())))

</pallas_src>

<mosaic_0001>
#map = affine_map<(d0, d1) -> (0, 0)>
#map1 = affine_map<(d0, d1) -> (0)>
module attributes {stable_mosaic.version = 14 : i64} {
  func.func @_distmult_sc(%arg0: i32, %arg1: i32, %arg2: memref<64x16384xf32, #tpu.memory_space<hbm>>, %arg3: memref<16384xi32, #tpu.memory_space<hbm>>, %arg4: memref<64x16384xf32, #tpu.memory_space<hbm>>, %arg5: memref<64x100000xf32, #tpu.memory_space<hbm>>, %arg6: memref<16384xf32, #tpu.memory_space<hbm>>, %arg7: memref<100000xf32, #tpu.memory_space<vmem>>, %arg8: memref<8192xi32, #tpu.memory_space<vmem>>, %arg9: memref<4096xf32, #tpu.memory_space<vmem>>, %arg10: memref<4096xf32, #tpu.memory_space<vmem>>, %arg11: memref<8192xf32, #tpu.memory_space<vmem>>, %arg12: memref<512xf32, #tpu.memory_space<vmem>>, %arg13: memref<16x4096xf32, #tpu.memory_space<vmem_shared>>, %arg14: memref<!tpu.dma_semaphore, #tpu.memory_space<semaphore_mem>>, %arg15: memref<!tpu.dma_semaphore, #tpu.memory_space<semaphore_mem>>, %arg16: memref<!tpu.dma_semaphore, #tpu.memory_space<semaphore_mem>>) attributes {dimension_semantics = [#tpu.dimension_semantics<core_parallel>, #tpu.dimension_semantics<subcore_parallel>], iteration_bounds = array<i64: 2, 16>, scalar_prefetch = 0 : i64, scratch_operands = 10 : i64, tpu.core_type = #tpu.core_type<sc_vector_subcore>, window_params = [{transform_indices = #map}, {transform_indices = #map1}, {transform_indices = #map}, {transform_indices = #map}, {transform_indices = #map1}]} {
    %mul3A = arith.constant 8192 : i32
    %mul3A_0 = arith.muli %arg0, %mul3A : i32
    %dma_start3A = tpu.memref_slice %arg3[%mul3A_0] : memref<16384xi32, #tpu.memory_space<hbm>> -> memref<8192xi32, #tpu.memory_space<hbm>>
    %dma_start3A_1 = tpu.memref_slice %arg3[%mul3A_0] : memref<16384xi32, #tpu.memory_space<hbm>> -> memref<8192xi32, #tpu.memory_space<hbm>>
    tpu.enqueue_dma source(%dma_start3A_1 : memref<8192xi32, #tpu.memory_space<hbm>>) target(%arg8 : memref<8192xi32, #tpu.memory_space<vmem>>) target_semaphore(%arg16 : memref<!tpu.dma_semaphore, #tpu.memory_space<semaphore_mem>>)
    %mul3A_2 = arith.constant 4 : i32
    %mul3A_3 = arith.muli %arg1, %mul3A_2 : i32
    %rem3A = arith.constant 4 : i32
    %rem3A_4 = arith.remsi %arg1, %rem3A : i32
    %add3A = arith.constant 0 : i32
    %add3A_5 = arith.addi %add3A, %rem3A_4 : i32
    %rem3A_6 = arith.constant 4 : i32
    %rem3A_7 = arith.remsi %add3A_5, %rem3A_6 : i32
    %add3A_8 = arith.addi %mul3A_3, %rem3A_7 : i32
    %dma_start3A_9 = arith.constant 0 : i32
    %dma_start3A_10 = tpu.memref_slice %arg5[%add3A_8, %dma_start3A_9] : memref<64x100000xf32, #tpu.memory_space<hbm>> -> memref<1x100000xf32, #tpu.memory_space<hbm>>
    %dma_start3A_11 = tpu.memref_squeeze %dma_start3A_10 : memref<1x100000xf32, #tpu.memory_space<hbm>> -> memref<100000xf32, #tpu.memory_space<hbm>>
    %dma_start3A_12 = arith.constant 0 : i32
    %dma_start3A_13 = tpu.memref_slice %arg5[%add3A_8, %dma_start3A_12] : memref<64x100000xf32, #tpu.memory_space<hbm>> -> memref<1x100000xf32, #tpu.memory_space<hbm>>
    %dma_start3A_14 = tpu.memref_squeeze %dma_start3A_13 : memref<1x100000xf32, #tpu.memory_space<hbm>> -> memref<100000xf32, #tpu.memory_space<hbm>>
    tpu.enqueue_dma source(%dma_start3A_14 : memref<100000xf32, #tpu.memory_space<hbm>>) target(%arg7 : memref<100000xf32, #tpu.memory_space<vmem>>) target_semaphore(%arg14 : memref<!tpu.dma_semaphore, #tpu.memory_space<semaphore_mem>>)
    %dma_wait3A = tpu.memref_slice %arg3[%mul3A_0] : memref<16384xi32, #tpu.memory_space<hbm>> -> memref<8192xi32, #tpu.memory_space<hbm>>
    %dma_wait3A_15 = tpu.memref_slice %arg3[%mul3A_0] : memref<16384xi32, #tpu.memory_space<hbm>> -> memref<8192xi32, #tpu.memory_space<hbm>>
    tpu.wait_dma2 semaphore(%arg16 : memref<!tpu.dma_semaphore, #tpu.memory_space<semaphore_mem>>) src(%dma_wait3A_15 : memref<8192xi32, #tpu.memory_space<hbm>>) dst(%arg8 : memref<8192xi32, #tpu.memory_space<vmem>>)
    %add3A_16 = arith.constant 0 : i32
    %add3A_17 = arith.addi %add3A_16, %rem3A_4 : i32
    %rem3A_18 = arith.constant 4 : i32
    %rem3A_19 = arith.remsi %add3A_17, %rem3A_18 : i32
    %add3A_20 = arith.addi %mul3A_3, %rem3A_19 : i32
    %add3A_21 = arith.constant 0 : i32
    %add3A_22 = arith.addi %mul3A_0, %add3A_21 : i32
    %dma_start3A_23 = tpu.memref_slice %arg2[%add3A_20, %add3A_22] : memref<64x16384xf32, #tpu.memory_space<hbm>> -> memref<1x4096xf32, #tpu.memory_space<hbm>>
    %dma_start3A_24 = tpu.memref_squeeze %dma_start3A_23 : memref<1x4096xf32, #tpu.memory_space<hbm>> -> memref<4096xf32, #tpu.memory_space<hbm>>
    %dma_start3A_25 = tpu.memref_slice %arg2[%add3A_20, %add3A_22] : memref<64x16384xf32, #tpu.memory_space<hbm>> -> memref<1x4096xf32, #tpu.memory_space<hbm>>
    %dma_start3A_26 = tpu.memref_squeeze %dma_start3A_25 : memref<1x4096xf32, #tpu.memory_space<hbm>> -> memref<4096xf32, #tpu.memory_space<hbm>>
    tpu.enqueue_dma source(%dma_start3A_26 : memref<4096xf32, #tpu.memory_space<hbm>>) target(%arg9 : memref<4096xf32, #tpu.memory_space<vmem>>) target_semaphore(%arg15 : memref<!tpu.dma_semaphore, #tpu.memory_space<semaphore_mem>>)
    %dma_start3A_27 = tpu.memref_slice %arg4[%add3A_20, %add3A_22] : memref<64x16384xf32, #tpu.memory_space<hbm>> -> memref<1x4096xf32, #tpu.memory_space<hbm>>
    %dma_start3A_28 = tpu.memref_squeeze %dma_start3A_27 : memref<1x4096xf32, #tpu.memory_space<hbm>> -> memref<4096xf32, #tpu.memory_space<hbm>>
    %dma_start3A_29 = tpu.memref_slice %arg4[%add3A_20, %add3A_22] : memref<64x16384xf32, #tpu.memory_space<hbm>> -> memref<1x4096xf32, #tpu.memory_space<hbm>>
    %dma_start3A_30 = tpu.memref_squeeze %dma_start3A_29 : memref<1x4096xf32, #tpu.memory_space<hbm>> -> memref<4096xf32, #tpu.memory_space<hbm>>
    tpu.enqueue_dma source(%dma_start3A_30 : memref<4096xf32, #tpu.memory_space<hbm>>) target(%arg10 : memref<4096xf32, #tpu.memory_space<vmem>>) target_semaphore(%arg15 : memref<!tpu.dma_semaphore, #tpu.memory_space<semaphore_mem>>)
    %dma_wait3A_31 = arith.constant 0 : i32
    %dma_wait3A_32 = tpu.memref_slice %arg5[%add3A_8, %dma_wait3A_31] : memref<64x100000xf32, #tpu.memory_space<hbm>> -> memref<1x100000xf32, #tpu.memory_space<hbm>>
    %dma_wait3A_33 = tpu.memref_squeeze %dma_wait3A_32 : memref<1x100000xf32, #tpu.memory_space<hbm>> -> memref<100000xf32, #tpu.memory_space<hbm>>
    %dma_wait3A_34 = arith.constant 0 : i32
    %dma_wait3A_35 = tpu.memref_slice %arg5[%add3A_8, %dma_wait3A_34] : memref<64x100000xf32, #tpu.memory_space<hbm>> -> memref<1x100000xf32, #tpu.memory_space<hbm>>
    %dma_wait3A_36 = tpu.memref_squeeze %dma_wait3A_35 : memref<1x100000xf32, #tpu.memory_space<hbm>> -> memref<100000xf32, #tpu.memory_space<hbm>>
    tpu.wait_dma2 semaphore(%arg14 : memref<!tpu.dma_semaphore, #tpu.memory_space<semaphore_mem>>) src(%dma_wait3A_36 : memref<100000xf32, #tpu.memory_space<hbm>>) dst(%arg7 : memref<100000xf32, #tpu.memory_space<vmem>>)
    %dma_wait3A_37 = tpu.memref_slice %arg2[%add3A_20, %add3A_22] : memref<64x16384xf32, #tpu.memory_space<hbm>> -> memref<1x4096xf32, #tpu.memory_space<hbm>>
    %dma_wait3A_38 = tpu.memref_squeeze %dma_wait3A_37 : memref<1x4096xf32, #tpu.memory_space<hbm>> -> memref<4096xf32, #tpu.memory_space<hbm>>
    %dma_wait3A_39 = tpu.memref_slice %arg2[%add3A_20, %add3A_22] : memref<64x16384xf32, #tpu.memory_space<hbm>> -> memref<1x4096xf32, #tpu.memory_space<hbm>>
    %dma_wait3A_40 = tpu.memref_squeeze %dma_wait3A_39 : memref<1x4096xf32, #tpu.memory_space<hbm>> -> memref<4096xf32, #tpu.memory_space<hbm>>
    tpu.wait_dma2 semaphore(%arg15 : memref<!tpu.dma_semaphore, #tpu.memory_space<semaphore_mem>>) src(%dma_wait3A_40 : memref<4096xf32, #tpu.memory_space<hbm>>) dst(%arg9 : memref<4096xf32, #tpu.memory_space<vmem>>)
    %dma_wait3A_41 = tpu.memref_slice %arg4[%add3A_20, %add3A_22] : memref<64x16384xf32, #tpu.memory_space<hbm>> -> memref<1x4096xf32, #tpu.memory_space<hbm>>
    %dma_wait3A_42 = tpu.memref_squeeze %dma_wait3A_41 : memref<1x4096xf32, #tpu.memory_space<hbm>> -> memref<4096xf32, #tpu.memory_space<hbm>>
    %dma_wait3A_43 = tpu.memref_slice %arg4[%add3A_20, %add3A_22] : memref<64x16384xf32, #tpu.memory_space<hbm>> -> memref<1x4096xf32, #tpu.memory_space<hbm>>
    %dma_wait3A_44 = tpu.memref_squeeze %dma_wait3A_43 : memref<1x4096xf32, #tpu.memory_space<hbm>> -> memref<4096xf32, #tpu.memory_space<hbm>>
    tpu.wait_dma2 semaphore(%arg15 : memref<!tpu.dma_semaphore, #tpu.memory_space<semaphore_mem>>) src(%dma_wait3A_44 : memref<4096xf32, #tpu.memory_space<hbm>>) dst(%arg10 : memref<4096xf32, #tpu.memory_space<vmem>>)
    %parallel_loop3A = arith.constant 0 : i32
    %parallel_loop3A_45 = arith.constant 4096 : i32
    %parallel_loop3A_46 = arith.constant 16 : i32
    scf.for %parallel_loop3A_293 = %parallel_loop3A to %parallel_loop3A_45 step %parallel_loop3A_46  : i32 {
      %parallel_loop3A_294 = arith.constant 0 : i32
      %parallel_loop3A_295 = arith.addi %parallel_loop3A_294, %parallel_loop3A_293 : i32
      %parallel_loop3A_296 = arith.index_cast %parallel_loop3A_295 : i32 to index
      %parallel_loop3A_297 = tpu.vector_load %arg8[%parallel_loop3A_296] {strides = array<i32>} : memref<8192xi32, #tpu.memory_space<vmem>>, vector<16xi32>,
      %parallel_loop3A_298 = tpu.vector_load_idx %arg7[%parallel_loop3A_297] : memref<100000xf32, #tpu.memory_space<vmem>>[vector<16xi32>], vector<16xf32>,
      %parallel_loop3A_299 = arith.index_cast %parallel_loop3A_293 : i32 to index
      %parallel_loop3A_300 = tpu.vector_load %arg9[%parallel_loop3A_299] {strides = array<i32>} : memref<4096xf32, #tpu.memory_space<vmem>>, vector<16xf32>,
      %parallel_loop3A_301 = arith.mulf %parallel_loop3A_298, %parallel_loop3A_300 : vector<16xf32>
      %parallel_loop3A_302 = arith.index_cast %parallel_loop3A_293 : i32 to index
      %parallel_loop3A_303 = tpu.vector_load %arg10[%parallel_loop3A_302] {strides = array<i32>} : memref<4096xf32, #tpu.memory_space<vmem>>, vector<16xf32>,
      %parallel_loop3A_304 = arith.mulf %parallel_loop3A_301, %parallel_loop3A_303 : vector<16xf32>
      %parallel_loop3A_305 = arith.index_cast %parallel_loop3A_295 : i32 to index
      %parallel_loop3A_306 = tpu.vector_load %arg11[%parallel_loop3A_305] {strides = array<i32>} : memref<8192xf32, #tpu.memory_space<vmem>>, vector<16xf32>,
      tpu.vector_store %arg11[%parallel_loop3A_305], %parallel_loop3A_304 {strides = array<i32>} : memref<8192xf32, #tpu.memory_space<vmem>>, vector<16xf32>,
    } {sc.loop_unroll_factor = 4 : i64, sc.parallel_access}
    %add3A_47 = arith.constant 4096 : i32
    %add3A_48 = arith.addi %mul3A_0, %add3A_47 : i32
    %dma_start3A_49 = tpu.memref_slice %arg2[%add3A_20, %add3A_48] : memref<64x16384xf32, #tpu.memory_space<hbm>> -> memref<1x4096xf32, #tpu.memory_space<hbm>>
    %dma_start3A_50 = tpu.memref_squeeze %dma_start3A_49 : memref<1x4096xf32, #tpu.memory_space<hbm>> -> memref<4096xf32, #tpu.memory_space<hbm>>
    %dma_start3A_51 = tpu.memref_slice %arg2[%add3A_20, %add3A_48] : memref<64x16384xf32, #tpu.memory_space<hbm>> -> memref<1x4096xf32, #tpu.memory_space<hbm>>
    %dma_start3A_52 = tpu.memref_squeeze %dma_start3A_51 : memref<1x4096xf32, #tpu.memory_space<hbm>> -> memref<4096xf32, #tpu.memory_space<hbm>>
    tpu.enqueue_dma source(%dma_start3A_52 : memref<4096xf32, #tpu.memory_space<hbm>>) target(%arg9 : memref<4096xf32, #tpu.memory_space<vmem>>) target_semaphore(%arg15 : memref<!tpu.dma_semaphore, #tpu.memory_space<semaphore_mem>>)
    %dma_start3A_53 = tpu.memref_slice %arg4[%add3A_20, %add3A_48] : memref<64x16384xf32, #tpu.memory_space<hbm>> -> memref<1x4096xf32, #tpu.memory_space<hbm>>
    %dma_start3A_54 = tpu.memref_squeeze %dma_start3A_53 : memref<1x4096xf32, #tpu.memory_space<hbm>> -> memref<4096xf32, #tpu.memory_space<hbm>>
    %dma_start3A_55 = tpu.memref_slice %arg4[%add3A_20, %add3A_48] : memref<64x16384xf32, #tpu.memory_space<hbm>> -> memref<1x4096xf32, #tpu.memory_space<hbm>>
    %dma_start3A_56 = tpu.memref_squeeze %dma_start3A_55 : memref<1x4096xf32, #tpu.memory_space<hbm>> -> memref<4096xf32, #tpu.memory_space<hbm>>
    tpu.enqueue_dma source(%dma_start3A_56 : memref<4096xf32, #tpu.memory_space<hbm>>) target(%arg10 : memref<4096xf32, #tpu.memory_space<vmem>>) target_semaphore(%arg15 : memref<!tpu.dma_semaphore, #tpu.memory_space<semaphore_mem>>)
    %dma_wait3A_57 = tpu.memref_slice %arg2[%add3A_20, %add3A_48] : memref<64x16384xf32, #tpu.memory_space<hbm>> -> memref<1x4096xf32, #tpu.memory_space<hbm>>
    %dma_wait3A_58 = tpu.memref_squeeze %dma_wait3A_57 : memref<1x4096xf32, #tpu.memory_space<hbm>> -> memref<4096xf32, #tpu.memory_space<hbm>>
    %dma_wait3A_59 = tpu.memref_slice %arg2[%add3A_20, %add3A_48] : memref<64x16384xf32, #tpu.memory_space<hbm>> -> memref<1x4096xf32, #tpu.memory_space<hbm>>
    %dma_wait3A_60 = tpu.memref_squeeze %dma_wait3A_59 : memref<1x4096xf32, #tpu.memory_space<hbm>> -> memref<4096xf32, #tpu.memory_space<hbm>>
    tpu.wait_dma2 semaphore(%arg15 : memref<!tpu.dma_semaphore, #tpu.memory_space<semaphore_mem>>) src(%dma_wait3A_60 : memref<4096xf32, #tpu.memory_space<hbm>>) dst(%arg9 : memref<4096xf32, #tpu.memory_space<vmem>>)
    %dma_wait3A_61 = tpu.memref_slice %arg4[%add3A_20, %add3A_48] : memref<64x16384xf32, #tpu.memory_space<hbm>> -> memref<1x4096xf32, #tpu.memory_space<hbm>>
    %dma_wait3A_62 = tpu.memref_squeeze %dma_wait3A_61 : memref<1x4096xf32, #tpu.memory_space<hbm>> -> memref<4096xf32, #tpu.memory_space<hbm>>
    %dma_wait3A_63 = tpu.memref_slice %arg4[%add3A_20, %add3A_48] : memref<64x16384xf32, #tpu.memory_space<hbm>> -> memref<1x4096xf32, #tpu.memory_space<hbm>>
    %dma_wait3A_64 = tpu.memref_squeeze %dma_wait3A_63 : memref<1x4096xf32, #tpu.memory_space<hbm>> -> memref<4096xf32, #tpu.memory_space<hbm>>
    tpu.wait_dma2 semaphore(%arg15 : memref<!tpu.dma_semaphore, #tpu.memory_space<semaphore_mem>>) src(%dma_wait3A_64 : memref<4096xf32, #tpu.memory_space<hbm>>) dst(%arg10 : memref<4096xf32, #tpu.memory_space<vmem>>)
    %parallel_loop3A_65 = arith.constant 0 : i32
    %parallel_loop3A_66 = arith.constant 4096 : i32
    %parallel_loop3A_67 = arith.constant 16 : i32
    scf.for %parallel_loop3A_293 = %parallel_loop3A_65 to %parallel_loop3A_66 step %parallel_loop3A_67  : i32 {
      %parallel_loop3A_294 = arith.constant 4096 : i32
      %parallel_loop3A_295 = arith.addi %parallel_loop3A_294, %parallel_loop3A_293 : i32
      %parallel_loop3A_296 = arith.index_cast %parallel_loop3A_295 : i32 to index
      %parallel_loop3A_297 = tpu.vector_load %arg8[%parallel_loop3A_296] {strides = array<i32>} : memref<8192xi32, #tpu.memory_space<vmem>>, vector<16xi32>,
      %parallel_loop3A_298 = tpu.vector_load_idx %arg7[%parallel_loop3A_297] : memref<100000xf32, #tpu.memory_space<vmem>>[vector<16xi32>], vector<16xf32>,
      %parallel_loop3A_299 = arith.index_cast %parallel_loop3A_293 : i32 to index
      %parallel_loop3A_300 = tpu.vector_load %arg9[%parallel_loop3A_299] {strides = array<i32>} : memref<4096xf32, #tpu.memory_space<vmem>>, vector<16xf32>,
      %parallel_loop3A_301 = arith.mulf %parallel_loop3A_298, %parallel_loop3A_300 : vector<16xf32>
      %parallel_loop3A_302 = arith.index_cast %parallel_loop3A_293 : i32 to index
      %parallel_loop3A_303 = tpu.vector_load %arg10[%parallel_loop3A_302] {strides = array<i32>} : memref<4096xf32, #tpu.memory_space<vmem>>, vector<16xf32>,
      %parallel_loop3A_304 = arith.mulf %parallel_loop3A_301, %parallel_loop3A_303 : vector<16xf32>
      %parallel_loop3A_305 = arith.index_cast %parallel_loop3A_295 : i32 to index
      %parallel_loop3A_306 = tpu.vector_load %arg11[%parallel_loop3A_305] {strides = array<i32>} : memref<8192xf32, #tpu.memory_space<vmem>>, vector<16xf32>,
      tpu.vector_store %arg11[%parallel_loop3A_305], %parallel_loop3A_304 {strides = array<i32>} : memref<8192xf32, #tpu.memory_space<vmem>>, vector<16xf32>,
    } {sc.loop_unroll_factor = 4 : i64, sc.parallel_access}
    %add3A_68 = arith.constant 1 : i32
    %add3A_69 = arith.addi %add3A_68, %rem3A_4 : i32
    %rem3A_70 = arith.constant 4 : i32
    %rem3A_71 = arith.remsi %add3A_69, %rem3A_70 : i32
    %add3A_72 = arith.addi %mul3A_3, %rem3A_71 : i32
    %dma_start3A_73 = arith.constant 0 : i32
    %dma_start3A_74 = tpu.memref_slice %arg5[%add3A_72, %dma_start3A_73] : memref<64x100000xf32, #tpu.memory_space<hbm>> -> memref<1x100000xf32, #tpu.memory_space<hbm>>
    %dma_start3A_75 = tpu.memref_squeeze %dma_start3A_74 : memref<1x100000xf32, #tpu.memory_space<hbm>> -> memref<100000xf32, #tpu.memory_space<hbm>>
    %dma_start3A_76 = arith.constant 0 : i32
    %dma_start3A_77 = tpu.memref_slice %arg5[%add3A_72, %dma_start3A_76] : memref<64x100000xf32, #tpu.memory_space<hbm>> -> memref<1x100000xf32, #tpu.memory_space<hbm>>
    %dma_start3A_78 = tpu.memref_squeeze %dma_start3A_77 : memref<1x100000xf32, #tpu.memory_space<hbm>> -> memref<100000xf32, #tpu.memory_space<hbm>>
    tpu.enqueue_dma source(%dma_start3A_78 : memref<100000xf32, #tpu.memory_space<hbm>>) target(%arg7 : memref<100000xf32, #tpu.memory_space<vmem>>) target_semaphore(%arg14 : memref<!tpu.dma_semaphore, #tpu.memory_space<semaphore_mem>>)
    %add3A_79 = arith.constant 1 : i32
    %add3A_80 = arith.addi %add3A_79, %rem3A_4 : i32
    %rem3A_81 = arith.constant 4 : i32
    %rem3A_82 = arith.remsi %add3A_80, %rem3A_81 : i32
    %add3A_83 = arith.addi %mul3A_3, %rem3A_82 : i32
    %add3A_84 = arith.constant 0 : i32
    %add3A_85 = arith.addi %mul3A_0, %add3A_84 : i32
    %dma_start3A_86 = tpu.memref_slice %arg2[%add3A_83, %add3A_85] : memref<64x16384xf32, #tpu.memory_space<hbm>> -> memref<1x4096xf32, #tpu.memory_space<hbm>>
    %dma_start3A_87 = tpu.memref_squeeze %dma_start3A_86 : memref<1x4096xf32, #tpu.memory_space<hbm>> -> memref<4096xf32, #tpu.memory_space<hbm>>
    %dma_start3A_88 = tpu.memref_slice %arg2[%add3A_83, %add3A_85] : memref<64x16384xf32, #tpu.memory_space<hbm>> -> memref<1x4096xf32, #tpu.memory_space<hbm>>
    %dma_start3A_89 = tpu.memref_squeeze %dma_start3A_88 : memref<1x4096xf32, #tpu.memory_space<hbm>> -> memref<4096xf32, #tpu.memory_space<hbm>>
    tpu.enqueue_dma source(%dma_start3A_89 : memref<4096xf32, #tpu.memory_space<hbm>>) target(%arg9 : memref<4096xf32, #tpu.memory_space<vmem>>) target_semaphore(%arg15 : memref<!tpu.dma_semaphore, #tpu.memory_space<semaphore_mem>>)
    %dma_start3A_90 = tpu.memref_slice %arg4[%add3A_83, %add3A_85] : memref<64x16384xf32, #tpu.memory_space<hbm>> -> memref<1x4096xf32, #tpu.memory_space<hbm>>
    %dma_start3A_91 = tpu.memref_squeeze %dma_start3A_90 : memref<1x4096xf32, #tpu.memory_space<hbm>> -> memref<4096xf32, #tpu.memory_space<hbm>>
    %dma_start3A_92 = tpu.memref_slice %arg4[%add3A_83, %add3A_85] : memref<64x16384xf32, #tpu.memory_space<hbm>> -> memref<1x4096xf32, #tpu.memory_space<hbm>>
    %dma_start3A_93 = tpu.memref_squeeze %dma_start3A_92 : memref<1x4096xf32, #tpu.memory_space<hbm>> -> memref<4096xf32, #tpu.memory_space<hbm>>
    tpu.enqueue_dma source(%dma_start3A_93 : memref<4096xf32, #tpu.memory_space<hbm>>) target(%arg10 : memref<4096xf32, #tpu.memory_space<vmem>>) target_semaphore(%arg15 : memref<!tpu.dma_semaphore, #tpu.memory_space<semaphore_mem>>)
    %dma_wait3A_94 = arith.constant 0 : i32
    %dma_wait3A_95 = tpu.memref_slice %arg5[%add3A_72, %dma_wait3A_94] : memref<64x100000xf32, #tpu.memory_space<hbm>> -> memref<1x100000xf32, #tpu.memory_space<hbm>>
    %dma_wait3A_96 = tpu.memref_squeeze %dma_wait3A_95 : memref<1x100000xf32, #tpu.memory_space<hbm>> -> memref<100000xf32, #tpu.memory_space<hbm>>
    %dma_wait3A_97 = arith.constant 0 : i32
    %dma_wait3A_98 = tpu.memref_slice %arg5[%add3A_72, %dma_wait3A_97] : memref<64x100000xf32, #tpu.memory_space<hbm>> -> memref<1x100000xf32, #tpu.memory_space<hbm>>
    %dma_wait3A_99 = tpu.memref_squeeze %dma_wait3A_98 : memref<1x100000xf32, #tpu.memory_space<hbm>> -> memref<100000xf32, #tpu.memory_space<hbm>>
    tpu.wait_dma2 semaphore(%arg14 : memref<!tpu.dma_semaphore, #tpu.memory_space<semaphore_mem>>) src(%dma_wait3A_99 : memref<100000xf32, #tpu.memory_space<hbm>>) dst(%arg7 : memref<100000xf32, #tpu.memory_space<vmem>>)
    %dma_wait3A_100 = tpu.memref_slice %arg2[%add3A_83, %add3A_85] : memref<64x16384xf32, #tpu.memory_space<hbm>> -> memref<1x4096xf32, #tpu.memory_space<hbm>>
    %dma_wait3A_101 = tpu.memref_squeeze %dma_wait3A_100 : memref<1x4096xf32, #tpu.memory_space<hbm>> -> memref<4096xf32, #tpu.memory_space<hbm>>
    %dma_wait3A_102 = tpu.memref_slice %arg2[%add3A_83, %add3A_85] : memref<64x16384xf32, #tpu.memory_space<hbm>> -> memref<1x4096xf32, #tpu.memory_space<hbm>>
    %dma_wait3A_103 = tpu.memref_squeeze %dma_wait3A_102 : memref<1x4096xf32, #tpu.memory_space<hbm>> -> memref<4096xf32, #tpu.memory_space<hbm>>
    tpu.wait_dma2 semaphore(%arg15 : memref<!tpu.dma_semaphore, #tpu.memory_space<semaphore_mem>>) src(%dma_wait3A_103 : memref<4096xf32, #tpu.memory_space<hbm>>) dst(%arg9 : memref<4096xf32, #tpu.memory_space<vmem>>)
    %dma_wait3A_104 = tpu.memref_slice %arg4[%add3A_83, %add3A_85] : memref<64x16384xf32, #tpu.memory_space<hbm>> -> memref<1x4096xf32, #tpu.memory_space<hbm>>
    %dma_wait3A_105 = tpu.memref_squeeze %dma_wait3A_104 : memref<1x4096xf32, #tpu.memory_space<hbm>> -> memref<4096xf32, #tpu.memory_space<hbm>>
    %dma_wait3A_106 = tpu.memref_slice %arg4[%add3A_83, %add3A_85] : memref<64x16384xf32, #tpu.memory_space<hbm>> -> memref<1x4096xf32, #tpu.memory_space<hbm>>
    %dma_wait3A_107 = tpu.memref_squeeze %dma_wait3A_106 : memref<1x4096xf32, #tpu.memory_space<hbm>> -> memref<4096xf32, #tpu.memory_space<hbm>>
    tpu.wait_dma2 semaphore(%arg15 : memref<!tpu.dma_semaphore, #tpu.memory_space<semaphore_mem>>) src(%dma_wait3A_107 : memref<4096xf32, #tpu.memory_space<hbm>>) dst(%arg10 : memref<4096xf32, #tpu.memory_space<vmem>>)
    %parallel_loop3A_108 = arith.constant 0 : i32
    %parallel_loop3A_109 = arith.constant 4096 : i32
    %parallel_loop3A_110 = arith.constant 16 : i32
    scf.for %parallel_loop3A_293 = %parallel_loop3A_108 to %parallel_loop3A_109 step %parallel_loop3A_110  : i32 {
      %parallel_loop3A_294 = arith.constant 0 : i32
      %parallel_loop3A_295 = arith.addi %parallel_loop3A_294, %parallel_loop3A_293 : i32
      %parallel_loop3A_296 = arith.index_cast %parallel_loop3A_295 : i32 to index
      %parallel_loop3A_297 = tpu.vector_load %arg8[%parallel_loop3A_296] {strides = array<i32>} : memref<8192xi32, #tpu.memory_space<vmem>>, vector<16xi32>,
      %parallel_loop3A_298 = tpu.vector_load_idx %arg7[%parallel_loop3A_297] : memref<100000xf32, #tpu.memory_space<vmem>>[vector<16xi32>], vector<16xf32>,
      %parallel_loop3A_299 = arith.index_cast %parallel_loop3A_293 : i32 to index
      %parallel_loop3A_300 = tpu.vector_load %arg9[%parallel_loop3A_299] {strides = array<i32>} : memref<4096xf32, #tpu.memory_space<vmem>>, vector<16xf32>,
      %parallel_loop3A_301 = arith.mulf %parallel_loop3A_298, %parallel_loop3A_300 : vector<16xf32>
      %parallel_loop3A_302 = arith.index_cast %parallel_loop3A_293 : i32 to index
      %parallel_loop3A_303 = tpu.vector_load %arg10[%parallel_loop3A_302] {strides = array<i32>} : memref<4096xf32, #tpu.memory_space<vmem>>, vector<16xf32>,
      %parallel_loop3A_304 = arith.mulf %parallel_loop3A_301, %parallel_loop3A_303 : vector<16xf32>
      %parallel_loop3A_305 = arith.index_cast %parallel_loop3A_295 : i32 to index
      %parallel_loop3A_306 = tpu.vector_load %arg11[%parallel_loop3A_305] {strides = array<i32>} : memref<8192xf32, #tpu.memory_space<vmem>>, vector<16xf32>,
      %parallel_loop3A_307 = arith.addf %parallel_loop3A_306, %parallel_loop3A_304 : vector<16xf32>
      %parallel_loop3A_308 = arith.index_cast %parallel_loop3A_295 : i32 to index
      %parallel_loop3A_309 = tpu.vector_load %arg11[%parallel_loop3A_308] {strides = array<i32>} : memref<8192xf32, #tpu.memory_space<vmem>>, vector<16xf32>,
      tpu.vector_store %arg11[%parallel_loop3A_308], %parallel_loop3A_307 {strides = array<i32>} : memref<8192xf32, #tpu.memory_space<vmem>>, vector<16xf32>,
    } {sc.loop_unroll_factor = 4 : i64, sc.parallel_access}
    %add3A_111 = arith.constant 4096 : i32
    %add3A_112 = arith.addi %mul3A_0, %add3A_111 : i32
    %dma_start3A_113 = tpu.memref_slice %arg2[%add3A_83, %add3A_112] : memref<64x16384xf32, #tpu.memory_space<hbm>> -> memref<1x4096xf32, #tpu.memory_space<hbm>>
    %dma_start3A_114 = tpu.memref_squeeze %dma_start3A_113 : memref<1x4096xf32, #tpu.memory_space<hbm>> -> memref<4096xf32, #tpu.memory_space<hbm>>
    %dma_start3A_115 = tpu.memref_slice %arg2[%add3A_83, %add3A_112] : memref<64x16384xf32, #tpu.memory_space<hbm>> -> memref<1x4096xf32, #tpu.memory_space<hbm>>
    %dma_start3A_116 = tpu.memref_squeeze %dma_start3A_115 : memref<1x4096xf32, #tpu.memory_space<hbm>> -> memref<4096xf32, #tpu.memory_space<hbm>>
    tpu.enqueue_dma source(%dma_start3A_116 : memref<4096xf32, #tpu.memory_space<hbm>>) target(%arg9 : memref<4096xf32, #tpu.memory_space<vmem>>) target_semaphore(%arg15 : memref<!tpu.dma_semaphore, #tpu.memory_space<semaphore_mem>>)
    %dma_start3A_117 = tpu.memref_slice %arg4[%add3A_83, %add3A_112] : memref<64x16384xf32, #tpu.memory_space<hbm>> -> memref<1x4096xf32, #tpu.memory_space<hbm>>
    %dma_start3A_118 = tpu.memref_squeeze %dma_start3A_117 : memref<1x4096xf32, #tpu.memory_space<hbm>> -> memref<4096xf32, #tpu.memory_space<hbm>>
    %dma_start3A_119 = tpu.memref_slice %arg4[%add3A_83, %add3A_112] : memref<64x16384xf32, #tpu.memory_space<hbm>> -> memref<1x4096xf32, #tpu.memory_space<hbm>>
    %dma_start3A_120 = tpu.memref_squeeze %dma_start3A_119 : memref<1x4096xf32, #tpu.memory_space<hbm>> -> memref<4096xf32, #tpu.memory_space<hbm>>
    tpu.enqueue_dma source(%dma_start3A_120 : memref<4096xf32, #tpu.memory_space<hbm>>) target(%arg10 : memref<4096xf32, #tpu.memory_space<vmem>>) target_semaphore(%arg15 : memref<!tpu.dma_semaphore, #tpu.memory_space<semaphore_mem>>)
    %dma_wait3A_121 = tpu.memref_slice %arg2[%add3A_83, %add3A_112] : memref<64x16384xf32, #tpu.memory_space<hbm>> -> memref<1x4096xf32, #tpu.memory_space<hbm>>
    %dma_wait3A_122 = tpu.memref_squeeze %dma_wait3A_121 : memref<1x4096xf32, #tpu.memory_space<hbm>> -> memref<4096xf32, #tpu.memory_space<hbm>>
    %dma_wait3A_123 = tpu.memref_slice %arg2[%add3A_83, %add3A_112] : memref<64x16384xf32, #tpu.memory_space<hbm>> -> memref<1x4096xf32, #tpu.memory_space<hbm>>
    %dma_wait3A_124 = tpu.memref_squeeze %dma_wait3A_123 : memref<1x4096xf32, #tpu.memory_space<hbm>> -> memref<4096xf32, #tpu.memory_space<hbm>>
    tpu.wait_dma2 semaphore(%arg15 : memref<!tpu.dma_semaphore, #tpu.memory_space<semaphore_mem>>) src(%dma_wait3A_124 : memref<4096xf32, #tpu.memory_space<hbm>>) dst(%arg9 : memref<4096xf32, #tpu.memory_space<vmem>>)
    %dma_wait3A_125 = tpu.memref_slice %arg4[%add3A_83, %add3A_112] : memref<64x16384xf32, #tpu.memory_space<hbm>> -> memref<1x4096xf32, #tpu.memory_space<hbm>>
    %dma_wait3A_126 = tpu.memref_squeeze %dma_wait3A_125 : memref<1x4096xf32, #tpu.memory_space<hbm>> -> memref<4096xf32, #tpu.memory_space<hbm>>
    %dma_wait3A_127 = tpu.memref_slice %arg4[%add3A_83, %add3A_112] : memref<64x16384xf32, #tpu.memory_space<hbm>> -> memref<1x4096xf32, #tpu.memory_space<hbm>>
    %dma_wait3A_128 = tpu.memref_squeeze %dma_wait3A_127 : memref<1x4096xf32, #tpu.memory_space<hbm>> -> memref<4096xf32, #tpu.memory_space<hbm>>
    tpu.wait_dma2 semaphore(%arg15 : memref<!tpu.dma_semaphore, #tpu.memory_space<semaphore_mem>>) src(%dma_wait3A_128 : memref<4096xf32, #tpu.memory_space<hbm>>) dst(%arg10 : memref<4096xf32, #tpu.memory_space<vmem>>)
    %parallel_loop3A_129 = arith.constant 0 : i32
    %parallel_loop3A_130 = arith.constant 4096 : i32
    %parallel_loop3A_131 = arith.constant 16 : i32
    scf.for %parallel_loop3A_293 = %parallel_loop3A_129 to %parallel_loop3A_130 step %parallel_loop3A_131  : i32 {
      %parallel_loop3A_294 = arith.constant 4096 : i32
      %parallel_loop3A_295 = arith.addi %parallel_loop3A_294, %parallel_loop3A_293 : i32
      %parallel_loop3A_296 = arith.index_cast %parallel_loop3A_295 : i32 to index
      %parallel_loop3A_297 = tpu.vector_load %arg8[%parallel_loop3A_296] {strides = array<i32>} : memref<8192xi32, #tpu.memory_space<vmem>>, vector<16xi32>,
      %parallel_loop3A_298 = tpu.vector_load_idx %arg7[%parallel_loop3A_297] : memref<100000xf32, #tpu.memory_space<vmem>>[vector<16xi32>], vector<16xf32>,
      %parallel_loop3A_299 = arith.index_cast %parallel_loop3A_293 : i32 to index
      %parallel_loop3A_300 = tpu.vector_load %arg9[%parallel_loop3A_299] {strides = array<i32>} : memref<4096xf32, #tpu.memory_space<vmem>>, vector<16xf32>,
      %parallel_loop3A_301 = arith.mulf %parallel_loop3A_298, %parallel_loop3A_300 : vector<16xf32>
      %parallel_loop3A_302 = arith.index_cast %parallel_loop3A_293 : i32 to index
      %parallel_loop3A_303 = tpu.vector_load %arg10[%parallel_loop3A_302] {strides = array<i32>} : memref<4096xf32, #tpu.memory_space<vmem>>, vector<16xf32>,
      %parallel_loop3A_304 = arith.mulf %parallel_loop3A_301, %parallel_loop3A_303 : vector<16xf32>
      %parallel_loop3A_305 = arith.index_cast %parallel_loop3A_295 : i32 to index
      %parallel_loop3A_306 = tpu.vector_load %arg11[%parallel_loop3A_305] {strides = array<i32>} : memref<8192xf32, #tpu.memory_space<vmem>>, vector<16xf32>,
      %parallel_loop3A_307 = arith.addf %parallel_loop3A_306, %parallel_loop3A_304 : vector<16xf32>
      %parallel_loop3A_308 = arith.index_cast %parallel_loop3A_295 : i32 to index
      %parallel_loop3A_309 = tpu.vector_load %arg11[%parallel_loop3A_308] {strides = array<i32>} : memref<8192xf32, #tpu.memory_space<vmem>>, vector<16xf32>,
      tpu.vector_store %arg11[%parallel_loop3A_308], %parallel_loop3A_307 {strides = array<i32>} : memref<8192xf32, #tpu.memory_space<vmem>>, vector<16xf32>,
    } {sc.loop_unroll_factor = 4 : i64, sc.parallel_access}
    %add3A_132 = arith.constant 2 : i32
    %add3A_133 = arith.addi %add3A_132, %rem3A_4 : i32
    %rem3A_134 = arith.constant 4 : i32
    %rem3A_135 = arith.remsi %add3A_133, %rem3A_134 : i32
    %add3A_136 = arith.addi %mul3A_3, %rem3A_135 : i32
    %dma_start3A_137 = arith.constant 0 : i32
    %dma_start3A_138 = tpu.memref_slice %arg5[%add3A_136, %dma_start3A_137] : memref<64x100000xf32, #tpu.memory_space<hbm>> -> memref<1x100000xf32, #tpu.memory_space<hbm>>
    %dma_start3A_139 = tpu.memref_squeeze %dma_start3A_138 : memref<1x100000xf32, #tpu.memory_space<hbm>> -> memref<100000xf32, #tpu.memory_space<hbm>>
    %dma_start3A_140 = arith.constant 0 : i32
    %dma_start3A_141 = tpu.memref_slice %arg5[%add3A_136, %dma_start3A_140] : memref<64x100000xf32, #tpu.memory_space<hbm>> -> memref<1x100000xf32, #tpu.memory_space<hbm>>
    %dma_start3A_142 = tpu.memref_squeeze %dma_start3A_141 : memref<1x100000xf32, #tpu.memory_space<hbm>> -> memref<100000xf32, #tpu.memory_space<hbm>>
    tpu.enqueue_dma source(%dma_start3A_142 : memref<100000xf32, #tpu.memory_space<hbm>>) target(%arg7 : memref<100000xf32, #tpu.memory_space<vmem>>) target_semaphore(%arg14 : memref<!tpu.dma_semaphore, #tpu.memory_space<semaphore_mem>>)
    %add3A_143 = arith.constant 2 : i32
    %add3A_144 = arith.addi %add3A_143, %rem3A_4 : i32
    %rem3A_145 = arith.constant 4 : i32
    %rem3A_146 = arith.remsi %add3A_144, %rem3A_145 : i32
    %add3A_147 = arith.addi %mul3A_3, %rem3A_146 : i32
    %add3A_148 = arith.constant 0 : i32
    %add3A_149 = arith.addi %mul3A_0, %add3A_148 : i32
    %dma_start3A_150 = tpu.memref_slice %arg2[%add3A_147, %add3A_149] : memref<64x16384xf32, #tpu.memory_space<hbm>> -> memref<1x4096xf32, #tpu.memory_space<hbm>>
    %dma_start3A_151 = tpu.memref_squeeze %dma_start3A_150 : memref<1x4096xf32, #tpu.memory_space<hbm>> -> memref<4096xf32, #tpu.memory_space<hbm>>
    %dma_start3A_152 = tpu.memref_slice %arg2[%add3A_147, %add3A_149] : memref<64x16384xf32, #tpu.memory_space<hbm>> -> memref<1x4096xf32, #tpu.memory_space<hbm>>
    %dma_start3A_153 = tpu.memref_squeeze %dma_start3A_152 : memref<1x4096xf32, #tpu.memory_space<hbm>> -> memref<4096xf32, #tpu.memory_space<hbm>>
    tpu.enqueue_dma source(%dma_start3A_153 : memref<4096xf32, #tpu.memory_space<hbm>>) target(%arg9 : memref<4096xf32, #tpu.memory_space<vmem>>) target_semaphore(%arg15 : memref<!tpu.dma_semaphore, #tpu.memory_space<semaphore_mem>>)
    %dma_start3A_154 = tpu.memref_slice %arg4[%add3A_147, %add3A_149] : memref<64x16384xf32, #tpu.memory_space<hbm>> -> memref<1x4096xf32, #tpu.memory_space<hbm>>
    %dma_start3A_155 = tpu.memref_squeeze %dma_start3A_154 : memref<1x4096xf32, #tpu.memory_space<hbm>> -> memref<4096xf32, #tpu.memory_space<hbm>>
    %dma_start3A_156 = tpu.memref_slice %arg4[%add3A_147, %add3A_149] : memref<64x16384xf32, #tpu.memory_space<hbm>> -> memref<1x4096xf32, #tpu.memory_space<hbm>>
    %dma_start3A_157 = tpu.memref_squeeze %dma_start3A_156 : memref<1x4096xf32, #tpu.memory_space<hbm>> -> memref<4096xf32, #tpu.memory_space<hbm>>
    tpu.enqueue_dma source(%dma_start3A_157 : memref<4096xf32, #tpu.memory_space<hbm>>) target(%arg10 : memref<4096xf32, #tpu.memory_space<vmem>>) target_semaphore(%arg15 : memref<!tpu.dma_semaphore, #tpu.memory_space<semaphore_mem>>)
    %dma_wait3A_158 = arith.constant 0 : i32
    %dma_wait3A_159 = tpu.memref_slice %arg5[%add3A_136, %dma_wait3A_158] : memref<64x100000xf32, #tpu.memory_space<hbm>> -> memref<1x100000xf32, #tpu.memory_space<hbm>>
    %dma_wait3A_160 = tpu.memref_squeeze %dma_wait3A_159 : memref<1x100000xf32, #tpu.memory_space<hbm>> -> memref<100000xf32, #tpu.memory_space<hbm>>
    %dma_wait3A_161 = arith.constant 0 : i32
    %dma_wait3A_162 = tpu.memref_slice %arg5[%add3A_136, %dma_wait3A_161] : memref<64x100000xf32, #tpu.memory_space<hbm>> -> memref<1x100000xf32, #tpu.memory_space<hbm>>
    %dma_wait3A_163 = tpu.memref_squeeze %dma_wait3A_162 : memref<1x100000xf32, #tpu.memory_space<hbm>> -> memref<100000xf32, #tpu.memory_space<hbm>>
    tpu.wait_dma2 semaphore(%arg14 : memref<!tpu.dma_semaphore, #tpu.memory_space<semaphore_mem>>) src(%dma_wait3A_163 : memref<100000xf32, #tpu.memory_space<hbm>>) dst(%arg7 : memref<100000xf32, #tpu.memory_space<vmem>>)
    %dma_wait3A_164 = tpu.memref_slice %arg2[%add3A_147, %add3A_149] : memref<64x16384xf32, #tpu.memory_space<hbm>> -> memref<1x4096xf32, #tpu.memory_space<hbm>>
    %dma_wait3A_165 = tpu.memref_squeeze %dma_wait3A_164 : memref<1x4096xf32, #tpu.memory_space<hbm>> -> memref<4096xf32, #tpu.memory_space<hbm>>
    %dma_wait3A_166 = tpu.memref_slice %arg2[%add3A_147, %add3A_149] : memref<64x16384xf32, #tpu.memory_space<hbm>> -> memref<1x4096xf32, #tpu.memory_space<hbm>>
    %dma_wait3A_167 = tpu.memref_squeeze %dma_wait3A_166 : memref<1x4096xf32, #tpu.memory_space<hbm>> -> memref<4096xf32, #tpu.memory_space<hbm>>
    tpu.wait_dma2 semaphore(%arg15 : memref<!tpu.dma_semaphore, #tpu.memory_space<semaphore_mem>>) src(%dma_wait3A_167 : memref<4096xf32, #tpu.memory_space<hbm>>) dst(%arg9 : memref<4096xf32, #tpu.memory_space<vmem>>)
    %dma_wait3A_168 = tpu.memref_slice %arg4[%add3A_147, %add3A_149] : memref<64x16384xf32, #tpu.memory_space<hbm>> -> memref<1x4096xf32, #tpu.memory_space<hbm>>
    %dma_wait3A_169 = tpu.memref_squeeze %dma_wait3A_168 : memref<1x4096xf32, #tpu.memory_space<hbm>> -> memref<4096xf32, #tpu.memory_space<hbm>>
    %dma_wait3A_170 = tpu.memref_slice %arg4[%add3A_147, %add3A_149] : memref<64x16384xf32, #tpu.memory_space<hbm>> -> memref<1x4096xf32, #tpu.memory_space<hbm>>
    %dma_wait3A_171 = tpu.memref_squeeze %dma_wait3A_170 : memref<1x4096xf32, #tpu.memory_space<hbm>> -> memref<4096xf32, #tpu.memory_space<hbm>>
    tpu.wait_dma2 semaphore(%arg15 : memref<!tpu.dma_semaphore, #tpu.memory_space<semaphore_mem>>) src(%dma_wait3A_171 : memref<4096xf32, #tpu.memory_space<hbm>>) dst(%arg10 : memref<4096xf32, #tpu.memory_space<vmem>>)
    %parallel_loop3A_172 = arith.constant 0 : i32
    %parallel_loop3A_173 = arith.constant 4096 : i32
    %parallel_loop3A_174 = arith.constant 16 : i32
    scf.for %parallel_loop3A_293 = %parallel_loop3A_172 to %parallel_loop3A_173 step %parallel_loop3A_174  : i32 {
      %parallel_loop3A_294 = arith.constant 0 : i32
      %parallel_loop3A_295 = arith.addi %parallel_loop3A_294, %parallel_loop3A_293 : i32
      %parallel_loop3A_296 = arith.index_cast %parallel_loop3A_295 : i32 to index
      %parallel_loop3A_297 = tpu.vector_load %arg8[%parallel_loop3A_296] {strides = array<i32>} : memref<8192xi32, #tpu.memory_space<vmem>>, vector<16xi32>,
      %parallel_loop3A_298 = tpu.vector_load_idx %arg7[%parallel_loop3A_297] : memref<100000xf32, #tpu.memory_space<vmem>>[vector<16xi32>], vector<16xf32>,
      %parallel_loop3A_299 = arith.index_cast %parallel_loop3A_293 : i32 to index
      %parallel_loop3A_300 = tpu.vector_load %arg9[%parallel_loop3A_299] {strides = array<i32>} : memref<4096xf32, #tpu.memory_space<vmem>>, vector<16xf32>,
      %parallel_loop3A_301 = arith.mulf %parallel_loop3A_298, %parallel_loop3A_300 : vector<16xf32>
      %parallel_loop3A_302 = arith.index_cast %parallel_loop3A_293 : i32 to index
      %parallel_loop3A_303 = tpu.vector_load %arg10[%parallel_loop3A_302] {strides = array<i32>} : memref<4096xf32, #tpu.memory_space<vmem>>, vector<16xf32>,
      %parallel_loop3A_304 = arith.mulf %parallel_loop3A_301, %parallel_loop3A_303 : vector<16xf32>
      %parallel_loop3A_305 = arith.index_cast %parallel_loop3A_295 : i32 to index
      %parallel_loop3A_306 = tpu.vector_load %arg11[%parallel_loop3A_305] {strides = array<i32>} : memref<8192xf32, #tpu.memory_space<vmem>>, vector<16xf32>,
      %parallel_loop3A_307 = arith.addf %parallel_loop3A_306, %parallel_loop3A_304 : vector<16xf32>
      %parallel_loop3A_308 = arith.index_cast %parallel_loop3A_295 : i32 to index
      %parallel_loop3A_309 = tpu.vector_load %arg11[%parallel_loop3A_308] {strides = array<i32>} : memref<8192xf32, #tpu.memory_space<vmem>>, vector<16xf32>,
      tpu.vector_store %arg11[%parallel_loop3A_308], %parallel_loop3A_307 {strides = array<i32>} : memref<8192xf32, #tpu.memory_space<vmem>>, vector<16xf32>,
    } {sc.loop_unroll_factor = 4 : i64, sc.parallel_access}
    %add3A_175 = arith.constant 4096 : i32
    %add3A_176 = arith.addi %mul3A_0, %add3A_175 : i32
    %dma_start3A_177 = tpu.memref_slice %arg2[%add3A_147, %add3A_176] : memref<64x16384xf32, #tpu.memory_space<hbm>> -> memref<1x4096xf32, #tpu.memory_space<hbm>>
    %dma_start3A_178 = tpu.memref_squeeze %dma_start3A_177 : memref<1x4096xf32, #tpu.memory_space<hbm>> -> memref<4096xf32, #tpu.memory_space<hbm>>
    %dma_start3A_179 = tpu.memref_slice %arg2[%add3A_147, %add3A_176] : memref<64x16384xf32, #tpu.memory_space<hbm>> -> memref<1x4096xf32, #tpu.memory_space<hbm>>
    %dma_start3A_180 = tpu.memref_squeeze %dma_start3A_179 : memref<1x4096xf32, #tpu.memory_space<hbm>> -> memref<4096xf32, #tpu.memory_space<hbm>>
    tpu.enqueue_dma source(%dma_start3A_180 : memref<4096xf32, #tpu.memory_space<hbm>>) target(%arg9 : memref<4096xf32, #tpu.memory_space<vmem>>) target_semaphore(%arg15 : memref<!tpu.dma_semaphore, #tpu.memory_space<semaphore_mem>>)
    %dma_start3A_181 = tpu.memref_slice %arg4[%add3A_147, %add3A_176] : memref<64x16384xf32, #tpu.memory_space<hbm>> -> memref<1x4096xf32, #tpu.memory_space<hbm>>
    %dma_start3A_182 = tpu.memref_squeeze %dma_start3A_181 : memref<1x4096xf32, #tpu.memory_space<hbm>> -> memref<4096xf32, #tpu.memory_space<hbm>>
    %dma_start3A_183 = tpu.memref_slice %arg4[%add3A_147, %add3A_176] : memref<64x16384xf32, #tpu.memory_space<hbm>> -> memref<1x4096xf32, #tpu.memory_space<hbm>>
    %dma_start3A_184 = tpu.memref_squeeze %dma_start3A_183 : memref<1x4096xf32, #tpu.memory_space<hbm>> -> memref<4096xf32, #tpu.memory_space<hbm>>
    tpu.enqueue_dma source(%dma_start3A_184 : memref<4096xf32, #tpu.memory_space<hbm>>) target(%arg10 : memref<4096xf32, #tpu.memory_space<vmem>>) target_semaphore(%arg15 : memref<!tpu.dma_semaphore, #tpu.memory_space<semaphore_mem>>)
    %dma_wait3A_185 = tpu.memref_slice %arg2[%add3A_147, %add3A_176] : memref<64x16384xf32, #tpu.memory_space<hbm>> -> memref<1x4096xf32, #tpu.memory_space<hbm>>
    %dma_wait3A_186 = tpu.memref_squeeze %dma_wait3A_185 : memref<1x4096xf32, #tpu.memory_space<hbm>> -> memref<4096xf32, #tpu.memory_space<hbm>>
    %dma_wait3A_187 = tpu.memref_slice %arg2[%add3A_147, %add3A_176] : memref<64x16384xf32, #tpu.memory_space<hbm>> -> memref<1x4096xf32, #tpu.memory_space<hbm>>
    %dma_wait3A_188 = tpu.memref_squeeze %dma_wait3A_187 : memref<1x4096xf32, #tpu.memory_space<hbm>> -> memref<4096xf32, #tpu.memory_space<hbm>>
    tpu.wait_dma2 semaphore(%arg15 : memref<!tpu.dma_semaphore, #tpu.memory_space<semaphore_mem>>) src(%dma_wait3A_188 : memref<4096xf32, #tpu.memory_space<hbm>>) dst(%arg9 : memref<4096xf32, #tpu.memory_space<vmem>>)
    %dma_wait3A_189 = tpu.memref_slice %arg4[%add3A_147, %add3A_176] : memref<64x16384xf32, #tpu.memory_space<hbm>> -> memref<1x4096xf32, #tpu.memory_space<hbm>>
    %dma_wait3A_190 = tpu.memref_squeeze %dma_wait3A_189 : memref<1x4096xf32, #tpu.memory_space<hbm>> -> memref<4096xf32, #tpu.memory_space<hbm>>
    %dma_wait3A_191 = tpu.memref_slice %arg4[%add3A_147, %add3A_176] : memref<64x16384xf32, #tpu.memory_space<hbm>> -> memref<1x4096xf32, #tpu.memory_space<hbm>>
    %dma_wait3A_192 = tpu.memref_squeeze %dma_wait3A_191 : memref<1x4096xf32, #tpu.memory_space<hbm>> -> memref<4096xf32, #tpu.memory_space<hbm>>
    tpu.wait_dma2 semaphore(%arg15 : memref<!tpu.dma_semaphore, #tpu.memory_space<semaphore_mem>>) src(%dma_wait3A_192 : memref<4096xf32, #tpu.memory_space<hbm>>) dst(%arg10 : memref<4096xf32, #tpu.memory_space<vmem>>)
    %parallel_loop3A_193 = arith.constant 0 : i32
    %parallel_loop3A_194 = arith.constant 4096 : i32
    %parallel_loop3A_195 = arith.constant 16 : i32
    scf.for %parallel_loop3A_293 = %parallel_loop3A_193 to %parallel_loop3A_194 step %parallel_loop3A_195  : i32 {
      %parallel_loop3A_294 = arith.constant 4096 : i32
      %parallel_loop3A_295 = arith.addi %parallel_loop3A_294, %parallel_loop3A_293 : i32
      %parallel_loop3A_296 = arith.index_cast %parallel_loop3A_295 : i32 to index
      %parallel_loop3A_297 = tpu.vector_load %arg8[%parallel_loop3A_296] {strides = array<i32>} : memref<8192xi32, #tpu.memory_space<vmem>>, vector<16xi32>,
      %parallel_loop3A_298 = tpu.vector_load_idx %arg7[%parallel_loop3A_297] : memref<100000xf32, #tpu.memory_space<vmem>>[vector<16xi32>], vector<16xf32>,
      %parallel_loop3A_299 = arith.index_cast %parallel_loop3A_293 : i32 to index
      %parallel_loop3A_300 = tpu.vector_load %arg9[%parallel_loop3A_299] {strides = array<i32>} : memref<4096xf32, #tpu.memory_space<vmem>>, vector<16xf32>,
      %parallel_loop3A_301 = arith.mulf %parallel_loop3A_298, %parallel_loop3A_300 : vector<16xf32>
      %parallel_loop3A_302 = arith.index_cast %parallel_loop3A_293 : i32 to index
      %parallel_loop3A_303 = tpu.vector_load %arg10[%parallel_loop3A_302] {strides = array<i32>} : memref<4096xf32, #tpu.memory_space<vmem>>, vector<16xf32>,
      %parallel_loop3A_304 = arith.mulf %parallel_loop3A_301, %parallel_loop3A_303 : vector<16xf32>
      %parallel_loop3A_305 = arith.index_cast %parallel_loop3A_295 : i32 to index
      %parallel_loop3A_306 = tpu.vector_load %arg11[%parallel_loop3A_305] {strides = array<i32>} : memref<8192xf32, #tpu.memory_space<vmem>>, vector<16xf32>,
      %parallel_loop3A_307 = arith.addf %parallel_loop3A_306, %parallel_loop3A_304 : vector<16xf32>
      %parallel_loop3A_308 = arith.index_cast %parallel_loop3A_295 : i32 to index
      %parallel_loop3A_309 = tpu.vector_load %arg11[%parallel_loop3A_308] {strides = array<i32>} : memref<8192xf32, #tpu.memory_space<vmem>>, vector<16xf32>,
      tpu.vector_store %arg11[%parallel_loop3A_308], %parallel_loop3A_307 {strides = array<i32>} : memref<8192xf32, #tpu.memory_space<vmem>>, vector<16xf32>,
    } {sc.loop_unroll_factor = 4 : i64, sc.parallel_access}
    %add3A_196 = arith.constant 3 : i32
    %add3A_197 = arith.addi %add3A_196, %rem3A_4 : i32
    %rem3A_198 = arith.constant 4 : i32
    %rem3A_199 = arith.remsi %add3A_197, %rem3A_198 : i32
    %add3A_200 = arith.addi %mul3A_3, %rem3A_199 : i32
    %dma_start3A_201 = arith.constant 0 : i32
    %dma_start3A_202 = tpu.memref_slice %arg5[%add3A_200, %dma_start3A_201] : memref<64x100000xf32, #tpu.memory_space<hbm>> -> memref<1x100000xf32, #tpu.memory_space<hbm>>
    %dma_start3A_203 = tpu.memref_squeeze %dma_start3A_202 : memref<1x100000xf32, #tpu.memory_space<hbm>> -> memref<100000xf32, #tpu.memory_space<hbm>>
    %dma_start3A_204 = arith.constant 0 : i32
    %dma_start3A_205 = tpu.memref_slice %arg5[%add3A_200, %dma_start3A_204] : memref<64x100000xf32, #tpu.memory_space<hbm>> -> memref<1x100000xf32, #tpu.memory_space<hbm>>
    %dma_start3A_206 = tpu.memref_squeeze %dma_start3A_205 : memref<1x100000xf32, #tpu.memory_space<hbm>> -> memref<100000xf32, #tpu.memory_space<hbm>>
    tpu.enqueue_dma source(%dma_start3A_206 : memref<100000xf32, #tpu.memory_space<hbm>>) target(%arg7 : memref<100000xf32, #tpu.memory_space<vmem>>) target_semaphore(%arg14 : memref<!tpu.dma_semaphore, #tpu.memory_space<semaphore_mem>>)
    %add3A_207 = arith.constant 3 : i32
    %add3A_208 = arith.addi %add3A_207, %rem3A_4 : i32
    %rem3A_209 = arith.constant 4 : i32
    %rem3A_210 = arith.remsi %add3A_208, %rem3A_209 : i32
    %add3A_211 = arith.addi %mul3A_3, %rem3A_210 : i32
    %add3A_212 = arith.constant 0 : i32
    %add3A_213 = arith.addi %mul3A_0, %add3A_212 : i32
    %dma_start3A_214 = tpu.memref_slice %arg2[%add3A_211, %add3A_213] : memref<64x16384xf32, #tpu.memory_space<hbm>> -> memref<1x4096xf32, #tpu.memory_space<hbm>>
    %dma_start3A_215 = tpu.memref_squeeze %dma_start3A_214 : memref<1x4096xf32, #tpu.memory_space<hbm>> -> memref<4096xf32, #tpu.memory_space<hbm>>
    %dma_start3A_216 = tpu.memref_slice %arg2[%add3A_211, %add3A_213] : memref<64x16384xf32, #tpu.memory_space<hbm>> -> memref<1x4096xf32, #tpu.memory_space<hbm>>
    %dma_start3A_217 = tpu.memref_squeeze %dma_start3A_216 : memref<1x4096xf32, #tpu.memory_space<hbm>> -> memref<4096xf32, #tpu.memory_space<hbm>>
    tpu.enqueue_dma source(%dma_start3A_217 : memref<4096xf32, #tpu.memory_space<hbm>>) target(%arg9 : memref<4096xf32, #tpu.memory_space<vmem>>) target_semaphore(%arg15 : memref<!tpu.dma_semaphore, #tpu.memory_space<semaphore_mem>>)
    %dma_start3A_218 = tpu.memref_slice %arg4[%add3A_211, %add3A_213] : memref<64x16384xf32, #tpu.memory_space<hbm>> -> memref<1x4096xf32, #tpu.memory_space<hbm>>
    %dma_start3A_219 = tpu.memref_squeeze %dma_start3A_218 : memref<1x4096xf32, #tpu.memory_space<hbm>> -> memref<4096xf32, #tpu.memory_space<hbm>>
    %dma_start3A_220 = tpu.memref_slice %arg4[%add3A_211, %add3A_213] : memref<64x16384xf32, #tpu.memory_space<hbm>> -> memref<1x4096xf32, #tpu.memory_space<hbm>>
    %dma_start3A_221 = tpu.memref_squeeze %dma_start3A_220 : memref<1x4096xf32, #tpu.memory_space<hbm>> -> memref<4096xf32, #tpu.memory_space<hbm>>
    tpu.enqueue_dma source(%dma_start3A_221 : memref<4096xf32, #tpu.memory_space<hbm>>) target(%arg10 : memref<4096xf32, #tpu.memory_space<vmem>>) target_semaphore(%arg15 : memref<!tpu.dma_semaphore, #tpu.memory_space<semaphore_mem>>)
    %dma_wait3A_222 = arith.constant 0 : i32
    %dma_wait3A_223 = tpu.memref_slice %arg5[%add3A_200, %dma_wait3A_222] : memref<64x100000xf32, #tpu.memory_space<hbm>> -> memref<1x100000xf32, #tpu.memory_space<hbm>>
    %dma_wait3A_224 = tpu.memref_squeeze %dma_wait3A_223 : memref<1x100000xf32, #tpu.memory_space<hbm>> -> memref<100000xf32, #tpu.memory_space<hbm>>
    %dma_wait3A_225 = arith.constant 0 : i32
    %dma_wait3A_226 = tpu.memref_slice %arg5[%add3A_200, %dma_wait3A_225] : memref<64x100000xf32, #tpu.memory_space<hbm>> -> memref<1x100000xf32, #tpu.memory_space<hbm>>
    %dma_wait3A_227 = tpu.memref_squeeze %dma_wait3A_226 : memref<1x100000xf32, #tpu.memory_space<hbm>> -> memref<100000xf32, #tpu.memory_space<hbm>>
    tpu.wait_dma2 semaphore(%arg14 : memref<!tpu.dma_semaphore, #tpu.memory_space<semaphore_mem>>) src(%dma_wait3A_227 : memref<100000xf32, #tpu.memory_space<hbm>>) dst(%arg7 : memref<100000xf32, #tpu.memory_space<vmem>>)
    %dma_wait3A_228 = tpu.memref_slice %arg2[%add3A_211, %add3A_213] : memref<64x16384xf32, #tpu.memory_space<hbm>> -> memref<1x4096xf32, #tpu.memory_space<hbm>>
    %dma_wait3A_229 = tpu.memref_squeeze %dma_wait3A_228 : memref<1x4096xf32, #tpu.memory_space<hbm>> -> memref<4096xf32, #tpu.memory_space<hbm>>
    %dma_wait3A_230 = tpu.memref_slice %arg2[%add3A_211, %add3A_213] : memref<64x16384xf32, #tpu.memory_space<hbm>> -> memref<1x4096xf32, #tpu.memory_space<hbm>>
    %dma_wait3A_231 = tpu.memref_squeeze %dma_wait3A_230 : memref<1x4096xf32, #tpu.memory_space<hbm>> -> memref<4096xf32, #tpu.memory_space<hbm>>
    tpu.wait_dma2 semaphore(%arg15 : memref<!tpu.dma_semaphore, #tpu.memory_space<semaphore_mem>>) src(%dma_wait3A_231 : memref<4096xf32, #tpu.memory_space<hbm>>) dst(%arg9 : memref<4096xf32, #tpu.memory_space<vmem>>)
    %dma_wait3A_232 = tpu.memref_slice %arg4[%add3A_211, %add3A_213] : memref<64x16384xf32, #tpu.memory_space<hbm>> -> memref<1x4096xf32, #tpu.memory_space<hbm>>
    %dma_wait3A_233 = tpu.memref_squeeze %dma_wait3A_232 : memref<1x4096xf32, #tpu.memory_space<hbm>> -> memref<4096xf32, #tpu.memory_space<hbm>>
    %dma_wait3A_234 = tpu.memref_slice %arg4[%add3A_211, %add3A_213] : memref<64x16384xf32, #tpu.memory_space<hbm>> -> memref<1x4096xf32, #tpu.memory_space<hbm>>
    %dma_wait3A_235 = tpu.memref_squeeze %dma_wait3A_234 : memref<1x4096xf32, #tpu.memory_space<hbm>> -> memref<4096xf32, #tpu.memory_space<hbm>>
    tpu.wait_dma2 semaphore(%arg15 : memref<!tpu.dma_semaphore, #tpu.memory_space<semaphore_mem>>) src(%dma_wait3A_235 : memref<4096xf32, #tpu.memory_space<hbm>>) dst(%arg10 : memref<4096xf32, #tpu.memory_space<vmem>>)
    %parallel_loop3A_236 = arith.constant 0 : i32
    %parallel_loop3A_237 = arith.constant 4096 : i32
    %parallel_loop3A_238 = arith.constant 16 : i32
    scf.for %parallel_loop3A_293 = %parallel_loop3A_236 to %parallel_loop3A_237 step %parallel_loop3A_238  : i32 {
      %parallel_loop3A_294 = arith.constant 0 : i32
      %parallel_loop3A_295 = arith.addi %parallel_loop3A_294, %parallel_loop3A_293 : i32
      %parallel_loop3A_296 = arith.index_cast %parallel_loop3A_295 : i32 to index
      %parallel_loop3A_297 = tpu.vector_load %arg8[%parallel_loop3A_296] {strides = array<i32>} : memref<8192xi32, #tpu.memory_space<vmem>>, vector<16xi32>,
      %parallel_loop3A_298 = tpu.vector_load_idx %arg7[%parallel_loop3A_297] : memref<100000xf32, #tpu.memory_space<vmem>>[vector<16xi32>], vector<16xf32>,
      %parallel_loop3A_299 = arith.index_cast %parallel_loop3A_293 : i32 to index
      %parallel_loop3A_300 = tpu.vector_load %arg9[%parallel_loop3A_299] {strides = array<i32>} : memref<4096xf32, #tpu.memory_space<vmem>>, vector<16xf32>,
      %parallel_loop3A_301 = arith.mulf %parallel_loop3A_298, %parallel_loop3A_300 : vector<16xf32>
      %parallel_loop3A_302 = arith.index_cast %parallel_loop3A_293 : i32 to index
      %parallel_loop3A_303 = tpu.vector_load %arg10[%parallel_loop3A_302] {strides = array<i32>} : memref<4096xf32, #tpu.memory_space<vmem>>, vector<16xf32>,
      %parallel_loop3A_304 = arith.mulf %parallel_loop3A_301, %parallel_loop3A_303 : vector<16xf32>
      %parallel_loop3A_305 = arith.index_cast %parallel_loop3A_295 : i32 to index
      %parallel_loop3A_306 = tpu.vector_load %arg11[%parallel_loop3A_305] {strides = array<i32>} : memref<8192xf32, #tpu.memory_space<vmem>>, vector<16xf32>,
      %parallel_loop3A_307 = arith.addf %parallel_loop3A_306, %parallel_loop3A_304 : vector<16xf32>
      %parallel_loop3A_308 = arith.index_cast %parallel_loop3A_295 : i32 to index
      %parallel_loop3A_309 = tpu.vector_load %arg11[%parallel_loop3A_308] {strides = array<i32>} : memref<8192xf32, #tpu.memory_space<vmem>>, vector<16xf32>,
      tpu.vector_store %arg11[%parallel_loop3A_308], %parallel_loop3A_307 {strides = array<i32>} : memref<8192xf32, #tpu.memory_space<vmem>>, vector<16xf32>,
    } {sc.loop_unroll_factor = 4 : i64, sc.parallel_access}
    %add3A_239 = arith.constant 4096 : i32
    %add3A_240 = arith.addi %mul3A_0, %add3A_239 : i32
    %dma_start3A_241 = tpu.memref_slice %arg2[%add3A_211, %add3A_240] : memref<64x16384xf32, #tpu.memory_space<hbm>> -> memref<1x4096xf32, #tpu.memory_space<hbm>>
    %dma_start3A_242 = tpu.memref_squeeze %dma_start3A_241 : memref<1x4096xf32, #tpu.memory_space<hbm>> -> memref<4096xf32, #tpu.memory_space<hbm>>
    %dma_start3A_243 = tpu.memref_slice %arg2[%add3A_211, %add3A_240] : memref<64x16384xf32, #tpu.memory_space<hbm>> -> memref<1x4096xf32, #tpu.memory_space<hbm>>
    %dma_start3A_244 = tpu.memref_squeeze %dma_start3A_243 : memref<1x4096xf32, #tpu.memory_space<hbm>> -> memref<4096xf32, #tpu.memory_space<hbm>>
    tpu.enqueue_dma source(%dma_start3A_244 : memref<4096xf32, #tpu.memory_space<hbm>>) target(%arg9 : memref<4096xf32, #tpu.memory_space<vmem>>) target_semaphore(%arg15 : memref<!tpu.dma_semaphore, #tpu.memory_space<semaphore_mem>>)
    %dma_start3A_245 = tpu.memref_slice %arg4[%add3A_211, %add3A_240] : memref<64x16384xf32, #tpu.memory_space<hbm>> -> memref<1x4096xf32, #tpu.memory_space<hbm>>
    %dma_start3A_246 = tpu.memref_squeeze %dma_start3A_245 : memref<1x4096xf32, #tpu.memory_space<hbm>> -> memref<4096xf32, #tpu.memory_space<hbm>>
    %dma_start3A_247 = tpu.memref_slice %arg4[%add3A_211, %add3A_240] : memref<64x16384xf32, #tpu.memory_space<hbm>> -> memref<1x4096xf32, #tpu.memory_space<hbm>>
    %dma_start3A_248 = tpu.memref_squeeze %dma_start3A_247 : memref<1x4096xf32, #tpu.memory_space<hbm>> -> memref<4096xf32, #tpu.memory_space<hbm>>
    tpu.enqueue_dma source(%dma_start3A_248 : memref<4096xf32, #tpu.memory_space<hbm>>) target(%arg10 : memref<4096xf32, #tpu.memory_space<vmem>>) target_semaphore(%arg15 : memref<!tpu.dma_semaphore, #tpu.memory_space<semaphore_mem>>)
    %dma_wait3A_249 = tpu.memref_slice %arg2[%add3A_211, %add3A_240] : memref<64x16384xf32, #tpu.memory_space<hbm>> -> memref<1x4096xf32, #tpu.memory_space<hbm>>
    %dma_wait3A_250 = tpu.memref_squeeze %dma_wait3A_249 : memref<1x4096xf32, #tpu.memory_space<hbm>> -> memref<4096xf32, #tpu.memory_space<hbm>>
    %dma_wait3A_251 = tpu.memref_slice %arg2[%add3A_211, %add3A_240] : memref<64x16384xf32, #tpu.memory_space<hbm>> -> memref<1x4096xf32, #tpu.memory_space<hbm>>
    %dma_wait3A_252 = tpu.memref_squeeze %dma_wait3A_251 : memref<1x4096xf32, #tpu.memory_space<hbm>> -> memref<4096xf32, #tpu.memory_space<hbm>>
    tpu.wait_dma2 semaphore(%arg15 : memref<!tpu.dma_semaphore, #tpu.memory_space<semaphore_mem>>) src(%dma_wait3A_252 : memref<4096xf32, #tpu.memory_space<hbm>>) dst(%arg9 : memref<4096xf32, #tpu.memory_space<vmem>>)
    %dma_wait3A_253 = tpu.memref_slice %arg4[%add3A_211, %add3A_240] : memref<64x16384xf32, #tpu.memory_space<hbm>> -> memref<1x4096xf32, #tpu.memory_space<hbm>>
    %dma_wait3A_254 = tpu.memref_squeeze %dma_wait3A_253 : memref<1x4096xf32, #tpu.memory_space<hbm>> -> memref<4096xf32, #tpu.memory_space<hbm>>
    %dma_wait3A_255 = tpu.memref_slice %arg4[%add3A_211, %add3A_240] : memref<64x16384xf32, #tpu.memory_space<hbm>> -> memref<1x4096xf32, #tpu.memory_space<hbm>>
    %dma_wait3A_256 = tpu.memref_squeeze %dma_wait3A_255 : memref<1x4096xf32, #tpu.memory_space<hbm>> -> memref<4096xf32, #tpu.memory_space<hbm>>
    tpu.wait_dma2 semaphore(%arg15 : memref<!tpu.dma_semaphore, #tpu.memory_space<semaphore_mem>>) src(%dma_wait3A_256 : memref<4096xf32, #tpu.memory_space<hbm>>) dst(%arg10 : memref<4096xf32, #tpu.memory_space<vmem>>)
    %parallel_loop3A_257 = arith.constant 0 : i32
    %parallel_loop3A_258 = arith.constant 4096 : i32
    %parallel_loop3A_259 = arith.constant 16 : i32
    scf.for %parallel_loop3A_293 = %parallel_loop3A_257 to %parallel_loop3A_258 step %parallel_loop3A_259  : i32 {
      %parallel_loop3A_294 = arith.constant 4096 : i32
      %parallel_loop3A_295 = arith.addi %parallel_loop3A_294, %parallel_loop3A_293 : i32
      %parallel_loop3A_296 = arith.index_cast %parallel_loop3A_295 : i32 to index
      %parallel_loop3A_297 = tpu.vector_load %arg8[%parallel_loop3A_296] {strides = array<i32>} : memref<8192xi32, #tpu.memory_space<vmem>>, vector<16xi32>,
      %parallel_loop3A_298 = tpu.vector_load_idx %arg7[%parallel_loop3A_297] : memref<100000xf32, #tpu.memory_space<vmem>>[vector<16xi32>], vector<16xf32>,
      %parallel_loop3A_299 = arith.index_cast %parallel_loop3A_293 : i32 to index
      %parallel_loop3A_300 = tpu.vector_load %arg9[%parallel_loop3A_299] {strides = array<i32>} : memref<4096xf32, #tpu.memory_space<vmem>>, vector<16xf32>,
      %parallel_loop3A_301 = arith.mulf %parallel_loop3A_298, %parallel_loop3A_300 : vector<16xf32>
      %parallel_loop3A_302 = arith.index_cast %parallel_loop3A_293 : i32 to index
      %parallel_loop3A_303 = tpu.vector_load %arg10[%parallel_loop3A_302] {strides = array<i32>} : memref<4096xf32, #tpu.memory_space<vmem>>, vector<16xf32>,
      %parallel_loop3A_304 = arith.mulf %parallel_loop3A_301, %parallel_loop3A_303 : vector<16xf32>
      %parallel_loop3A_305 = arith.index_cast %parallel_loop3A_295 : i32 to index
      %parallel_loop3A_306 = tpu.vector_load %arg11[%parallel_loop3A_305] {strides = array<i32>} : memref<8192xf32, #tpu.memory_space<vmem>>, vector<16xf32>,
      %parallel_loop3A_307 = arith.addf %parallel_loop3A_306, %parallel_loop3A_304 : vector<16xf32>
      %parallel_loop3A_308 = arith.index_cast %parallel_loop3A_295 : i32 to index
      %parallel_loop3A_309 = tpu.vector_load %arg11[%parallel_loop3A_308] {strides = array<i32>} : memref<8192xf32, #tpu.memory_space<vmem>>, vector<16xf32>,
      tpu.vector_store %arg11[%parallel_loop3A_308], %parallel_loop3A_307 {strides = array<i32>} : memref<8192xf32, #tpu.memory_space<vmem>>, vector<16xf32>,
    } {sc.loop_unroll_factor = 4 : i64, sc.parallel_access}
    %jit3A = arith.constant 8 : i32
    %div3A = arith.divsi %arg1, %jit3A : i32
    %sign3A = arith.constant 0 : i32
    %sign3A_260 = arith.cmpi sgt, %arg1, %sign3A : i32
    %sign3A_261 = arith.extui %sign3A_260 : i1 to i32
    %sign3A_262 = arith.constant 0 : i32
    %sign3A_263 = arith.cmpi slt, %arg1, %sign3A_262 : i32
    %sign3A_264 = arith.extui %sign3A_263 : i1 to i32
    %sign3A_265 = arith.subi %sign3A_261, %sign3A_264 : i32
    %sign3A_266 = arith.constant 0 : i32
    %sign3A_267 = arith.cmpi sgt, %jit3A, %sign3A_266 : i32
    %sign3A_268 = arith.extui %sign3A_267 : i1 to i32
    %sign3A_269 = arith.constant 0 : i32
    %sign3A_270 = arith.cmpi slt, %jit3A, %sign3A_269 : i32
    %sign3A_271 = arith.extui %sign3A_270 : i1 to i32
    %sign3A_272 = arith.subi %sign3A_268, %sign3A_271 : i32
    %ne3A = arith.cmpi ne, %sign3A_265, %sign3A_272 : i32
    %rem3A_273 = arith.remsi %arg1, %jit3A : i32
    %ne3A_274 = arith.constant 0 : i32
    %ne3A_275 = arith.cmpi ne, %rem3A_273, %ne3A_274 : i32
    %and3A = arith.andi %ne3A, %ne3A_275 : i1
    %sub3A = arith.constant 1 : i32
    %sub3A_276 = arith.subi %div3A, %sub3A : i32
    %select_n3A = arith.select %and3A, %sub3A_276, %div3A : i32
    "tpu.region"() ({
      %run_scoped3A = tpu.sem_alloc : memref<!tpu.dma_semaphore, #tpu.memory_space<semaphore_mem>>
      %dma_start3A_293 = arith.constant 0 : i32
      %dma_start3A_294 = tpu.memref_slice %arg11[%dma_start3A_293] : memref<8192xf32, #tpu.memory_space<vmem>> -> memref<4096xf32, #tpu.memory_space<vmem>>
      %dma_start3A_295 = arith.constant 0 : i32
      %dma_start3A_296 = tpu.memref_slice %arg13[%arg1, %dma_start3A_295] : memref<16x4096xf32, #tpu.memory_space<vmem_shared>> -> memref<1x4096xf32, #tpu.memory_space<vmem_shared>>
      %dma_start3A_297 = tpu.memref_squeeze %dma_start3A_296 : memref<1x4096xf32, #tpu.memory_space<vmem_shared>> -> memref<4096xf32, #tpu.memory_space<vmem_shared>>
      %dma_start3A_298 = arith.constant 0 : i32
      %dma_start3A_299 = tpu.memref_slice %arg13[%arg1, %dma_start3A_298] : memref<16x4096xf32, #tpu.memory_space<vmem_shared>> -> memref<1x4096xf32, #tpu.memory_space<vmem_shared>>
      %dma_start3A_300 = tpu.memref_squeeze %dma_start3A_299 : memref<1x4096xf32, #tpu.memory_space<vmem_shared>> -> memref<4096xf32, #tpu.memory_space<vmem_shared>>
      %dma_start3A_301 = arith.constant 0 : i32
      %dma_start3A_302 = tpu.memref_slice %arg11[%dma_start3A_301] : memref<8192xf32, #tpu.memory_space<vmem>> -> memref<4096xf32, #tpu.memory_space<vmem>>
      tpu.enqueue_dma source(%dma_start3A_302 : memref<4096xf32, #tpu.memory_space<vmem>>) target(%dma_start3A_300 : memref<4096xf32, #tpu.memory_space<vmem_shared>>) target_semaphore(%run_scoped3A : memref<!tpu.dma_semaphore, #tpu.memory_space<semaphore_mem>>)
      %dma_wait3A_303 = arith.constant 0 : i32
      %dma_wait3A_304 = tpu.memref_slice %arg11[%dma_wait3A_303] : memref<8192xf32, #tpu.memory_space<vmem>> -> memref<4096xf32, #tpu.memory_space<vmem>>
      %dma_wait3A_305 = arith.constant 0 : i32
      %dma_wait3A_306 = tpu.memref_slice %arg13[%arg1, %dma_wait3A_305] : memref<16x4096xf32, #tpu.memory_space<vmem_shared>> -> memref<1x4096xf32, #tpu.memory_space<vmem_shared>>
      %dma_wait3A_307 = tpu.memref_squeeze %dma_wait3A_306 : memref<1x4096xf32, #tpu.memory_space<vmem_shared>> -> memref<4096xf32, #tpu.memory_space<vmem_shared>>
      %dma_wait3A_308 = arith.constant 0 : i32
      %dma_wait3A_309 = tpu.memref_slice %arg13[%arg1, %dma_wait3A_308] : memref<16x4096xf32, #tpu.memory_space<vmem_shared>> -> memref<1x4096xf32, #tpu.memory_space<vmem_shared>>
      %dma_wait3A_310 = tpu.memref_squeeze %dma_wait3A_309 : memref<1x4096xf32, #tpu.memory_space<vmem_shared>> -> memref<4096xf32, #tpu.memory_space<vmem_shared>>
      %dma_wait3A_311 = arith.constant 0 : i32
      %dma_wait3A_312 = tpu.memref_slice %arg11[%dma_wait3A_311] : memref<8192xf32, #tpu.memory_space<vmem>> -> memref<4096xf32, #tpu.memory_space<vmem>>
      tpu.wait_dma2 semaphore(%run_scoped3A : memref<!tpu.dma_semaphore, #tpu.memory_space<semaphore_mem>>) src(%dma_wait3A_312 : memref<4096xf32, #tpu.memory_space<vmem>>) dst(%dma_wait3A_310 : memref<4096xf32, #tpu.memory_space<vmem_shared>>)
      tpu.yield
    }) : () -> ()
    %barrier3A = arith.constant 0 : index
    tpu.barrier barrier_id(%barrier3A)
    %eq3A = arith.constant 0 : i32
    %eq3A_277 = arith.cmpi eq, %select_n3A, %eq3A : i32
    %convert_element_type3A = arith.extui %eq3A_277 : i1 to i32
    %cond3A = arith.constant 0 : i32
    %cond3A_278 = arith.cmpi ne, %convert_element_type3A, %cond3A : i32
    scf.if %cond3A_278 {
      %mul3A_293 = arith.constant 512 : i32
      %mul3A_294 = arith.muli %arg1, %mul3A_293 : i32
      %sub3A_295 = arith.constant 0 : i32
      %sub3A_296 = arith.subi %mul3A_294, %sub3A_295 : i32
      %run_scoped3A = arith.constant 0 : i32
      "tpu.region"() ({
        %run_scoped3A_372 = tpu.sem_alloc : memref<!tpu.dma_semaphore, #tpu.memory_space<semaphore_mem>>
        %dma_start3A_373 = arith.constant 0 : i32
        %dma_start3A_374 = tpu.memref_slice %arg7[%dma_start3A_373] : memref<100000xf32, #tpu.memory_space<vmem>> -> memref<512xf32, #tpu.memory_space<vmem>>
        %dma_start3A_375 = tpu.memref_slice %arg13[%run_scoped3A, %sub3A_296] : memref<16x4096xf32, #tpu.memory_space<vmem_shared>> -> memref<1x512xf32, #tpu.memory_space<vmem_shared>>
        %dma_start3A_376 = tpu.memref_squeeze %dma_start3A_375 : memref<1x512xf32, #tpu.memory_space<vmem_shared>> -> memref<512xf32, #tpu.memory_space<vmem_shared>>
        %dma_start3A_377 = arith.constant 0 : i32
        %dma_start3A_378 = tpu.memref_slice %arg7[%dma_start3A_377] : memref<100000xf32, #tpu.memory_space<vmem>> -> memref<512xf32, #tpu.memory_space<vmem>>
        %dma_start3A_379 = tpu.memref_slice %arg13[%run_scoped3A, %sub3A_296] : memref<16x4096xf32, #tpu.memory_space<vmem_shared>> -> memref<1x512xf32, #tpu.memory_space<vmem_shared>>
        %dma_start3A_380 = tpu.memref_squeeze %dma_start3A_379 : memref<1x512xf32, #tpu.memory_space<vmem_shared>> -> memref<512xf32, #tpu.memory_space<vmem_shared>>
        tpu.enqueue_dma source(%dma_start3A_380 : memref<512xf32, #tpu.memory_space<vmem_shared>>) target(%dma_start3A_378 : memref<512xf32, #tpu.memory_space<vmem>>) target_semaphore(%run_scoped3A_372 : memref<!tpu.dma_semaphore, #tpu.memory_space<semaphore_mem>>)
        %dma_wait3A_381 = arith.constant 0 : i32
        %dma_wait3A_382 = tpu.memref_slice %arg7[%dma_wait3A_381] : memref<100000xf32, #tpu.memory_space<vmem>> -> memref<512xf32, #tpu.memory_space<vmem>>
        %dma_wait3A_383 = tpu.memref_slice %arg13[%run_scoped3A, %sub3A_296] : memref<16x4096xf32, #tpu.memory_space<vmem_shared>> -> memref<1x512xf32, #tpu.memory_space<vmem_shared>>
        %dma_wait3A_384 = tpu.memref_squeeze %dma_wait3A_383 : memref<1x512xf32, #tpu.memory_space<vmem_shared>> -> memref<512xf32, #tpu.memory_space<vmem_shared>>
        %dma_wait3A_385 = arith.constant 0 : i32
        %dma_wait3A_386 = tpu.memref_slice %arg7[%dma_wait3A_385] : memref<100000xf32, #tpu.memory_space<vmem>> -> memref<512xf32, #tpu.memory_space<vmem>>
        %dma_wait3A_387 = tpu.memref_slice %arg13[%run_scoped3A, %sub3A_296] : memref<16x4096xf32, #tpu.memory_space<vmem_shared>> -> memref<1x512xf32, #tpu.memory_space<vmem_shared>>
        %dma_wait3A_388 = tpu.memref_squeeze %dma_wait3A_387 : memref<1x512xf32, #tpu.memory_space<vmem_shared>> -> memref<512xf32, #tpu.memory_space<vmem_shared>>
        tpu.wait_dma2 semaphore(%run_scoped3A_372 : memref<!tpu.dma_semaphore, #tpu.memory_space<semaphore_mem>>) src(%dma_wait3A_388 : memref<512xf32, #tpu.memory_space<vmem_shared>>) dst(%dma_wait3A_386 : memref<512xf32, #tpu.memory_space<vmem>>)
        tpu.yield
      }) : () -> ()
      %mul3A_297 = arith.constant 512 : i32
      %mul3A_298 = arith.muli %arg1, %mul3A_297 : i32
      %sub3A_299 = arith.constant 0 : i32
      %sub3A_300 = arith.subi %mul3A_298, %sub3A_299 : i32
      %run_scoped3A_301 = arith.constant 1 : i32
      "tpu.region"() ({
        %run_scoped3A_372 = tpu.sem_alloc : memref<!tpu.dma_semaphore, #tpu.memory_space<semaphore_mem>>
        %dma_start3A_373 = arith.constant 512 : i32
        %dma_start3A_374 = tpu.memref_slice %arg7[%dma_start3A_373] : memref<100000xf32, #tpu.memory_space<vmem>> -> memref<512xf32, #tpu.memory_space<vmem>>
        %dma_start3A_375 = tpu.memref_slice %arg13[%run_scoped3A_301, %sub3A_300] : memref<16x4096xf32, #tpu.memory_space<vmem_shared>> -> memref<1x512xf32, #tpu.memory_space<vmem_shared>>
        %dma_start3A_376 = tpu.memref_squeeze %dma_start3A_375 : memref<1x512xf32, #tpu.memory_space<vmem_shared>> -> memref<512xf32, #tpu.memory_space<vmem_shared>>
        %dma_start3A_377 = arith.constant 512 : i32
        %dma_start3A_378 = tpu.memref_slice %arg7[%dma_start3A_377] : memref<100000xf32, #tpu.memory_space<vmem>> -> memref<512xf32, #tpu.memory_space<vmem>>
        %dma_start3A_379 = tpu.memref_slice %arg13[%run_scoped3A_301, %sub3A_300] : memref<16x4096xf32, #tpu.memory_space<vmem_shared>> -> memref<1x512xf32, #tpu.memory_space<vmem_shared>>
        %dma_start3A_380 = tpu.memref_squeeze %dma_start3A_379 : memref<1x512xf32, #tpu.memory_space<vmem_shared>> -> memref<512xf32, #tpu.memory_space<vmem_shared>>
        tpu.enqueue_dma source(%dma_start3A_380 : memref<512xf32, #tpu.memory_space<vmem_shared>>) target(%dma_start3A_378 : memref<512xf32, #tpu.memory_space<vmem>>) target_semaphore(%run_scoped3A_372 : memref<!tpu.dma_semaphore, #tpu.memory_space<semaphore_mem>>)
        %dma_wait3A_381 = arith.constant 512 : i32
        %dma_wait3A_382 = tpu.memref_slice %arg7[%dma_wait3A_381] : memref<100000xf32, #tpu.memory_space<vmem>> -> memref<512xf32, #tpu.memory_space<vmem>>
        %dma_wait3A_383 = tpu.memref_slice %arg13[%run_scoped3A_301, %sub3A_300] : memref<16x4096xf32, #tpu.memory_space<vmem_shared>> -> memref<1x512xf32, #tpu.memory_space<vmem_shared>>
        %dma_wait3A_384 = tpu.memref_squeeze %dma_wait3A_383 : memref<1x512xf32, #tpu.memory_space<vmem_shared>> -> memref<512xf32, #tpu.memory_space<vmem_shared>>
        %dma_wait3A_385 = arith.constant 512 : i32
        %dma_wait3A_386 = tpu.memref_slice %arg7[%dma_wait3A_385] : memref<100000xf32, #tpu.memory_space<vmem>> -> memref<512xf32, #tpu.memory_space<vmem>>
        %dma_wait3A_387 = tpu.memref_slice %arg13[%run_scoped3A_301, %sub3A_300] : memref<16x4096xf32, #tpu.memory_space<vmem_shared>> -> memref<1x512xf32, #tpu.memory_space<vmem_shared>>
        %dma_wait3A_388 = tpu.memref_squeeze %dma_wait3A_387 : memref<1x512xf32, #tpu.memory_space<vmem_shared>> -> memref<512xf32, #tpu.memory_space<vmem_shared>>
        tpu.wait_dma2 semaphore(%run_scoped3A_372 : memref<!tpu.dma_semaphore, #tpu.memory_space<semaphore_mem>>) src(%dma_wait3A_388 : memref<512xf32, #tpu.memory_space<vmem_shared>>) dst(%dma_wait3A_386 : memref<512xf32, #tpu.memory_space<vmem>>)
        tpu.yield
      }) : () -> ()
      %mul3A_302 = arith.constant 512 : i32
      %mul3A_303 = arith.muli %arg1, %mul3A_302 : i32
      %sub3A_304 = arith.constant 0 : i32
      %sub3A_305 = arith.subi %mul3A_303, %sub3A_304 : i32
      %run_scoped3A_306 = arith.constant 2 : i32
      "tpu.region"() ({
        %run_scoped3A_372 = tpu.sem_alloc : memref<!tpu.dma_semaphore, #tpu.memory_space<semaphore_mem>>
        %dma_start3A_373 = arith.constant 1024 : i32
        %dma_start3A_374 = tpu.memref_slice %arg7[%dma_start3A_373] : memref<100000xf32, #tpu.memory_space<vmem>> -> memref<512xf32, #tpu.memory_space<vmem>>
        %dma_start3A_375 = tpu.memref_slice %arg13[%run_scoped3A_306, %sub3A_305] : memref<16x4096xf32, #tpu.memory_space<vmem_shared>> -> memref<1x512xf32, #tpu.memory_space<vmem_shared>>
        %dma_start3A_376 = tpu.memref_squeeze %dma_start3A_375 : memref<1x512xf32, #tpu.memory_space<vmem_shared>> -> memref<512xf32, #tpu.memory_space<vmem_shared>>
        %dma_start3A_377 = arith.constant 1024 : i32
        %dma_start3A_378 = tpu.memref_slice %arg7[%dma_start3A_377] : memref<100000xf32, #tpu.memory_space<vmem>> -> memref<512xf32, #tpu.memory_space<vmem>>
        %dma_start3A_379 = tpu.memref_slice %arg13[%run_scoped3A_306, %sub3A_305] : memref<16x4096xf32, #tpu.memory_space<vmem_shared>> -> memref<1x512xf32, #tpu.memory_space<vmem_shared>>
        %dma_start3A_380 = tpu.memref_squeeze %dma_start3A_379 : memref<1x512xf32, #tpu.memory_space<vmem_shared>> -> memref<512xf32, #tpu.memory_space<vmem_shared>>
        tpu.enqueue_dma source(%dma_start3A_380 : memref<512xf32, #tpu.memory_space<vmem_shared>>) target(%dma_start3A_378 : memref<512xf32, #tpu.memory_space<vmem>>) target_semaphore(%run_scoped3A_372 : memref<!tpu.dma_semaphore, #tpu.memory_space<semaphore_mem>>)
        %dma_wait3A_381 = arith.constant 1024 : i32
        %dma_wait3A_382 = tpu.memref_slice %arg7[%dma_wait3A_381] : memref<100000xf32, #tpu.memory_space<vmem>> -> memref<512xf32, #tpu.memory_space<vmem>>
        %dma_wait3A_383 = tpu.memref_slice %arg13[%run_scoped3A_306, %sub3A_305] : memref<16x4096xf32, #tpu.memory_space<vmem_shared>> -> memref<1x512xf32, #tpu.memory_space<vmem_shared>>
        %dma_wait3A_384 = tpu.memref_squeeze %dma_wait3A_383 : memref<1x512xf32, #tpu.memory_space<vmem_shared>> -> memref<512xf32, #tpu.memory_space<vmem_shared>>
        %dma_wait3A_385 = arith.constant 1024 : i32
        %dma_wait3A_386 = tpu.memref_slice %arg7[%dma_wait3A_385] : memref<100000xf32, #tpu.memory_space<vmem>> -> memref<512xf32, #tpu.memory_space<vmem>>
        %dma_wait3A_387 = tpu.memref_slice %arg13[%run_scoped3A_306, %sub3A_305] : memref<16x4096xf32, #tpu.memory_space<vmem_shared>> -> memref<1x512xf32, #tpu.memory_space<vmem_shared>>
        %dma_wait3A_388 = tpu.memref_squeeze %dma_wait3A_387 : memref<1x512xf32, #tpu.memory_space<vmem_shared>> -> memref<512xf32, #tpu.memory_space<vmem_shared>>
        tpu.wait_dma2 semaphore(%run_scoped3A_372 : memref<!tpu.dma_semaphore, #tpu.memory_space<semaphore_mem>>) src(%dma_wait3A_388 : memref<512xf32, #tpu.memory_space<vmem_shared>>) dst(%dma_wait3A_386 : memref<512xf32, #tpu.memory_space<vmem>>)
        tpu.yield
      }) : () -> ()
      %mul3A_307 = arith.constant 512 : i32
      %mul3A_308 = arith.muli %arg1, %mul3A_307 : i32
      %sub3A_309 = arith.constant 0 : i32
      %sub3A_310 = arith.subi %mul3A_308, %sub3A_309 : i32
      %run_scoped3A_311 = arith.constant 3 : i32
      "tpu.region"() ({
        %run_scoped3A_372 = tpu.sem_alloc : memref<!tpu.dma_semaphore, #tpu.memory_space<semaphore_mem>>
        %dma_start3A_373 = arith.constant 1536 : i32
        %dma_start3A_374 = tpu.memref_slice %arg7[%dma_start3A_373] : memref<100000xf32, #tpu.memory_space<vmem>> -> memref<512xf32, #tpu.memory_space<vmem>>
        %dma_start3A_375 = tpu.memref_slice %arg13[%run_scoped3A_311, %sub3A_310] : memref<16x4096xf32, #tpu.memory_space<vmem_shared>> -> memref<1x512xf32, #tpu.memory_space<vmem_shared>>
        %dma_start3A_376 = tpu.memref_squeeze %dma_start3A_375 : memref<1x512xf32, #tpu.memory_space<vmem_shared>> -> memref<512xf32, #tpu.memory_space<vmem_shared>>
        %dma_start3A_377 = arith.constant 1536 : i32
        %dma_start3A_378 = tpu.memref_slice %arg7[%dma_start3A_377] : memref<100000xf32, #tpu.memory_space<vmem>> -> memref<512xf32, #tpu.memory_space<vmem>>
        %dma_start3A_379 = tpu.memref_slice %arg13[%run_scoped3A_311, %sub3A_310] : memref<16x4096xf32, #tpu.memory_space<vmem_shared>> -> memref<1x512xf32, #tpu.memory_space<vmem_shared>>
        %dma_start3A_380 = tpu.memref_squeeze %dma_start3A_379 : memref<1x512xf32, #tpu.memory_space<vmem_shared>> -> memref<512xf32, #tpu.memory_space<vmem_shared>>
        tpu.enqueue_dma source(%dma_start3A_380 : memref<512xf32, #tpu.memory_space<vmem_shared>>) target(%dma_start3A_378 : memref<512xf32, #tpu.memory_space<vmem>>) target_semaphore(%run_scoped3A_372 : memref<!tpu.dma_semaphore, #tpu.memory_space<semaphore_mem>>)
        %dma_wait3A_381 = arith.constant 1536 : i32
        %dma_wait3A_382 = tpu.memref_slice %arg7[%dma_wait3A_381] : memref<100000xf32, #tpu.memory_space<vmem>> -> memref<512xf32, #tpu.memory_space<vmem>>
        %dma_wait3A_383 = tpu.memref_slice %arg13[%run_scoped3A_311, %sub3A_310] : memref<16x4096xf32, #tpu.memory_space<vmem_shared>> -> memref<1x512xf32, #tpu.memory_space<vmem_shared>>
        %dma_wait3A_384 = tpu.memref_squeeze %dma_wait3A_383 : memref<1x512xf32, #tpu.memory_space<vmem_shared>> -> memref<512xf32, #tpu.memory_space<vmem_shared>>
        %dma_wait3A_385 = arith.constant 1536 : i32
        %dma_wait3A_386 = tpu.memref_slice %arg7[%dma_wait3A_385] : memref<100000xf32, #tpu.memory_space<vmem>> -> memref<512xf32, #tpu.memory_space<vmem>>
        %dma_wait3A_387 = tpu.memref_slice %arg13[%run_scoped3A_311, %sub3A_310] : memref<16x4096xf32, #tpu.memory_space<vmem_shared>> -> memref<1x512xf32, #tpu.memory_space<vmem_shared>>
        %dma_wait3A_388 = tpu.memref_squeeze %dma_wait3A_387 : memref<1x512xf32, #tpu.memory_space<vmem_shared>> -> memref<512xf32, #tpu.memory_space<vmem_shared>>
        tpu.wait_dma2 semaphore(%run_scoped3A_372 : memref<!tpu.dma_semaphore, #tpu.memory_space<semaphore_mem>>) src(%dma_wait3A_388 : memref<512xf32, #tpu.memory_space<vmem_shared>>) dst(%dma_wait3A_386 : memref<512xf32, #tpu.memory_space<vmem>>)
        tpu.yield
      }) : () -> ()
      %mul3A_312 = arith.constant 512 : i32
      %mul3A_313 = arith.muli %arg1, %mul3A_312 : i32
      %sub3A_314 = arith.constant 0 : i32
      %sub3A_315 = arith.subi %mul3A_313, %sub3A_314 : i32
      %run_scoped3A_316 = arith.constant 4 : i32
      "tpu.region"() ({
        %run_scoped3A_372 = tpu.sem_alloc : memref<!tpu.dma_semaphore, #tpu.memory_space<semaphore_mem>>
        %dma_start3A_373 = arith.constant 2048 : i32
        %dma_start3A_374 = tpu.memref_slice %arg7[%dma_start3A_373] : memref<100000xf32, #tpu.memory_space<vmem>> -> memref<512xf32, #tpu.memory_space<vmem>>
        %dma_start3A_375 = tpu.memref_slice %arg13[%run_scoped3A_316, %sub3A_315] : memref<16x4096xf32, #tpu.memory_space<vmem_shared>> -> memref<1x512xf32, #tpu.memory_space<vmem_shared>>
        %dma_start3A_376 = tpu.memref_squeeze %dma_start3A_375 : memref<1x512xf32, #tpu.memory_space<vmem_shared>> -> memref<512xf32, #tpu.memory_space<vmem_shared>>
        %dma_start3A_377 = arith.constant 2048 : i32
        %dma_start3A_378 = tpu.memref_slice %arg7[%dma_start3A_377] : memref<100000xf32, #tpu.memory_space<vmem>> -> memref<512xf32, #tpu.memory_space<vmem>>
        %dma_start3A_379 = tpu.memref_slice %arg13[%run_scoped3A_316, %sub3A_315] : memref<16x4096xf32, #tpu.memory_space<vmem_shared>> -> memref<1x512xf32, #tpu.memory_space<vmem_shared>>
        %dma_start3A_380 = tpu.memref_squeeze %dma_start3A_379 : memref<1x512xf32, #tpu.memory_space<vmem_shared>> -> memref<512xf32, #tpu.memory_space<vmem_shared>>
        tpu.enqueue_dma source(%dma_start3A_380 : memref<512xf32, #tpu.memory_space<vmem_shared>>) target(%dma_start3A_378 : memref<512xf32, #tpu.memory_space<vmem>>) target_semaphore(%run_scoped3A_372 : memref<!tpu.dma_semaphore, #tpu.memory_space<semaphore_mem>>)
        %dma_wait3A_381 = arith.constant 2048 : i32
        %dma_wait3A_382 = tpu.memref_slice %arg7[%dma_wait3A_381] : memref<100000xf32, #tpu.memory_space<vmem>> -> memref<512xf32, #tpu.memory_space<vmem>>
        %dma_wait3A_383 = tpu.memref_slice %arg13[%run_scoped3A_316, %sub3A_315] : memref<16x4096xf32, #tpu.memory_space<vmem_shared>> -> memref<1x512xf32, #tpu.memory_space<vmem_shared>>
        %dma_wait3A_384 = tpu.memref_squeeze %dma_wait3A_383 : memref<1x512xf32, #tpu.memory_space<vmem_shared>> -> memref<512xf32, #tpu.memory_space<vmem_shared>>
        %dma_wait3A_385 = arith.constant 2048 : i32
        %dma_wait3A_386 = tpu.memref_slice %arg7[%dma_wait3A_385] : memref<100000xf32, #tpu.memory_space<vmem>> -> memref<512xf32, #tpu.memory_space<vmem>>
        %dma_wait3A_387 = tpu.memref_slice %arg13[%run_scoped3A_316, %sub3A_315] : memref<16x4096xf32, #tpu.memory_space<vmem_shared>> -> memref<1x512xf32, #tpu.memory_space<vmem_shared>>
        %dma_wait3A_388 = tpu.memref_squeeze %dma_wait3A_387 : memref<1x512xf32, #tpu.memory_space<vmem_shared>> -> memref<512xf32, #tpu.memory_space<vmem_shared>>
        tpu.wait_dma2 semaphore(%run_scoped3A_372 : memref<!tpu.dma_semaphore, #tpu.memory_space<semaphore_mem>>) src(%dma_wait3A_388 : memref<512xf32, #tpu.memory_space<vmem_shared>>) dst(%dma_wait3A_386 : memref<512xf32, #tpu.memory_space<vmem>>)
        tpu.yield
      }) : () -> ()
      %mul3A_317 = arith.constant 512 : i32
      %mul3A_318 = arith.muli %arg1, %mul3A_317 : i32
      %sub3A_319 = arith.constant 0 : i32
      %sub3A_320 = arith.subi %mul3A_318, %sub3A_319 : i32
      %run_scoped3A_321 = arith.constant 5 : i32
      "tpu.region"() ({
        %run_scoped3A_372 = tpu.sem_alloc : memref<!tpu.dma_semaphore, #tpu.memory_space<semaphore_mem>>
        %dma_start3A_373 = arith.constant 2560 : i32
        %dma_start3A_374 = tpu.memref_slice %arg7[%dma_start3A_373] : memref<100000xf32, #tpu.memory_space<vmem>> -> memref<512xf32, #tpu.memory_space<vmem>>
        %dma_start3A_375 = tpu.memref_slice %arg13[%run_scoped3A_321, %sub3A_320] : memref<16x4096xf32, #tpu.memory_space<vmem_shared>> -> memref<1x512xf32, #tpu.memory_space<vmem_shared>>
        %dma_start3A_376 = tpu.memref_squeeze %dma_start3A_375 : memref<1x512xf32, #tpu.memory_space<vmem_shared>> -> memref<512xf32, #tpu.memory_space<vmem_shared>>
        %dma_start3A_377 = arith.constant 2560 : i32
        %dma_start3A_378 = tpu.memref_slice %arg7[%dma_start3A_377] : memref<100000xf32, #tpu.memory_space<vmem>> -> memref<512xf32, #tpu.memory_space<vmem>>
        %dma_start3A_379 = tpu.memref_slice %arg13[%run_scoped3A_321, %sub3A_320] : memref<16x4096xf32, #tpu.memory_space<vmem_shared>> -> memref<1x512xf32, #tpu.memory_space<vmem_shared>>
        %dma_start3A_380 = tpu.memref_squeeze %dma_start3A_379 : memref<1x512xf32, #tpu.memory_space<vmem_shared>> -> memref<512xf32, #tpu.memory_space<vmem_shared>>
        tpu.enqueue_dma source(%dma_start3A_380 : memref<512xf32, #tpu.memory_space<vmem_shared>>) target(%dma_start3A_378 : memref<512xf32, #tpu.memory_space<vmem>>) target_semaphore(%run_scoped3A_372 : memref<!tpu.dma_semaphore, #tpu.memory_space<semaphore_mem>>)
        %dma_wait3A_381 = arith.constant 2560 : i32
        %dma_wait3A_382 = tpu.memref_slice %arg7[%dma_wait3A_381] : memref<100000xf32, #tpu.memory_space<vmem>> -> memref<512xf32, #tpu.memory_space<vmem>>
        %dma_wait3A_383 = tpu.memref_slice %arg13[%run_scoped3A_321, %sub3A_320] : memref<16x4096xf32, #tpu.memory_space<vmem_shared>> -> memref<1x512xf32, #tpu.memory_space<vmem_shared>>
        %dma_wait3A_384 = tpu.memref_squeeze %dma_wait3A_383 : memref<1x512xf32, #tpu.memory_space<vmem_shared>> -> memref<512xf32, #tpu.memory_space<vmem_shared>>
        %dma_wait3A_385 = arith.constant 2560 : i32
        %dma_wait3A_386 = tpu.memref_slice %arg7[%dma_wait3A_385] : memref<100000xf32, #tpu.memory_space<vmem>> -> memref<512xf32, #tpu.memory_space<vmem>>
        %dma_wait3A_387 = tpu.memref_slice %arg13[%run_scoped3A_321, %sub3A_320] : memref<16x4096xf32, #tpu.memory_space<vmem_shared>> -> memref<1x512xf32, #tpu.memory_space<vmem_shared>>
        %dma_wait3A_388 = tpu.memref_squeeze %dma_wait3A_387 : memref<1x512xf32, #tpu.memory_space<vmem_shared>> -> memref<512xf32, #tpu.memory_space<vmem_shared>>
        tpu.wait_dma2 semaphore(%run_scoped3A_372 : memref<!tpu.dma_semaphore, #tpu.memory_space<semaphore_mem>>) src(%dma_wait3A_388 : memref<512xf32, #tpu.memory_space<vmem_shared>>) dst(%dma_wait3A_386 : memref<512xf32, #tpu.memory_space<vmem>>)
        tpu.yield
      }) : () -> ()
      %mul3A_322 = arith.constant 512 : i32
      %mul3A_323 = arith.muli %arg1, %mul3A_322 : i32
      %sub3A_324 = arith.constant 0 : i32
      %sub3A_325 = arith.subi %mul3A_323, %sub3A_324 : i32
      %run_scoped3A_326 = arith.constant 6 : i32
      "tpu.region"() ({
        %run_scoped3A_372 = tpu.sem_alloc : memref<!tpu.dma_semaphore, #tpu.memory_space<semaphore_mem>>
        %dma_start3A_373 = arith.constant 3072 : i32
        %dma_start3A_374 = tpu.memref_slice %arg7[%dma_start3A_373] : memref<100000xf32, #tpu.memory_space<vmem>> -> memref<512xf32, #tpu.memory_space<vmem>>
        %dma_start3A_375 = tpu.memref_slice %arg13[%run_scoped3A_326, %sub3A_325] : memref<16x4096xf32, #tpu.memory_space<vmem_shared>> -> memref<1x512xf32, #tpu.memory_space<vmem_shared>>
        %dma_start3A_376 = tpu.memref_squeeze %dma_start3A_375 : memref<1x512xf32, #tpu.memory_space<vmem_shared>> -> memref<512xf32, #tpu.memory_space<vmem_shared>>
        %dma_start3A_377 = arith.constant 3072 : i32
        %dma_start3A_378 = tpu.memref_slice %arg7[%dma_start3A_377] : memref<100000xf32, #tpu.memory_space<vmem>> -> memref<512xf32, #tpu.memory_space<vmem>>
        %dma_start3A_379 = tpu.memref_slice %arg13[%run_scoped3A_326, %sub3A_325] : memref<16x4096xf32, #tpu.memory_space<vmem_shared>> -> memref<1x512xf32, #tpu.memory_space<vmem_shared>>
        %dma_start3A_380 = tpu.memref_squeeze %dma_start3A_379 : memref<1x512xf32, #tpu.memory_space<vmem_shared>> -> memref<512xf32, #tpu.memory_space<vmem_shared>>
        tpu.enqueue_dma source(%dma_start3A_380 : memref<512xf32, #tpu.memory_space<vmem_shared>>) target(%dma_start3A_378 : memref<512xf32, #tpu.memory_space<vmem>>) target_semaphore(%run_scoped3A_372 : memref<!tpu.dma_semaphore, #tpu.memory_space<semaphore_mem>>)
        %dma_wait3A_381 = arith.constant 3072 : i32
        %dma_wait3A_382 = tpu.memref_slice %arg7[%dma_wait3A_381] : memref<100000xf32, #tpu.memory_space<vmem>> -> memref<512xf32, #tpu.memory_space<vmem>>
        %dma_wait3A_383 = tpu.memref_slice %arg13[%run_scoped3A_326, %sub3A_325] : memref<16x4096xf32, #tpu.memory_space<vmem_shared>> -> memref<1x512xf32, #tpu.memory_space<vmem_shared>>
        %dma_wait3A_384 = tpu.memref_squeeze %dma_wait3A_383 : memref<1x512xf32, #tpu.memory_space<vmem_shared>> -> memref<512xf32, #tpu.memory_space<vmem_shared>>
        %dma_wait3A_385 = arith.constant 3072 : i32
        %dma_wait3A_386 = tpu.memref_slice %arg7[%dma_wait3A_385] : memref<100000xf32, #tpu.memory_space<vmem>> -> memref<512xf32, #tpu.memory_space<vmem>>
        %dma_wait3A_387 = tpu.memref_slice %arg13[%run_scoped3A_326, %sub3A_325] : memref<16x4096xf32, #tpu.memory_space<vmem_shared>> -> memref<1x512xf32, #tpu.memory_space<vmem_shared>>
        %dma_wait3A_388 = tpu.memref_squeeze %dma_wait3A_387 : memref<1x512xf32, #tpu.memory_space<vmem_shared>> -> memref<512xf32, #tpu.memory_space<vmem_shared>>
        tpu.wait_dma2 semaphore(%run_scoped3A_372 : memref<!tpu.dma_semaphore, #tpu.memory_space<semaphore_mem>>) src(%dma_wait3A_388 : memref<512xf32, #tpu.memory_space<vmem_shared>>) dst(%dma_wait3A_386 : memref<512xf32, #tpu.memory_space<vmem>>)
        tpu.yield
      }) : () -> ()
      %mul3A_327 = arith.constant 512 : i32
      %mul3A_328 = arith.muli %arg1, %mul3A_327 : i32
      %sub3A_329 = arith.constant 0 : i32
      %sub3A_330 = arith.subi %mul3A_328, %sub3A_329 : i32
      %run_scoped3A_331 = arith.constant 7 : i32
      "tpu.region"() ({
        %run_scoped3A_372 = tpu.sem_alloc : memref<!tpu.dma_semaphore, #tpu.memory_space<semaphore_mem>>
        %dma_start3A_373 = arith.constant 3584 : i32
        %dma_start3A_374 = tpu.memref_slice %arg7[%dma_start3A_373] : memref<100000xf32, #tpu.memory_space<vmem>> -> memref<512xf32, #tpu.memory_space<vmem>>
        %dma_start3A_375 = tpu.memref_slice %arg13[%run_scoped3A_331, %sub3A_330] : memref<16x4096xf32, #tpu.memory_space<vmem_shared>> -> memref<1x512xf32, #tpu.memory_space<vmem_shared>>
        %dma_start3A_376 = tpu.memref_squeeze %dma_start3A_375 : memref<1x512xf32, #tpu.memory_space<vmem_shared>> -> memref<512xf32, #tpu.memory_space<vmem_shared>>
        %dma_start3A_377 = arith.constant 3584 : i32
        %dma_start3A_378 = tpu.memref_slice %arg7[%dma_start3A_377] : memref<100000xf32, #tpu.memory_space<vmem>> -> memref<512xf32, #tpu.memory_space<vmem>>
        %dma_start3A_379 = tpu.memref_slice %arg13[%run_scoped3A_331, %sub3A_330] : memref<16x4096xf32, #tpu.memory_space<vmem_shared>> -> memref<1x512xf32, #tpu.memory_space<vmem_shared>>
        %dma_start3A_380 = tpu.memref_squeeze %dma_start3A_379 : memref<1x512xf32, #tpu.memory_space<vmem_shared>> -> memref<512xf32, #tpu.memory_space<vmem_shared>>
        tpu.enqueue_dma source(%dma_start3A_380 : memref<512xf32, #tpu.memory_space<vmem_shared>>) target(%dma_start3A_378 : memref<512xf32, #tpu.memory_space<vmem>>) target_semaphore(%run_scoped3A_372 : memref<!tpu.dma_semaphore, #tpu.memory_space<semaphore_mem>>)
        %dma_wait3A_381 = arith.constant 3584 : i32
        %dma_wait3A_382 = tpu.memref_slice %arg7[%dma_wait3A_381] : memref<100000xf32, #tpu.memory_space<vmem>> -> memref<512xf32, #tpu.memory_space<vmem>>
        %dma_wait3A_383 = tpu.memref_slice %arg13[%run_scoped3A_331, %sub3A_330] : memref<16x4096xf32, #tpu.memory_space<vmem_shared>> -> memref<1x512xf32, #tpu.memory_space<vmem_shared>>
        %dma_wait3A_384 = tpu.memref_squeeze %dma_wait3A_383 : memref<1x512xf32, #tpu.memory_space<vmem_shared>> -> memref<512xf32, #tpu.memory_space<vmem_shared>>
        %dma_wait3A_385 = arith.constant 3584 : i32
        %dma_wait3A_386 = tpu.memref_slice %arg7[%dma_wait3A_385] : memref<100000xf32, #tpu.memory_space<vmem>> -> memref<512xf32, #tpu.memory_space<vmem>>
        %dma_wait3A_387 = tpu.memref_slice %arg13[%run_scoped3A_331, %sub3A_330] : memref<16x4096xf32, #tpu.memory_space<vmem_shared>> -> memref<1x512xf32, #tpu.memory_space<vmem_shared>>
        %dma_wait3A_388 = tpu.memref_squeeze %dma_wait3A_387 : memref<1x512xf32, #tpu.memory_space<vmem_shared>> -> memref<512xf32, #tpu.memory_space<vmem_shared>>
        tpu.wait_dma2 semaphore(%run_scoped3A_372 : memref<!tpu.dma_semaphore, #tpu.memory_space<semaphore_mem>>) src(%dma_wait3A_388 : memref<512xf32, #tpu.memory_space<vmem_shared>>) dst(%dma_wait3A_386 : memref<512xf32, #tpu.memory_space<vmem>>)
        tpu.yield
      }) : () -> ()
      %mul3A_332 = arith.constant 512 : i32
      %mul3A_333 = arith.muli %arg1, %mul3A_332 : i32
      %sub3A_334 = arith.constant 0 : i32
      %sub3A_335 = arith.subi %mul3A_333, %sub3A_334 : i32
      %run_scoped3A_336 = arith.constant 8 : i32
      "tpu.region"() ({
        %run_scoped3A_372 = tpu.sem_alloc : memref<!tpu.dma_semaphore, #tpu.memory_space<semaphore_mem>>
        %dma_start3A_373 = arith.constant 4096 : i32
        %dma_start3A_374 = tpu.memref_slice %arg7[%dma_start3A_373] : memref<100000xf32, #tpu.memory_space<vmem>> -> memref<512xf32, #tpu.memory_space<vmem>>
        %dma_start3A_375 = tpu.memref_slice %arg13[%run_scoped3A_336, %sub3A_335] : memref<16x4096xf32, #tpu.memory_space<vmem_shared>> -> memref<1x512xf32, #tpu.memory_space<vmem_shared>>
        %dma_start3A_376 = tpu.memref_squeeze %dma_start3A_375 : memref<1x512xf32, #tpu.memory_space<vmem_shared>> -> memref<512xf32, #tpu.memory_space<vmem_shared>>
        %dma_start3A_377 = arith.constant 4096 : i32
        %dma_start3A_378 = tpu.memref_slice %arg7[%dma_start3A_377] : memref<100000xf32, #tpu.memory_space<vmem>> -> memref<512xf32, #tpu.memory_space<vmem>>
        %dma_start3A_379 = tpu.memref_slice %arg13[%run_scoped3A_336, %sub3A_335] : memref<16x4096xf32, #tpu.memory_space<vmem_shared>> -> memref<1x512xf32, #tpu.memory_space<vmem_shared>>
        %dma_start3A_380 = tpu.memref_squeeze %dma_start3A_379 : memref<1x512xf32, #tpu.memory_space<vmem_shared>> -> memref<512xf32, #tpu.memory_space<vmem_shared>>
        tpu.enqueue_dma source(%dma_start3A_380 : memref<512xf32, #tpu.memory_space<vmem_shared>>) target(%dma_start3A_378 : memref<512xf32, #tpu.memory_space<vmem>>) target_semaphore(%run_scoped3A_372 : memref<!tpu.dma_semaphore, #tpu.memory_space<semaphore_mem>>)
        %dma_wait3A_381 = arith.constant 4096 : i32
        %dma_wait3A_382 = tpu.memref_slice %arg7[%dma_wait3A_381] : memref<100000xf32, #tpu.memory_space<vmem>> -> memref<512xf32, #tpu.memory_space<vmem>>
        %dma_wait3A_383 = tpu.memref_slice %arg13[%run_scoped3A_336, %sub3A_335] : memref<16x4096xf32, #tpu.memory_space<vmem_shared>> -> memref<1x512xf32, #tpu.memory_space<vmem_shared>>
        %dma_wait3A_384 = tpu.memref_squeeze %dma_wait3A_383 : memref<1x512xf32, #tpu.memory_space<vmem_shared>> -> memref<512xf32, #tpu.memory_space<vmem_shared>>
        %dma_wait3A_385 = arith.constant 4096 : i32
        %dma_wait3A_386 = tpu.memref_slice %arg7[%dma_wait3A_385] : memref<100000xf32, #tpu.memory_space<vmem>> -> memref<512xf32, #tpu.memory_space<vmem>>
        %dma_wait3A_387 = tpu.memref_slice %arg13[%run_scoped3A_336, %sub3A_335] : memref<16x4096xf32, #tpu.memory_space<vmem_shared>> -> memref<1x512xf32, #tpu.memory_space<vmem_shared>>
        %dma_wait3A_388 = tpu.memref_squeeze %dma_wait3A_387 : memref<1x512xf32, #tpu.memory_space<vmem_shared>> -> memref<512xf32, #tpu.memory_space<vmem_shared>>
        tpu.wait_dma2 semaphore(%run_scoped3A_372 : memref<!tpu.dma_semaphore, #tpu.memory_space<semaphore_mem>>) src(%dma_wait3A_388 : memref<512xf32, #tpu.memory_space<vmem_shared>>) dst(%dma_wait3A_386 : memref<512xf32, #tpu.memory_space<vmem>>)
        tpu.yield
      }) : () -> ()
      %mul3A_337 = arith.constant 512 : i32
      %mul3A_338 = arith.muli %arg1, %mul3A_337 : i32
      %sub3A_339 = arith.constant 0 : i32
      %sub3A_340 = arith.subi %mul3A_338, %sub3A_339 : i32
      %run_scoped3A_341 = arith.constant 9 : i32
      "tpu.region"() ({
        %run_scoped3A_372 = tpu.sem_alloc : memref<!tpu.dma_semaphore, #tpu.memory_space<semaphore_mem>>
        %dma_start3A_373 = arith.constant 4608 : i32
        %dma_start3A_374 = tpu.memref_slice %arg7[%dma_start3A_373] : memref<100000xf32, #tpu.memory_space<vmem>> -> memref<512xf32, #tpu.memory_space<vmem>>
        %dma_start3A_375 = tpu.memref_slice %arg13[%run_scoped3A_341, %sub3A_340] : memref<16x4096xf32, #tpu.memory_space<vmem_shared>> -> memref<1x512xf32, #tpu.memory_space<vmem_shared>>
        %dma_start3A_376 = tpu.memref_squeeze %dma_start3A_375 : memref<1x512xf32, #tpu.memory_space<vmem_shared>> -> memref<512xf32, #tpu.memory_space<vmem_shared>>
        %dma_start3A_377 = arith.constant 4608 : i32
        %dma_start3A_378 = tpu.memref_slice %arg7[%dma_start3A_377] : memref<100000xf32, #tpu.memory_space<vmem>> -> memref<512xf32, #tpu.memory_space<vmem>>
        %dma_start3A_379 = tpu.memref_slice %arg13[%run_scoped3A_341, %sub3A_340] : memref<16x4096xf32, #tpu.memory_space<vmem_shared>> -> memref<1x512xf32, #tpu.memory_space<vmem_shared>>
        %dma_start3A_380 = tpu.memref_squeeze %dma_start3A_379 : memref<1x512xf32, #tpu.memory_space<vmem_shared>> -> memref<512xf32, #tpu.memory_space<vmem_shared>>
        tpu.enqueue_dma source(%dma_start3A_380 : memref<512xf32, #tpu.memory_space<vmem_shared>>) target(%dma_start3A_378 : memref<512xf32, #tpu.memory_space<vmem>>) target_semaphore(%run_scoped3A_372 : memref<!tpu.dma_semaphore, #tpu.memory_space<semaphore_mem>>)
        %dma_wait3A_381 = arith.constant 4608 : i32
        %dma_wait3A_382 = tpu.memref_slice %arg7[%dma_wait3A_381] : memref<100000xf32, #tpu.memory_space<vmem>> -> memref<512xf32, #tpu.memory_space<vmem>>
        %dma_wait3A_383 = tpu.memref_slice %arg13[%run_scoped3A_341, %sub3A_340] : memref<16x4096xf32, #tpu.memory_space<vmem_shared>> -> memref<1x512xf32, #tpu.memory_space<vmem_shared>>
        %dma_wait3A_384 = tpu.memref_squeeze %dma_wait3A_383 : memref<1x512xf32, #tpu.memory_space<vmem_shared>> -> memref<512xf32, #tpu.memory_space<vmem_shared>>
        %dma_wait3A_385 = arith.constant 4608 : i32
        %dma_wait3A_386 = tpu.memref_slice %arg7[%dma_wait3A_385] : memref<100000xf32, #tpu.memory_space<vmem>> -> memref<512xf32, #tpu.memory_space<vmem>>
        %dma_wait3A_387 = tpu.memref_slice %arg13[%run_scoped3A_341, %sub3A_340] : memref<16x4096xf32, #tpu.memory_space<vmem_shared>> -> memref<1x512xf32, #tpu.memory_space<vmem_shared>>
        %dma_wait3A_388 = tpu.memref_squeeze %dma_wait3A_387 : memref<1x512xf32, #tpu.memory_space<vmem_shared>> -> memref<512xf32, #tpu.memory_space<vmem_shared>>
        tpu.wait_dma2 semaphore(%run_scoped3A_372 : memref<!tpu.dma_semaphore, #tpu.memory_space<semaphore_mem>>) src(%dma_wait3A_388 : memref<512xf32, #tpu.memory_space<vmem_shared>>) dst(%dma_wait3A_386 : memref<512xf32, #tpu.memory_space<vmem>>)
        tpu.yield
      }) : () -> ()
      %mul3A_342 = arith.constant 512 : i32
      %mul3A_343 = arith.muli %arg1, %mul3A_342 : i32
      %sub3A_344 = arith.constant 0 : i32
      %sub3A_345 = arith.subi %mul3A_343, %sub3A_344 : i32
      %run_scoped3A_346 = arith.constant 10 : i32
      "tpu.region"() ({
        %run_scoped3A_372 = tpu.sem_alloc : memref<!tpu.dma_semaphore, #tpu.memory_space<semaphore_mem>>
        %dma_start3A_373 = arith.constant 5120 : i32
        %dma_start3A_374 = tpu.memref_slice %arg7[%dma_start3A_373] : memref<100000xf32, #tpu.memory_space<vmem>> -> memref<512xf32, #tpu.memory_space<vmem>>
        %dma_start3A_375 = tpu.memref_slice %arg13[%run_scoped3A_346, %sub3A_345] : memref<16x4096xf32, #tpu.memory_space<vmem_shared>> -> memref<1x512xf32, #tpu.memory_space<vmem_shared>>
        %dma_start3A_376 = tpu.memref_squeeze %dma_start3A_375 : memref<1x512xf32, #tpu.memory_space<vmem_shared>> -> memref<512xf32, #tpu.memory_space<vmem_shared>>
        %dma_start3A_377 = arith.constant 5120 : i32
        %dma_start3A_378 = tpu.memref_slice %arg7[%dma_start3A_377] : memref<100000xf32, #tpu.memory_space<vmem>> -> memref<512xf32, #tpu.memory_space<vmem>>
        %dma_start3A_379 = tpu.memref_slice %arg13[%run_scoped3A_346, %sub3A_345] : memref<16x4096xf32, #tpu.memory_space<vmem_shared>> -> memref<1x512xf32, #tpu.memory_space<vmem_shared>>
        %dma_start3A_380 = tpu.memref_squeeze %dma_start3A_379 : memref<1x512xf32, #tpu.memory_space<vmem_shared>> -> memref<512xf32, #tpu.memory_space<vmem_shared>>
        tpu.enqueue_dma source(%dma_start3A_380 : memref<512xf32, #tpu.memory_space<vmem_shared>>) target(%dma_start3A_378 : memref<512xf32, #tpu.memory_space<vmem>>) target_semaphore(%run_scoped3A_372 : memref<!tpu.dma_semaphore, #tpu.memory_space<semaphore_mem>>)
        %dma_wait3A_381 = arith.constant 5120 : i32
        %dma_wait3A_382 = tpu.memref_slice %arg7[%dma_wait3A_381] : memref<100000xf32, #tpu.memory_space<vmem>> -> memref<512xf32, #tpu.memory_space<vmem>>
        %dma_wait3A_383 = tpu.memref_slice %arg13[%run_scoped3A_346, %sub3A_345] : memref<16x4096xf32, #tpu.memory_space<vmem_shared>> -> memref<1x512xf32, #tpu.memory_space<vmem_shared>>
        %dma_wait3A_384 = tpu.memref_squeeze %dma_wait3A_383 : memref<1x512xf32, #tpu.memory_space<vmem_shared>> -> memref<512xf32, #tpu.memory_space<vmem_shared>>
        %dma_wait3A_385 = arith.constant 5120 : i32
        %dma_wait3A_386 = tpu.memref_slice %arg7[%dma_wait3A_385] : memref<100000xf32, #tpu.memory_space<vmem>> -> memref<512xf32, #tpu.memory_space<vmem>>
        %dma_wait3A_387 = tpu.memref_slice %arg13[%run_scoped3A_346, %sub3A_345] : memref<16x4096xf32, #tpu.memory_space<vmem_shared>> -> memref<1x512xf32, #tpu.memory_space<vmem_shared>>
        %dma_wait3A_388 = tpu.memref_squeeze %dma_wait3A_387 : memref<1x512xf32, #tpu.memory_space<vmem_shared>> -> memref<512xf32, #tpu.memory_space<vmem_shared>>
        tpu.wait_dma2 semaphore(%run_scoped3A_372 : memref<!tpu.dma_semaphore, #tpu.memory_space<semaphore_mem>>) src(%dma_wait3A_388 : memref<512xf32, #tpu.memory_space<vmem_shared>>) dst(%dma_wait3A_386 : memref<512xf32, #tpu.memory_space<vmem>>)
        tpu.yield
      }) : () -> ()
      %mul3A_347 = arith.constant 512 : i32
      %mul3A_348 = arith.muli %arg1, %mul3A_347 : i32
      %sub3A_349 = arith.constant 0 : i32
      %sub3A_350 = arith.subi %mul3A_348, %sub3A_349 : i32
      %run_scoped3A_351 = arith.constant 11 : i32
      "tpu.region"() ({
        %run_scoped3A_372 = tpu.sem_alloc : memref<!tpu.dma_semaphore, #tpu.memory_space<semaphore_mem>>
        %dma_start3A_373 = arith.constant 5632 : i32
        %dma_start3A_374 = tpu.memref_slice %arg7[%dma_start3A_373] : memref<100000xf32, #tpu.memory_space<vmem>> -> memref<512xf32, #tpu.memory_space<vmem>>
        %dma_start3A_375 = tpu.memref_slice %arg13[%run_scoped3A_351, %sub3A_350] : memref<16x4096xf32, #tpu.memory_space<vmem_shared>> -> memref<1x512xf32, #tpu.memory_space<vmem_shared>>
        %dma_start3A_376 = tpu.memref_squeeze %dma_start3A_375 : memref<1x512xf32, #tpu.memory_space<vmem_shared>> -> memref<512xf32, #tpu.memory_space<vmem_shared>>
        %dma_start3A_377 = arith.constant 5632 : i32
        %dma_start3A_378 = tpu.memref_slice %arg7[%dma_start3A_377] : memref<100000xf32, #tpu.memory_space<vmem>> -> memref<512xf32, #tpu.memory_space<vmem>>
        %dma_start3A_379 = tpu.memref_slice %arg13[%run_scoped3A_351, %sub3A_350] : memref<16x4096xf32, #tpu.memory_space<vmem_shared>> -> memref<1x512xf32, #tpu.memory_space<vmem_shared>>
        %dma_start3A_380 = tpu.memref_squeeze %dma_start3A_379 : memref<1x512xf32, #tpu.memory_space<vmem_shared>> -> memref<512xf32, #tpu.memory_space<vmem_shared>>
        tpu.enqueue_dma source(%dma_start3A_380 : memref<512xf32, #tpu.memory_space<vmem_shared>>) target(%dma_start3A_378 : memref<512xf32, #tpu.memory_space<vmem>>) target_semaphore(%run_scoped3A_372 : memref<!tpu.dma_semaphore, #tpu.memory_space<semaphore_mem>>)
        %dma_wait3A_381 = arith.constant 5632 : i32
        %dma_wait3A_382 = tpu.memref_slice %arg7[%dma_wait3A_381] : memref<100000xf32, #tpu.memory_space<vmem>> -> memref<512xf32, #tpu.memory_space<vmem>>
        %dma_wait3A_383 = tpu.memref_slice %arg13[%run_scoped3A_351, %sub3A_350] : memref<16x4096xf32, #tpu.memory_space<vmem_shared>> -> memref<1x512xf32, #tpu.memory_space<vmem_shared>>
        %dma_wait3A_384 = tpu.memref_squeeze %dma_wait3A_383 : memref<1x512xf32, #tpu.memory_space<vmem_shared>> -> memref<512xf32, #tpu.memory_space<vmem_shared>>
        %dma_wait3A_385 = arith.constant 5632 : i32
        %dma_wait3A_386 = tpu.memref_slice %arg7[%dma_wait3A_385] : memref<100000xf32, #tpu.memory_space<vmem>> -> memref<512xf32, #tpu.memory_space<vmem>>
        %dma_wait3A_387 = tpu.memref_slice %arg13[%run_scoped3A_351, %sub3A_350] : memref<16x4096xf32, #tpu.memory_space<vmem_shared>> -> memref<1x512xf32, #tpu.memory_space<vmem_shared>>
        %dma_wait3A_388 = tpu.memref_squeeze %dma_wait3A_387 : memref<1x512xf32, #tpu.memory_space<vmem_shared>> -> memref<512xf32, #tpu.memory_space<vmem_shared>>
        tpu.wait_dma2 semaphore(%run_scoped3A_372 : memref<!tpu.dma_semaphore, #tpu.memory_space<semaphore_mem>>) src(%dma_wait3A_388 : memref<512xf32, #tpu.memory_space<vmem_shared>>) dst(%dma_wait3A_386 : memref<512xf32, #tpu.memory_space<vmem>>)
        tpu.yield
      }) : () -> ()
      %mul3A_352 = arith.constant 512 : i32
      %mul3A_353 = arith.muli %arg1, %mul3A_352 : i32
      %sub3A_354 = arith.constant 0 : i32
      %sub3A_355 = arith.subi %mul3A_353, %sub3A_354 : i32
      %run_scoped3A_356 = arith.constant 12 : i32
      "tpu.region"() ({
        %run_scoped3A_372 = tpu.sem_alloc : memref<!tpu.dma_semaphore, #tpu.memory_space<semaphore_mem>>
        %dma_start3A_373 = arith.constant 6144 : i32
        %dma_start3A_374 = tpu.memref_slice %arg7[%dma_start3A_373] : memref<100000xf32, #tpu.memory_space<vmem>> -> memref<512xf32, #tpu.memory_space<vmem>>
        %dma_start3A_375 = tpu.memref_slice %arg13[%run_scoped3A_356, %sub3A_355] : memref<16x4096xf32, #tpu.memory_space<vmem_shared>> -> memref<1x512xf32, #tpu.memory_space<vmem_shared>>
        %dma_start3A_376 = tpu.memref_squeeze %dma_start3A_375 : memref<1x512xf32, #tpu.memory_space<vmem_shared>> -> memref<512xf32, #tpu.memory_space<vmem_shared>>
        %dma_start3A_377 = arith.constant 6144 : i32
        %dma_start3A_378 = tpu.memref_slice %arg7[%dma_start3A_377] : memref<100000xf32, #tpu.memory_space<vmem>> -> memref<512xf32, #tpu.memory_space<vmem>>
        %dma_start3A_379 = tpu.memref_slice %arg13[%run_scoped3A_356, %sub3A_355] : memref<16x4096xf32, #tpu.memory_space<vmem_shared>> -> memref<1x512xf32, #tpu.memory_space<vmem_shared>>
        %dma_start3A_380 = tpu.memref_squeeze %dma_start3A_379 : memref<1x512xf32, #tpu.memory_space<vmem_shared>> -> memref<512xf32, #tpu.memory_space<vmem_shared>>
        tpu.enqueue_dma source(%dma_start3A_380 : memref<512xf32, #tpu.memory_space<vmem_shared>>) target(%dma_start3A_378 : memref<512xf32, #tpu.memory_space<vmem>>) target_semaphore(%run_scoped3A_372 : memref<!tpu.dma_semaphore, #tpu.memory_space<semaphore_mem>>)
        %dma_wait3A_381 = arith.constant 6144 : i32
        %dma_wait3A_382 = tpu.memref_slice %arg7[%dma_wait3A_381] : memref<100000xf32, #tpu.memory_space<vmem>> -> memref<512xf32, #tpu.memory_space<vmem>>
        %dma_wait3A_383 = tpu.memref_slice %arg13[%run_scoped3A_356, %sub3A_355] : memref<16x4096xf32, #tpu.memory_space<vmem_shared>> -> memref<1x512xf32, #tpu.memory_space<vmem_shared>>
        %dma_wait3A_384 = tpu.memref_squeeze %dma_wait3A_383 : memref<1x512xf32, #tpu.memory_space<vmem_shared>> -> memref<512xf32, #tpu.memory_space<vmem_shared>>
        %dma_wait3A_385 = arith.constant 6144 : i32
        %dma_wait3A_386 = tpu.memref_slice %arg7[%dma_wait3A_385] : memref<100000xf32, #tpu.memory_space<vmem>> -> memref<512xf32, #tpu.memory_space<vmem>>
        %dma_wait3A_387 = tpu.memref_slice %arg13[%run_scoped3A_356, %sub3A_355] : memref<16x4096xf32, #tpu.memory_space<vmem_shared>> -> memref<1x512xf32, #tpu.memory_space<vmem_shared>>
        %dma_wait3A_388 = tpu.memref_squeeze %dma_wait3A_387 : memref<1x512xf32, #tpu.memory_space<vmem_shared>> -> memref<512xf32, #tpu.memory_space<vmem_shared>>
        tpu.wait_dma2 semaphore(%run_scoped3A_372 : memref<!tpu.dma_semaphore, #tpu.memory_space<semaphore_mem>>) src(%dma_wait3A_388 : memref<512xf32, #tpu.memory_space<vmem_shared>>) dst(%dma_wait3A_386 : memref<512xf32, #tpu.memory_space<vmem>>)
        tpu.yield
      }) : () -> ()
      %mul3A_357 = arith.constant 512 : i32
      %mul3A_358 = arith.muli %arg1, %mul3A_357 : i32
      %sub3A_359 = arith.constant 0 : i32
      %sub3A_360 = arith.subi %mul3A_358, %sub3A_359 : i32
      %run_scoped3A_361 = arith.constant 13 : i32
      "tpu.region"() ({
        %run_scoped3A_372 = tpu.sem_alloc : memref<!tpu.dma_semaphore, #tpu.memory_space<semaphore_mem>>
        %dma_start3A_373 = arith.constant 6656 : i32
        %dma_start3A_374 = tpu.memref_slice %arg7[%dma_start3A_373] : memref<100000xf32, #tpu.memory_space<vmem>> -> memref<512xf32, #tpu.memory_space<vmem>>
        %dma_start3A_375 = tpu.memref_slice %arg13[%run_scoped3A_361, %sub3A_360] : memref<16x4096xf32, #tpu.memory_space<vmem_shared>> -> memref<1x512xf32, #tpu.memory_space<vmem_shared>>
        %dma_start3A_376 = tpu.memref_squeeze %dma_start3A_375 : memref<1x512xf32, #tpu.memory_space<vmem_shared>> -> memref<512xf32, #tpu.memory_space<vmem_shared>>
        %dma_start3A_377 = arith.constant 6656 : i32
        %dma_start3A_378 = tpu.memref_slice %arg7[%dma_start3A_377] : memref<100000xf32, #tpu.memory_space<vmem>> -> memref<512xf32, #tpu.memory_space<vmem>>
        %dma_start3A_379 = tpu.memref_slice %arg13[%run_scoped3A_361, %sub3A_360] : memref<16x4096xf32, #tpu.memory_space<vmem_shared>> -> memref<1x512xf32, #tpu.memory_space<vmem_shared>>
        %dma_start3A_380 = tpu.memref_squeeze %dma_start3A_379 : memref<1x512xf32, #tpu.memory_space<vmem_shared>> -> memref<512xf32, #tpu.memory_space<vmem_shared>>
        tpu.enqueue_dma source(%dma_start3A_380 : memref<512xf32, #tpu.memory_space<vmem_shared>>) target(%dma_start3A_378 : memref<512xf32, #tpu.memory_space<vmem>>) target_semaphore(%run_scoped3A_372 : memref<!tpu.dma_semaphore, #tpu.memory_space<semaphore_mem>>)
        %dma_wait3A_381 = arith.constant 6656 : i32
        %dma_wait3A_382 = tpu.memref_slice %arg7[%dma_wait3A_381] : memref<100000xf32, #tpu.memory_space<vmem>> -> memref<512xf32, #tpu.memory_space<vmem>>
        %dma_wait3A_383 = tpu.memref_slice %arg13[%run_scoped3A_361, %sub3A_360] : memref<16x4096xf32, #tpu.memory_space<vmem_shared>> -> memref<1x512xf32, #tpu.memory_space<vmem_shared>>
        %dma_wait3A_384 = tpu.memref_squeeze %dma_wait3A_383 : memref<1x512xf32, #tpu.memory_space<vmem_shared>> -> memref<512xf32, #tpu.memory_space<vmem_shared>>
        %dma_wait3A_385 = arith.constant 6656 : i32
        %dma_wait3A_386 = tpu.memref_slice %arg7[%dma_wait3A_385] : memref<100000xf32, #tpu.memory_space<vmem>> -> memref<512xf32, #tpu.memory_space<vmem>>
        %dma_wait3A_387 = tpu.memref_slice %arg13[%run_scoped3A_361, %sub3A_360] : memref<16x4096xf32, #tpu.memory_space<vmem_shared>> -> memref<1x512xf32, #tpu.memory_space<vmem_shared>>
        %dma_wait3A_388 = tpu.memref_squeeze %dma_wait3A_387 : memref<1x512xf32, #tpu.memory_space<vmem_shared>> -> memref<512xf32, #tpu.memory_space<vmem_shared>>
        tpu.wait_dma2 semaphore(%run_scoped3A_372 : memref<!tpu.dma_semaphore, #tpu.memory_space<semaphore_mem>>) src(%dma_wait3A_388 : memref<512xf32, #tpu.memory_space<vmem_shared>>) dst(%dma_wait3A_386 : memref<512xf32, #tpu.memory_space<vmem>>)
        tpu.yield
      }) : () -> ()
      %mul3A_362 = arith.constant 512 : i32
      %mul3A_363 = arith.muli %arg1, %mul3A_362 : i32
      %sub3A_364 = arith.constant 0 : i32
      %sub3A_365 = arith.subi %mul3A_363, %sub3A_364 : i32
      %run_scoped3A_366 = arith.constant 14 : i32
      "tpu.region"() ({
        %run_scoped3A_372 = tpu.sem_alloc : memref<!tpu.dma_semaphore, #tpu.memory_space<semaphore_mem>>
        %dma_start3A_373 = arith.constant 7168 : i32
        %dma_start3A_374 = tpu.memref_slice %arg7[%dma_start3A_373] : memref<100000xf32, #tpu.memory_space<vmem>> -> memref<512xf32, #tpu.memory_space<vmem>>
        %dma_start3A_375 = tpu.memref_slice %arg13[%run_scoped3A_366, %sub3A_365] : memref<16x4096xf32, #tpu.memory_space<vmem_shared>> -> memref<1x512xf32, #tpu.memory_space<vmem_shared>>
        %dma_start3A_376 = tpu.memref_squeeze %dma_start3A_375 : memref<1x512xf32, #tpu.memory_space<vmem_shared>> -> memref<512xf32, #tpu.memory_space<vmem_shared>>
        %dma_start3A_377 = arith.constant 7168 : i32
        %dma_start3A_378 = tpu.memref_slice %arg7[%dma_start3A_377] : memref<100000xf32, #tpu.memory_space<vmem>> -> memref<512xf32, #tpu.memory_space<vmem>>
        %dma_start3A_379 = tpu.memref_slice %arg13[%run_scoped3A_366, %sub3A_365] : memref<16x4096xf32, #tpu.memory_space<vmem_shared>> -> memref<1x512xf32, #tpu.memory_space<vmem_shared>>
        %dma_start3A_380 = tpu.memref_squeeze %dma_start3A_379 : memref<1x512xf32, #tpu.memory_space<vmem_shared>> -> memref<512xf32, #tpu.memory_space<vmem_shared>>
        tpu.enqueue_dma source(%dma_start3A_380 : memref<512xf32, #tpu.memory_space<vmem_shared>>) target(%dma_start3A_378 : memref<512xf32, #tpu.memory_space<vmem>>) target_semaphore(%run_scoped3A_372 : memref<!tpu.dma_semaphore, #tpu.memory_space<semaphore_mem>>)
        %dma_wait3A_381 = arith.constant 7168 : i32
        %dma_wait3A_382 = tpu.memref_slice %arg7[%dma_wait3A_381] : memref<100000xf32, #tpu.memory_space<vmem>> -> memref<512xf32, #tpu.memory_space<vmem>>
        %dma_wait3A_383 = tpu.memref_slice %arg13[%run_scoped3A_366, %sub3A_365] : memref<16x4096xf32, #tpu.memory_space<vmem_shared>> -> memref<1x512xf32, #tpu.memory_space<vmem_shared>>
        %dma_wait3A_384 = tpu.memref_squeeze %dma_wait3A_383 : memref<1x512xf32, #tpu.memory_space<vmem_shared>> -> memref<512xf32, #tpu.memory_space<vmem_shared>>
        %dma_wait3A_385 = arith.constant 7168 : i32
        %dma_wait3A_386 = tpu.memref_slice %arg7[%dma_wait3A_385] : memref<100000xf32, #tpu.memory_space<vmem>> -> memref<512xf32, #tpu.memory_space<vmem>>
        %dma_wait3A_387 = tpu.memref_slice %arg13[%run_scoped3A_366, %sub3A_365] : memref<16x4096xf32, #tpu.memory_space<vmem_shared>> -> memref<1x512xf32, #tpu.memory_space<vmem_shared>>
        %dma_wait3A_388 = tpu.memref_squeeze %dma_wait3A_387 : memref<1x512xf32, #tpu.memory_space<vmem_shared>> -> memref<512xf32, #tpu.memory_space<vmem_shared>>
        tpu.wait_dma2 semaphore(%run_scoped3A_372 : memref<!tpu.dma_semaphore, #tpu.memory_space<semaphore_mem>>) src(%dma_wait3A_388 : memref<512xf32, #tpu.memory_space<vmem_shared>>) dst(%dma_wait3A_386 : memref<512xf32, #tpu.memory_space<vmem>>)
        tpu.yield
      }) : () -> ()
      %mul3A_367 = arith.constant 512 : i32
      %mul3A_368 = arith.muli %arg1, %mul3A_367 : i32
      %sub3A_369 = arith.constant 0 : i32
      %sub3A_370 = arith.subi %mul3A_368, %sub3A_369 : i32
      %run_scoped3A_371 = arith.constant 15 : i32
      "tpu.region"() ({
        %run_scoped3A_372 = tpu.sem_alloc : memref<!tpu.dma_semaphore, #tpu.memory_space<semaphore_mem>>
        %dma_start3A_373 = arith.constant 7680 : i32
        %dma_start3A_374 = tpu.memref_slice %arg7[%dma_start3A_373] : memref<100000xf32, #tpu.memory_space<vmem>> -> memref<512xf32, #tpu.memory_space<vmem>>
        %dma_start3A_375 = tpu.memref_slice %arg13[%run_scoped3A_371, %sub3A_370] : memref<16x4096xf32, #tpu.memory_space<vmem_shared>> -> memref<1x512xf32, #tpu.memory_space<vmem_shared>>
        %dma_start3A_376 = tpu.memref_squeeze %dma_start3A_375 : memref<1x512xf32, #tpu.memory_space<vmem_shared>> -> memref<512xf32, #tpu.memory_space<vmem_shared>>
        %dma_start3A_377 = arith.constant 7680 : i32
        %dma_start3A_378 = tpu.memref_slice %arg7[%dma_start3A_377] : memref<100000xf32, #tpu.memory_space<vmem>> -> memref<512xf32, #tpu.memory_space<vmem>>
        %dma_start3A_379 = tpu.memref_slice %arg13[%run_scoped3A_371, %sub3A_370] : memref<16x4096xf32, #tpu.memory_space<vmem_shared>> -> memref<1x512xf32, #tpu.memory_space<vmem_shared>>
        %dma_start3A_380 = tpu.memref_squeeze %dma_start3A_379 : memref<1x512xf32, #tpu.memory_space<vmem_shared>> -> memref<512xf32, #tpu.memory_space<vmem_shared>>
        tpu.enqueue_dma source(%dma_start3A_380 : memref<512xf32, #tpu.memory_space<vmem_shared>>) target(%dma_start3A_378 : memref<512xf32, #tpu.memory_space<vmem>>) target_semaphore(%run_scoped3A_372 : memref<!tpu.dma_semaphore, #tpu.memory_space<semaphore_mem>>)
        %dma_wait3A_381 = arith.constant 7680 : i32
        %dma_wait3A_382 = tpu.memref_slice %arg7[%dma_wait3A_381] : memref<100000xf32, #tpu.memory_space<vmem>> -> memref<512xf32, #tpu.memory_space<vmem>>
        %dma_wait3A_383 = tpu.memref_slice %arg13[%run_scoped3A_371, %sub3A_370] : memref<16x4096xf32, #tpu.memory_space<vmem_shared>> -> memref<1x512xf32, #tpu.memory_space<vmem_shared>>
        %dma_wait3A_384 = tpu.memref_squeeze %dma_wait3A_383 : memref<1x512xf32, #tpu.memory_space<vmem_shared>> -> memref<512xf32, #tpu.memory_space<vmem_shared>>
        %dma_wait3A_385 = arith.constant 7680 : i32
        %dma_wait3A_386 = tpu.memref_slice %arg7[%dma_wait3A_385] : memref<100000xf32, #tpu.memory_space<vmem>> -> memref<512xf32, #tpu.memory_space<vmem>>
        %dma_wait3A_387 = tpu.memref_slice %arg13[%run_scoped3A_371, %sub3A_370] : memref<16x4096xf32, #tpu.memory_space<vmem_shared>> -> memref<1x512xf32, #tpu.memory_space<vmem_shared>>
        %dma_wait3A_388 = tpu.memref_squeeze %dma_wait3A_387 : memref<1x512xf32, #tpu.memory_space<vmem_shared>> -> memref<512xf32, #tpu.memory_space<vmem_shared>>
        tpu.wait_dma2 semaphore(%run_scoped3A_372 : memref<!tpu.dma_semaphore, #tpu.memory_space<semaphore_mem>>) src(%dma_wait3A_388 : memref<512xf32, #tpu.memory_space<vmem_shared>>) dst(%dma_wait3A_386 : memref<512xf32, #tpu.memory_space<vmem>>)
        tpu.yield
      }) : () -> ()
    } else {
    }
    %barrier3A_279 = arith.constant 0 : index
    tpu.barrier barrier_id(%barrier3A_279)
    "tpu.region"() ({
      %run_scoped3A = tpu.sem_alloc : memref<!tpu.dma_semaphore, #tpu.memory_space<semaphore_mem>>
      %dma_start3A_293 = arith.constant 4096 : i32
      %dma_start3A_294 = tpu.memref_slice %arg11[%dma_start3A_293] : memref<8192xf32, #tpu.memory_space<vmem>> -> memref<4096xf32, #tpu.memory_space<vmem>>
      %dma_start3A_295 = arith.constant 0 : i32
      %dma_start3A_296 = tpu.memref_slice %arg13[%arg1, %dma_start3A_295] : memref<16x4096xf32, #tpu.memory_space<vmem_shared>> -> memref<1x4096xf32, #tpu.memory_space<vmem_shared>>
      %dma_start3A_297 = tpu.memref_squeeze %dma_start3A_296 : memref<1x4096xf32, #tpu.memory_space<vmem_shared>> -> memref<4096xf32, #tpu.memory_space<vmem_shared>>
      %dma_start3A_298 = arith.constant 0 : i32
      %dma_start3A_299 = tpu.memref_slice %arg13[%arg1, %dma_start3A_298] : memref<16x4096xf32, #tpu.memory_space<vmem_shared>> -> memref<1x4096xf32, #tpu.memory_space<vmem_shared>>
      %dma_start3A_300 = tpu.memref_squeeze %dma_start3A_299 : memref<1x4096xf32, #tpu.memory_space<vmem_shared>> -> memref<4096xf32, #tpu.memory_space<vmem_shared>>
      %dma_start3A_301 = arith.constant 4096 : i32
      %dma_start3A_302 = tpu.memref_slice %arg11[%dma_start3A_301] : memref<8192xf32, #tpu.memory_space<vmem>> -> memref<4096xf32, #tpu.memory_space<vmem>>
      tpu.enqueue_dma source(%dma_start3A_302 : memref<4096xf32, #tpu.memory_space<vmem>>) target(%dma_start3A_300 : memref<4096xf32, #tpu.memory_space<vmem_shared>>) target_semaphore(%run_scoped3A : memref<!tpu.dma_semaphore, #tpu.memory_space<semaphore_mem>>)
      %dma_wait3A_303 = arith.constant 4096 : i32
      %dma_wait3A_304 = tpu.memref_slice %arg11[%dma_wait3A_303] : memref<8192xf32, #tpu.memory_space<vmem>> -> memref<4096xf32, #tpu.memory_space<vmem>>
      %dma_wait3A_305 = arith.constant 0 : i32
      %dma_wait3A_306 = tpu.memref_slice %arg13[%arg1, %dma_wait3A_305] : memref<16x4096xf32, #tpu.memory_space<vmem_shared>> -> memref<1x4096xf32, #tpu.memory_space<vmem_shared>>
      %dma_wait3A_307 = tpu.memref_squeeze %dma_wait3A_306 : memref<1x4096xf32, #tpu.memory_space<vmem_shared>> -> memref<4096xf32, #tpu.memory_space<vmem_shared>>
      %dma_wait3A_308 = arith.constant 0 : i32
      %dma_wait3A_309 = tpu.memref_slice %arg13[%arg1, %dma_wait3A_308] : memref<16x4096xf32, #tpu.memory_space<vmem_shared>> -> memref<1x4096xf32, #tpu.memory_space<vmem_shared>>
      %dma_wait3A_310 = tpu.memref_squeeze %dma_wait3A_309 : memref<1x4096xf32, #tpu.memory_space<vmem_shared>> -> memref<4096xf32, #tpu.memory_space<vmem_shared>>
      %dma_wait3A_311 = arith.constant 4096 : i32
      %dma_wait3A_312 = tpu.memref_slice %arg11[%dma_wait3A_311] : memref<8192xf32, #tpu.memory_space<vmem>> -> memref<4096xf32, #tpu.memory_space<vmem>>
      tpu.wait_dma2 semaphore(%run_scoped3A : memref<!tpu.dma_semaphore, #tpu.memory_space<semaphore_mem>>) src(%dma_wait3A_312 : memref<4096xf32, #tpu.memory_space<vmem>>) dst(%dma_wait3A_310 : memref<4096xf32, #tpu.memory_space<vmem_shared>>)
      tpu.yield
    }) : () -> ()
    %barrier3A_280 = arith.constant 0 : index
    tpu.barrier barrier_id(%barrier3A_280)
    %eq3A_281 = arith.constant 1 : i32
    %eq3A_282 = arith.cmpi eq, %select_n3A, %eq3A_281 : i32
    %convert_element_type3A_283 = arith.extui %eq3A_282 : i1 to i32
    %cond3A_284 = arith.constant 0 : i32
    %cond3A_285 = arith.cmpi ne, %convert_element_type3A_283, %cond3A_284 : i32
    scf.if %cond3A_285 {
      %mul3A_293 = arith.constant 512 : i32
      %mul3A_294 = arith.muli %arg1, %mul3A_293 : i32
      %sub3A_295 = arith.constant 4096 : i32
      %sub3A_296 = arith.subi %mul3A_294, %sub3A_295 : i32
      %run_scoped3A = arith.constant 0 : i32
      "tpu.region"() ({
        %run_scoped3A_372 = tpu.sem_alloc : memref<!tpu.dma_semaphore, #tpu.memory_space<semaphore_mem>>
        %dma_start3A_373 = arith.constant 0 : i32
        %dma_start3A_374 = tpu.memref_slice %arg7[%dma_start3A_373] : memref<100000xf32, #tpu.memory_space<vmem>> -> memref<512xf32, #tpu.memory_space<vmem>>
        %dma_start3A_375 = tpu.memref_slice %arg13[%run_scoped3A, %sub3A_296] : memref<16x4096xf32, #tpu.memory_space<vmem_shared>> -> memref<1x512xf32, #tpu.memory_space<vmem_shared>>
        %dma_start3A_376 = tpu.memref_squeeze %dma_start3A_375 : memref<1x512xf32, #tpu.memory_space<vmem_shared>> -> memref<512xf32, #tpu.memory_space<vmem_shared>>
        %dma_start3A_377 = arith.constant 0 : i32
        %dma_start3A_378 = tpu.memref_slice %arg7[%dma_start3A_377] : memref<100000xf32, #tpu.memory_space<vmem>> -> memref<512xf32, #tpu.memory_space<vmem>>
        %dma_start3A_379 = tpu.memref_slice %arg13[%run_scoped3A, %sub3A_296] : memref<16x4096xf32, #tpu.memory_space<vmem_shared>> -> memref<1x512xf32, #tpu.memory_space<vmem_shared>>
        %dma_start3A_380 = tpu.memref_squeeze %dma_start3A_379 : memref<1x512xf32, #tpu.memory_space<vmem_shared>> -> memref<512xf32, #tpu.memory_space<vmem_shared>>
        tpu.enqueue_dma source(%dma_start3A_380 : memref<512xf32, #tpu.memory_space<vmem_shared>>) target(%dma_start3A_378 : memref<512xf32, #tpu.memory_space<vmem>>) target_semaphore(%run_scoped3A_372 : memref<!tpu.dma_semaphore, #tpu.memory_space<semaphore_mem>>)
        %dma_wait3A_381 = arith.constant 0 : i32
        %dma_wait3A_382 = tpu.memref_slice %arg7[%dma_wait3A_381] : memref<100000xf32, #tpu.memory_space<vmem>> -> memref<512xf32, #tpu.memory_space<vmem>>
        %dma_wait3A_383 = tpu.memref_slice %arg13[%run_scoped3A, %sub3A_296] : memref<16x4096xf32, #tpu.memory_space<vmem_shared>> -> memref<1x512xf32, #tpu.memory_space<vmem_shared>>
        %dma_wait3A_384 = tpu.memref_squeeze %dma_wait3A_383 : memref<1x512xf32, #tpu.memory_space<vmem_shared>> -> memref<512xf32, #tpu.memory_space<vmem_shared>>
        %dma_wait3A_385 = arith.constant 0 : i32
        %dma_wait3A_386 = tpu.memref_slice %arg7[%dma_wait3A_385] : memref<100000xf32, #tpu.memory_space<vmem>> -> memref<512xf32, #tpu.memory_space<vmem>>
        %dma_wait3A_387 = tpu.memref_slice %arg13[%run_scoped3A, %sub3A_296] : memref<16x4096xf32, #tpu.memory_space<vmem_shared>> -> memref<1x512xf32, #tpu.memory_space<vmem_shared>>
        %dma_wait3A_388 = tpu.memref_squeeze %dma_wait3A_387 : memref<1x512xf32, #tpu.memory_space<vmem_shared>> -> memref<512xf32, #tpu.memory_space<vmem_shared>>
        tpu.wait_dma2 semaphore(%run_scoped3A_372 : memref<!tpu.dma_semaphore, #tpu.memory_space<semaphore_mem>>) src(%dma_wait3A_388 : memref<512xf32, #tpu.memory_space<vmem_shared>>) dst(%dma_wait3A_386 : memref<512xf32, #tpu.memory_space<vmem>>)
        tpu.yield
      }) : () -> ()
      %mul3A_297 = arith.constant 512 : i32
      %mul3A_298 = arith.muli %arg1, %mul3A_297 : i32
      %sub3A_299 = arith.constant 4096 : i32
      %sub3A_300 = arith.subi %mul3A_298, %sub3A_299 : i32
      %run_scoped3A_301 = arith.constant 1 : i32
      "tpu.region"() ({
        %run_scoped3A_372 = tpu.sem_alloc : memref<!tpu.dma_semaphore, #tpu.memory_space<semaphore_mem>>
        %dma_start3A_373 = arith.constant 512 : i32
        %dma_start3A_374 = tpu.memref_slice %arg7[%dma_start3A_373] : memref<100000xf32, #tpu.memory_space<vmem>> -> memref<512xf32, #tpu.memory_space<vmem>>
        %dma_start3A_375 = tpu.memref_slice %arg13[%run_scoped3A_301, %sub3A_300] : memref<16x4096xf32, #tpu.memory_space<vmem_shared>> -> memref<1x512xf32, #tpu.memory_space<vmem_shared>>
        %dma_start3A_376 = tpu.memref_squeeze %dma_start3A_375 : memref<1x512xf32, #tpu.memory_space<vmem_shared>> -> memref<512xf32, #tpu.memory_space<vmem_shared>>
        %dma_start3A_377 = arith.constant 512 : i32
        %dma_start3A_378 = tpu.memref_slice %arg7[%dma_start3A_377] : memref<100000xf32, #tpu.memory_space<vmem>> -> memref<512xf32, #tpu.memory_space<vmem>>
        %dma_start3A_379 = tpu.memref_slice %arg13[%run_scoped3A_301, %sub3A_300] : memref<16x4096xf32, #tpu.memory_space<vmem_shared>> -> memref<1x512xf32, #tpu.memory_space<vmem_shared>>
        %dma_start3A_380 = tpu.memref_squeeze %dma_start3A_379 : memref<1x512xf32, #tpu.memory_space<vmem_shared>> -> memref<512xf32, #tpu.memory_space<vmem_shared>>
        tpu.enqueue_dma source(%dma_start3A_380 : memref<512xf32, #tpu.memory_space<vmem_shared>>) target(%dma_start3A_378 : memref<512xf32, #tpu.memory_space<vmem>>) target_semaphore(%run_scoped3A_372 : memref<!tpu.dma_semaphore, #tpu.memory_space<semaphore_mem>>)
        %dma_wait3A_381 = arith.constant 512 : i32
        %dma_wait3A_382 = tpu.memref_slice %arg7[%dma_wait3A_381] : memref<100000xf32, #tpu.memory_space<vmem>> -> memref<512xf32, #tpu.memory_space<vmem>>
        %dma_wait3A_383 = tpu.memref_slice %arg13[%run_scoped3A_301, %sub3A_300] : memref<16x4096xf32, #tpu.memory_space<vmem_shared>> -> memref<1x512xf32, #tpu.memory_space<vmem_shared>>
        %dma_wait3A_384 = tpu.memref_squeeze %dma_wait3A_383 : memref<1x512xf32, #tpu.memory_space<vmem_shared>> -> memref<512xf32, #tpu.memory_space<vmem_shared>>
        %dma_wait3A_385 = arith.constant 512 : i32
        %dma_wait3A_386 = tpu.memref_slice %arg7[%dma_wait3A_385] : memref<100000xf32, #tpu.memory_space<vmem>> -> memref<512xf32, #tpu.memory_space<vmem>>
        %dma_wait3A_387 = tpu.memref_slice %arg13[%run_scoped3A_301, %sub3A_300] : memref<16x4096xf32, #tpu.memory_space<vmem_shared>> -> memref<1x512xf32, #tpu.memory_space<vmem_shared>>
        %dma_wait3A_388 = tpu.memref_squeeze %dma_wait3A_387 : memref<1x512xf32, #tpu.memory_space<vmem_shared>> -> memref<512xf32, #tpu.memory_space<vmem_shared>>
        tpu.wait_dma2 semaphore(%run_scoped3A_372 : memref<!tpu.dma_semaphore, #tpu.memory_space<semaphore_mem>>) src(%dma_wait3A_388 : memref<512xf32, #tpu.memory_space<vmem_shared>>) dst(%dma_wait3A_386 : memref<512xf32, #tpu.memory_space<vmem>>)
        tpu.yield
      }) : () -> ()
      %mul3A_302 = arith.constant 512 : i32
      %mul3A_303 = arith.muli %arg1, %mul3A_302 : i32
      %sub3A_304 = arith.constant 4096 : i32
      %sub3A_305 = arith.subi %mul3A_303, %sub3A_304 : i32
      %run_scoped3A_306 = arith.constant 2 : i32
      "tpu.region"() ({
        %run_scoped3A_372 = tpu.sem_alloc : memref<!tpu.dma_semaphore, #tpu.memory_space<semaphore_mem>>
        %dma_start3A_373 = arith.constant 1024 : i32
        %dma_start3A_374 = tpu.memref_slice %arg7[%dma_start3A_373] : memref<100000xf32, #tpu.memory_space<vmem>> -> memref<512xf32, #tpu.memory_space<vmem>>
        %dma_start3A_375 = tpu.memref_slice %arg13[%run_scoped3A_306, %sub3A_305] : memref<16x4096xf32, #tpu.memory_space<vmem_shared>> -> memref<1x512xf32, #tpu.memory_space<vmem_shared>>
        %dma_start3A_376 = tpu.memref_squeeze %dma_start3A_375 : memref<1x512xf32, #tpu.memory_space<vmem_shared>> -> memref<512xf32, #tpu.memory_space<vmem_shared>>
        %dma_start3A_377 = arith.constant 1024 : i32
        %dma_start3A_378 = tpu.memref_slice %arg7[%dma_start3A_377] : memref<100000xf32, #tpu.memory_space<vmem>> -> memref<512xf32, #tpu.memory_space<vmem>>
        %dma_start3A_379 = tpu.memref_slice %arg13[%run_scoped3A_306, %sub3A_305] : memref<16x4096xf32, #tpu.memory_space<vmem_shared>> -> memref<1x512xf32, #tpu.memory_space<vmem_shared>>
        %dma_start3A_380 = tpu.memref_squeeze %dma_start3A_379 : memref<1x512xf32, #tpu.memory_space<vmem_shared>> -> memref<512xf32, #tpu.memory_space<vmem_shared>>
        tpu.enqueue_dma source(%dma_start3A_380 : memref<512xf32, #tpu.memory_space<vmem_shared>>) target(%dma_start3A_378 : memref<512xf32, #tpu.memory_space<vmem>>) target_semaphore(%run_scoped3A_372 : memref<!tpu.dma_semaphore, #tpu.memory_space<semaphore_mem>>)
        %dma_wait3A_381 = arith.constant 1024 : i32
        %dma_wait3A_382 = tpu.memref_slice %arg7[%dma_wait3A_381] : memref<100000xf32, #tpu.memory_space<vmem>> -> memref<512xf32, #tpu.memory_space<vmem>>
        %dma_wait3A_383 = tpu.memref_slice %arg13[%run_scoped3A_306, %sub3A_305] : memref<16x4096xf32, #tpu.memory_space<vmem_shared>> -> memref<1x512xf32, #tpu.memory_space<vmem_shared>>
        %dma_wait3A_384 = tpu.memref_squeeze %dma_wait3A_383 : memref<1x512xf32, #tpu.memory_space<vmem_shared>> -> memref<512xf32, #tpu.memory_space<vmem_shared>>
        %dma_wait3A_385 = arith.constant 1024 : i32
        %dma_wait3A_386 = tpu.memref_slice %arg7[%dma_wait3A_385] : memref<100000xf32, #tpu.memory_space<vmem>> -> memref<512xf32, #tpu.memory_space<vmem>>
        %dma_wait3A_387 = tpu.memref_slice %arg13[%run_scoped3A_306, %sub3A_305] : memref<16x4096xf32, #tpu.memory_space<vmem_shared>> -> memref<1x512xf32, #tpu.memory_space<vmem_shared>>
        %dma_wait3A_388 = tpu.memref_squeeze %dma_wait3A_387 : memref<1x512xf32, #tpu.memory_space<vmem_shared>> -> memref<512xf32, #tpu.memory_space<vmem_shared>>
        tpu.wait_dma2 semaphore(%run_scoped3A_372 : memref<!tpu.dma_semaphore, #tpu.memory_space<semaphore_mem>>) src(%dma_wait3A_388 : memref<512xf32, #tpu.memory_space<vmem_shared>>) dst(%dma_wait3A_386 : memref<512xf32, #tpu.memory_space<vmem>>)
        tpu.yield
      }) : () -> ()
      %mul3A_307 = arith.constant 512 : i32
      %mul3A_308 = arith.muli %arg1, %mul3A_307 : i32
      %sub3A_309 = arith.constant 4096 : i32
      %sub3A_310 = arith.subi %mul3A_308, %sub3A_309 : i32
      %run_scoped3A_311 = arith.constant 3 : i32
      "tpu.region"() ({
        %run_scoped3A_372 = tpu.sem_alloc : memref<!tpu.dma_semaphore, #tpu.memory_space<semaphore_mem>>
        %dma_start3A_373 = arith.constant 1536 : i32
        %dma_start3A_374 = tpu.memref_slice %arg7[%dma_start3A_373] : memref<100000xf32, #tpu.memory_space<vmem>> -> memref<512xf32, #tpu.memory_space<vmem>>
        %dma_start3A_375 = tpu.memref_slice %arg13[%run_scoped3A_311, %sub3A_310] : memref<16x4096xf32, #tpu.memory_space<vmem_shared>> -> memref<1x512xf32, #tpu.memory_space<vmem_shared>>
        %dma_start3A_376 = tpu.memref_squeeze %dma_start3A_375 : memref<1x512xf32, #tpu.memory_space<vmem_shared>> -> memref<512xf32, #tpu.memory_space<vmem_shared>>
        %dma_start3A_377 = arith.constant 1536 : i32
        %dma_start3A_378 = tpu.memref_slice %arg7[%dma_start3A_377] : memref<100000xf32, #tpu.memory_space<vmem>> -> memref<512xf32, #tpu.memory_space<vmem>>
        %dma_start3A_379 = tpu.memref_slice %arg13[%run_scoped3A_311, %sub3A_310] : memref<16x4096xf32, #tpu.memory_space<vmem_shared>> -> memref<1x512xf32, #tpu.memory_space<vmem_shared>>
        %dma_start3A_380 = tpu.memref_squeeze %dma_start3A_379 : memref<1x512xf32, #tpu.memory_space<vmem_shared>> -> memref<512xf32, #tpu.memory_space<vmem_shared>>
        tpu.enqueue_dma source(%dma_start3A_380 : memref<512xf32, #tpu.memory_space<vmem_shared>>) target(%dma_start3A_378 : memref<512xf32, #tpu.memory_space<vmem>>) target_semaphore(%run_scoped3A_372 : memref<!tpu.dma_semaphore, #tpu.memory_space<semaphore_mem>>)
        %dma_wait3A_381 = arith.constant 1536 : i32
        %dma_wait3A_382 = tpu.memref_slice %arg7[%dma_wait3A_381] : memref<100000xf32, #tpu.memory_space<vmem>> -> memref<512xf32, #tpu.memory_space<vmem>>
        %dma_wait3A_383 = tpu.memref_slice %arg13[%run_scoped3A_311, %sub3A_310] : memref<16x4096xf32, #tpu.memory_space<vmem_shared>> -> memref<1x512xf32, #tpu.memory_space<vmem_shared>>
        %dma_wait3A_384 = tpu.memref_squeeze %dma_wait3A_383 : memref<1x512xf32, #tpu.memory_space<vmem_shared>> -> memref<512xf32, #tpu.memory_space<vmem_shared>>
        %dma_wait3A_385 = arith.constant 1536 : i32
        %dma_wait3A_386 = tpu.memref_slice %arg7[%dma_wait3A_385] : memref<100000xf32, #tpu.memory_space<vmem>> -> memref<512xf32, #tpu.memory_space<vmem>>
        %dma_wait3A_387 = tpu.memref_slice %arg13[%run_scoped3A_311, %sub3A_310] : memref<16x4096xf32, #tpu.memory_space<vmem_shared>> -> memref<1x512xf32, #tpu.memory_space<vmem_shared>>
        %dma_wait3A_388 = tpu.memref_squeeze %dma_wait3A_387 : memref<1x512xf32, #tpu.memory_space<vmem_shared>> -> memref<512xf32, #tpu.memory_space<vmem_shared>>
        tpu.wait_dma2 semaphore(%run_scoped3A_372 : memref<!tpu.dma_semaphore, #tpu.memory_space<semaphore_mem>>) src(%dma_wait3A_388 : memref<512xf32, #tpu.memory_space<vmem_shared>>) dst(%dma_wait3A_386 : memref<512xf32, #tpu.memory_space<vmem>>)
        tpu.yield
      }) : () -> ()
      %mul3A_312 = arith.constant 512 : i32
      %mul3A_313 = arith.muli %arg1, %mul3A_312 : i32
      %sub3A_314 = arith.constant 4096 : i32
      %sub3A_315 = arith.subi %mul3A_313, %sub3A_314 : i32
      %run_scoped3A_316 = arith.constant 4 : i32
      "tpu.region"() ({
        %run_scoped3A_372 = tpu.sem_alloc : memref<!tpu.dma_semaphore, #tpu.memory_space<semaphore_mem>>
        %dma_start3A_373 = arith.constant 2048 : i32
        %dma_start3A_374 = tpu.memref_slice %arg7[%dma_start3A_373] : memref<100000xf32, #tpu.memory_space<vmem>> -> memref<512xf32, #tpu.memory_space<vmem>>
        %dma_start3A_375 = tpu.memref_slice %arg13[%run_scoped3A_316, %sub3A_315] : memref<16x4096xf32, #tpu.memory_space<vmem_shared>> -> memref<1x512xf32, #tpu.memory_space<vmem_shared>>
        %dma_start3A_376 = tpu.memref_squeeze %dma_start3A_375 : memref<1x512xf32, #tpu.memory_space<vmem_shared>> -> memref<512xf32, #tpu.memory_space<vmem_shared>>
        %dma_start3A_377 = arith.constant 2048 : i32
        %dma_start3A_378 = tpu.memref_slice %arg7[%dma_start3A_377] : memref<100000xf32, #tpu.memory_space<vmem>> -> memref<512xf32, #tpu.memory_space<vmem>>
        %dma_start3A_379 = tpu.memref_slice %arg13[%run_scoped3A_316, %sub3A_315] : memref<16x4096xf32, #tpu.memory_space<vmem_shared>> -> memref<1x512xf32, #tpu.memory_space<vmem_shared>>
        %dma_start3A_380 = tpu.memref_squeeze %dma_start3A_379 : memref<1x512xf32, #tpu.memory_space<vmem_shared>> -> memref<512xf32, #tpu.memory_space<vmem_shared>>
        tpu.enqueue_dma source(%dma_start3A_380 : memref<512xf32, #tpu.memory_space<vmem_shared>>) target(%dma_start3A_378 : memref<512xf32, #tpu.memory_space<vmem>>) target_semaphore(%run_scoped3A_372 : memref<!tpu.dma_semaphore, #tpu.memory_space<semaphore_mem>>)
        %dma_wait3A_381 = arith.constant 2048 : i32
        %dma_wait3A_382 = tpu.memref_slice %arg7[%dma_wait3A_381] : memref<100000xf32, #tpu.memory_space<vmem>> -> memref<512xf32, #tpu.memory_space<vmem>>
        %dma_wait3A_383 = tpu.memref_slice %arg13[%run_scoped3A_316, %sub3A_315] : memref<16x4096xf32, #tpu.memory_space<vmem_shared>> -> memref<1x512xf32, #tpu.memory_space<vmem_shared>>
        %dma_wait3A_384 = tpu.memref_squeeze %dma_wait3A_383 : memref<1x512xf32, #tpu.memory_space<vmem_shared>> -> memref<512xf32, #tpu.memory_space<vmem_shared>>
        %dma_wait3A_385 = arith.constant 2048 : i32
        %dma_wait3A_386 = tpu.memref_slice %arg7[%dma_wait3A_385] : memref<100000xf32, #tpu.memory_space<vmem>> -> memref<512xf32, #tpu.memory_space<vmem>>
        %dma_wait3A_387 = tpu.memref_slice %arg13[%run_scoped3A_316, %sub3A_315] : memref<16x4096xf32, #tpu.memory_space<vmem_shared>> -> memref<1x512xf32, #tpu.memory_space<vmem_shared>>
        %dma_wait3A_388 = tpu.memref_squeeze %dma_wait3A_387 : memref<1x512xf32, #tpu.memory_space<vmem_shared>> -> memref<512xf32, #tpu.memory_space<vmem_shared>>
        tpu.wait_dma2 semaphore(%run_scoped3A_372 : memref<!tpu.dma_semaphore, #tpu.memory_space<semaphore_mem>>) src(%dma_wait3A_388 : memref<512xf32, #tpu.memory_space<vmem_shared>>) dst(%dma_wait3A_386 : memref<512xf32, #tpu.memory_space<vmem>>)
        tpu.yield
      }) : () -> ()
      %mul3A_317 = arith.constant 512 : i32
      %mul3A_318 = arith.muli %arg1, %mul3A_317 : i32
      %sub3A_319 = arith.constant 4096 : i32
      %sub3A_320 = arith.subi %mul3A_318, %sub3A_319 : i32
      %run_scoped3A_321 = arith.constant 5 : i32
      "tpu.region"() ({
        %run_scoped3A_372 = tpu.sem_alloc : memref<!tpu.dma_semaphore, #tpu.memory_space<semaphore_mem>>
        %dma_start3A_373 = arith.constant 2560 : i32
        %dma_start3A_374 = tpu.memref_slice %arg7[%dma_start3A_373] : memref<100000xf32, #tpu.memory_space<vmem>> -> memref<512xf32, #tpu.memory_space<vmem>>
        %dma_start3A_375 = tpu.memref_slice %arg13[%run_scoped3A_321, %sub3A_320] : memref<16x4096xf32, #tpu.memory_space<vmem_shared>> -> memref<1x512xf32, #tpu.memory_space<vmem_shared>>
        %dma_start3A_376 = tpu.memref_squeeze %dma_start3A_375 : memref<1x512xf32, #tpu.memory_space<vmem_shared>> -> memref<512xf32, #tpu.memory_space<vmem_shared>>
        %dma_start3A_377 = arith.constant 2560 : i32
        %dma_start3A_378 = tpu.memref_slice %arg7[%dma_start3A_377] : memref<100000xf32, #tpu.memory_space<vmem>> -> memref<512xf32, #tpu.memory_space<vmem>>
        %dma_start3A_379 = tpu.memref_slice %arg13[%run_scoped3A_321, %sub3A_320] : memref<16x4096xf32, #tpu.memory_space<vmem_shared>> -> memref<1x512xf32, #tpu.memory_space<vmem_shared>>
        %dma_start3A_380 = tpu.memref_squeeze %dma_start3A_379 : memref<1x512xf32, #tpu.memory_space<vmem_shared>> -> memref<512xf32, #tpu.memory_space<vmem_shared>>
        tpu.enqueue_dma source(%dma_start3A_380 : memref<512xf32, #tpu.memory_space<vmem_shared>>) target(%dma_start3A_378 : memref<512xf32, #tpu.memory_space<vmem>>) target_semaphore(%run_scoped3A_372 : memref<!tpu.dma_semaphore, #tpu.memory_space<semaphore_mem>>)
        %dma_wait3A_381 = arith.constant 2560 : i32
        %dma_wait3A_382 = tpu.memref_slice %arg7[%dma_wait3A_381] : memref<100000xf32, #tpu.memory_space<vmem>> -> memref<512xf32, #tpu.memory_space<vmem>>
        %dma_wait3A_383 = tpu.memref_slice %arg13[%run_scoped3A_321, %sub3A_320] : memref<16x4096xf32, #tpu.memory_space<vmem_shared>> -> memref<1x512xf32, #tpu.memory_space<vmem_shared>>
        %dma_wait3A_384 = tpu.memref_squeeze %dma_wait3A_383 : memref<1x512xf32, #tpu.memory_space<vmem_shared>> -> memref<512xf32, #tpu.memory_space<vmem_shared>>
        %dma_wait3A_385 = arith.constant 2560 : i32
        %dma_wait3A_386 = tpu.memref_slice %arg7[%dma_wait3A_385] : memref<100000xf32, #tpu.memory_space<vmem>> -> memref<512xf32, #tpu.memory_space<vmem>>
        %dma_wait3A_387 = tpu.memref_slice %arg13[%run_scoped3A_321, %sub3A_320] : memref<16x4096xf32, #tpu.memory_space<vmem_shared>> -> memref<1x512xf32, #tpu.memory_space<vmem_shared>>
        %dma_wait3A_388 = tpu.memref_squeeze %dma_wait3A_387 : memref<1x512xf32, #tpu.memory_space<vmem_shared>> -> memref<512xf32, #tpu.memory_space<vmem_shared>>
        tpu.wait_dma2 semaphore(%run_scoped3A_372 : memref<!tpu.dma_semaphore, #tpu.memory_space<semaphore_mem>>) src(%dma_wait3A_388 : memref<512xf32, #tpu.memory_space<vmem_shared>>) dst(%dma_wait3A_386 : memref<512xf32, #tpu.memory_space<vmem>>)
        tpu.yield
      }) : () -> ()
      %mul3A_322 = arith.constant 512 : i32
      %mul3A_323 = arith.muli %arg1, %mul3A_322 : i32
      %sub3A_324 = arith.constant 4096 : i32
      %sub3A_325 = arith.subi %mul3A_323, %sub3A_324 : i32
      %run_scoped3A_326 = arith.constant 6 : i32
      "tpu.region"() ({
        %run_scoped3A_372 = tpu.sem_alloc : memref<!tpu.dma_semaphore, #tpu.memory_space<semaphore_mem>>
        %dma_start3A_373 = arith.constant 3072 : i32
        %dma_start3A_374 = tpu.memref_slice %arg7[%dma_start3A_373] : memref<100000xf32, #tpu.memory_space<vmem>> -> memref<512xf32, #tpu.memory_space<vmem>>
        %dma_start3A_375 = tpu.memref_slice %arg13[%run_scoped3A_326, %sub3A_325] : memref<16x4096xf32, #tpu.memory_space<vmem_shared>> -> memref<1x512xf32, #tpu.memory_space<vmem_shared>>
        %dma_start3A_376 = tpu.memref_squeeze %dma_start3A_375 : memref<1x512xf32, #tpu.memory_space<vmem_shared>> -> memref<512xf32, #tpu.memory_space<vmem_shared>>
        %dma_start3A_377 = arith.constant 3072 : i32
        %dma_start3A_378 = tpu.memref_slice %arg7[%dma_start3A_377] : memref<100000xf32, #tpu.memory_space<vmem>> -> memref<512xf32, #tpu.memory_space<vmem>>
        %dma_start3A_379 = tpu.memref_slice %arg13[%run_scoped3A_326, %sub3A_325] : memref<16x4096xf32, #tpu.memory_space<vmem_shared>> -> memref<1x512xf32, #tpu.memory_space<vmem_shared>>
        %dma_start3A_380 = tpu.memref_squeeze %dma_start3A_379 : memref<1x512xf32, #tpu.memory_space<vmem_shared>> -> memref<512xf32, #tpu.memory_space<vmem_shared>>
        tpu.enqueue_dma source(%dma_start3A_380 : memref<512xf32, #tpu.memory_space<vmem_shared>>) target(%dma_start3A_378 : memref<512xf32, #tpu.memory_space<vmem>>) target_semaphore(%run_scoped3A_372 : memref<!tpu.dma_semaphore, #tpu.memory_space<semaphore_mem>>)
        %dma_wait3A_381 = arith.constant 3072 : i32
        %dma_wait3A_382 = tpu.memref_slice %arg7[%dma_wait3A_381] : memref<100000xf32, #tpu.memory_space<vmem>> -> memref<512xf32, #tpu.memory_space<vmem>>
        %dma_wait3A_383 = tpu.memref_slice %arg13[%run_scoped3A_326, %sub3A_325] : memref<16x4096xf32, #tpu.memory_space<vmem_shared>> -> memref<1x512xf32, #tpu.memory_space<vmem_shared>>
        %dma_wait3A_384 = tpu.memref_squeeze %dma_wait3A_383 : memref<1x512xf32, #tpu.memory_space<vmem_shared>> -> memref<512xf32, #tpu.memory_space<vmem_shared>>
        %dma_wait3A_385 = arith.constant 3072 : i32
        %dma_wait3A_386 = tpu.memref_slice %arg7[%dma_wait3A_385] : memref<100000xf32, #tpu.memory_space<vmem>> -> memref<512xf32, #tpu.memory_space<vmem>>
        %dma_wait3A_387 = tpu.memref_slice %arg13[%run_scoped3A_326, %sub3A_325] : memref<16x4096xf32, #tpu.memory_space<vmem_shared>> -> memref<1x512xf32, #tpu.memory_space<vmem_shared>>
        %dma_wait3A_388 = tpu.memref_squeeze %dma_wait3A_387 : memref<1x512xf32, #tpu.memory_space<vmem_shared>> -> memref<512xf32, #tpu.memory_space<vmem_shared>>
        tpu.wait_dma2 semaphore(%run_scoped3A_372 : memref<!tpu.dma_semaphore, #tpu.memory_space<semaphore_mem>>) src(%dma_wait3A_388 : memref<512xf32, #tpu.memory_space<vmem_shared>>) dst(%dma_wait3A_386 : memref<512xf32, #tpu.memory_space<vmem>>)
        tpu.yield
      }) : () -> ()
      %mul3A_327 = arith.constant 512 : i32
      %mul3A_328 = arith.muli %arg1, %mul3A_327 : i32
      %sub3A_329 = arith.constant 4096 : i32
      %sub3A_330 = arith.subi %mul3A_328, %sub3A_329 : i32
      %run_scoped3A_331 = arith.constant 7 : i32
      "tpu.region"() ({
        %run_scoped3A_372 = tpu.sem_alloc : memref<!tpu.dma_semaphore, #tpu.memory_space<semaphore_mem>>
        %dma_start3A_373 = arith.constant 3584 : i32
        %dma_start3A_374 = tpu.memref_slice %arg7[%dma_start3A_373] : memref<100000xf32, #tpu.memory_space<vmem>> -> memref<512xf32, #tpu.memory_space<vmem>>
        %dma_start3A_375 = tpu.memref_slice %arg13[%run_scoped3A_331, %sub3A_330] : memref<16x4096xf32, #tpu.memory_space<vmem_shared>> -> memref<1x512xf32, #tpu.memory_space<vmem_shared>>
        %dma_start3A_376 = tpu.memref_squeeze %dma_start3A_375 : memref<1x512xf32, #tpu.memory_space<vmem_shared>> -> memref<512xf32, #tpu.memory_space<vmem_shared>>
        %dma_start3A_377 = arith.constant 3584 : i32
        %dma_start3A_378 = tpu.memref_slice %arg7[%dma_start3A_377] : memref<100000xf32, #tpu.memory_space<vmem>> -> memref<512xf32, #tpu.memory_space<vmem>>
        %dma_start3A_379 = tpu.memref_slice %arg13[%run_scoped3A_331, %sub3A_330] : memref<16x4096xf32, #tpu.memory_space<vmem_shared>> -> memref<1x512xf32, #tpu.memory_space<vmem_shared>>
        %dma_start3A_380 = tpu.memref_squeeze %dma_start3A_379 : memref<1x512xf32, #tpu.memory_space<vmem_shared>> -> memref<512xf32, #tpu.memory_space<vmem_shared>>
        tpu.enqueue_dma source(%dma_start3A_380 : memref<512xf32, #tpu.memory_space<vmem_shared>>) target(%dma_start3A_378 : memref<512xf32, #tpu.memory_space<vmem>>) target_semaphore(%run_scoped3A_372 : memref<!tpu.dma_semaphore, #tpu.memory_space<semaphore_mem>>)
        %dma_wait3A_381 = arith.constant 3584 : i32
        %dma_wait3A_382 = tpu.memref_slice %arg7[%dma_wait3A_381] : memref<100000xf32, #tpu.memory_space<vmem>> -> memref<512xf32, #tpu.memory_space<vmem>>
        %dma_wait3A_383 = tpu.memref_slice %arg13[%run_scoped3A_331, %sub3A_330] : memref<16x4096xf32, #tpu.memory_space<vmem_shared>> -> memref<1x512xf32, #tpu.memory_space<vmem_shared>>
        %dma_wait3A_384 = tpu.memref_squeeze %dma_wait3A_383 : memref<1x512xf32, #tpu.memory_space<vmem_shared>> -> memref<512xf32, #tpu.memory_space<vmem_shared>>
        %dma_wait3A_385 = arith.constant 3584 : i32
        %dma_wait3A_386 = tpu.memref_slice %arg7[%dma_wait3A_385] : memref<100000xf32, #tpu.memory_space<vmem>> -> memref<512xf32, #tpu.memory_space<vmem>>
        %dma_wait3A_387 = tpu.memref_slice %arg13[%run_scoped3A_331, %sub3A_330] : memref<16x4096xf32, #tpu.memory_space<vmem_shared>> -> memref<1x512xf32, #tpu.memory_space<vmem_shared>>
        %dma_wait3A_388 = tpu.memref_squeeze %dma_wait3A_387 : memref<1x512xf32, #tpu.memory_space<vmem_shared>> -> memref<512xf32, #tpu.memory_space<vmem_shared>>
        tpu.wait_dma2 semaphore(%run_scoped3A_372 : memref<!tpu.dma_semaphore, #tpu.memory_space<semaphore_mem>>) src(%dma_wait3A_388 : memref<512xf32, #tpu.memory_space<vmem_shared>>) dst(%dma_wait3A_386 : memref<512xf32, #tpu.memory_space<vmem>>)
        tpu.yield
      }) : () -> ()
      %mul3A_332 = arith.constant 512 : i32
      %mul3A_333 = arith.muli %arg1, %mul3A_332 : i32
      %sub3A_334 = arith.constant 4096 : i32
      %sub3A_335 = arith.subi %mul3A_333, %sub3A_334 : i32
      %run_scoped3A_336 = arith.constant 8 : i32
      "tpu.region"() ({
        %run_scoped3A_372 = tpu.sem_alloc : memref<!tpu.dma_semaphore, #tpu.memory_space<semaphore_mem>>
        %dma_start3A_373 = arith.constant 4096 : i32
        %dma_start3A_374 = tpu.memref_slice %arg7[%dma_start3A_373] : memref<100000xf32, #tpu.memory_space<vmem>> -> memref<512xf32, #tpu.memory_space<vmem>>
        %dma_start3A_375 = tpu.memref_slice %arg13[%run_scoped3A_336, %sub3A_335] : memref<16x4096xf32, #tpu.memory_space<vmem_shared>> -> memref<1x512xf32, #tpu.memory_space<vmem_shared>>
        %dma_start3A_376 = tpu.memref_squeeze %dma_start3A_375 : memref<1x512xf32, #tpu.memory_space<vmem_shared>> -> memref<512xf32, #tpu.memory_space<vmem_shared>>
        %dma_start3A_377 = arith.constant 4096 : i32
        %dma_start3A_378 = tpu.memref_slice %arg7[%dma_start3A_377] : memref<100000xf32, #tpu.memory_space<vmem>> -> memref<512xf32, #tpu.memory_space<vmem>>
        %dma_start3A_379 = tpu.memref_slice %arg13[%run_scoped3A_336, %sub3A_335] : memref<16x4096xf32, #tpu.memory_space<vmem_shared>> -> memref<1x512xf32, #tpu.memory_space<vmem_shared>>
        %dma_start3A_380 = tpu.memref_squeeze %dma_start3A_379 : memref<1x512xf32, #tpu.memory_space<vmem_shared>> -> memref<512xf32, #tpu.memory_space<vmem_shared>>
        tpu.enqueue_dma source(%dma_start3A_380 : memref<512xf32, #tpu.memory_space<vmem_shared>>) target(%dma_start3A_378 : memref<512xf32, #tpu.memory_space<vmem>>) target_semaphore(%run_scoped3A_372 : memref<!tpu.dma_semaphore, #tpu.memory_space<semaphore_mem>>)
        %dma_wait3A_381 = arith.constant 4096 : i32
        %dma_wait3A_382 = tpu.memref_slice %arg7[%dma_wait3A_381] : memref<100000xf32, #tpu.memory_space<vmem>> -> memref<512xf32, #tpu.memory_space<vmem>>
        %dma_wait3A_383 = tpu.memref_slice %arg13[%run_scoped3A_336, %sub3A_335] : memref<16x4096xf32, #tpu.memory_space<vmem_shared>> -> memref<1x512xf32, #tpu.memory_space<vmem_shared>>
        %dma_wait3A_384 = tpu.memref_squeeze %dma_wait3A_383 : memref<1x512xf32, #tpu.memory_space<vmem_shared>> -> memref<512xf32, #tpu.memory_space<vmem_shared>>
        %dma_wait3A_385 = arith.constant 4096 : i32
        %dma_wait3A_386 = tpu.memref_slice %arg7[%dma_wait3A_385] : memref<100000xf32, #tpu.memory_space<vmem>> -> memref<512xf32, #tpu.memory_space<vmem>>
        %dma_wait3A_387 = tpu.memref_slice %arg13[%run_scoped3A_336, %sub3A_335] : memref<16x4096xf32, #tpu.memory_space<vmem_shared>> -> memref<1x512xf32, #tpu.memory_space<vmem_shared>>
        %dma_wait3A_388 = tpu.memref_squeeze %dma_wait3A_387 : memref<1x512xf32, #tpu.memory_space<vmem_shared>> -> memref<512xf32, #tpu.memory_space<vmem_shared>>
        tpu.wait_dma2 semaphore(%run_scoped3A_372 : memref<!tpu.dma_semaphore, #tpu.memory_space<semaphore_mem>>) src(%dma_wait3A_388 : memref<512xf32, #tpu.memory_space<vmem_shared>>) dst(%dma_wait3A_386 : memref<512xf32, #tpu.memory_space<vmem>>)
        tpu.yield
      }) : () -> ()
      %mul3A_337 = arith.constant 512 : i32
      %mul3A_338 = arith.muli %arg1, %mul3A_337 : i32
      %sub3A_339 = arith.constant 4096 : i32
      %sub3A_340 = arith.subi %mul3A_338, %sub3A_339 : i32
      %run_scoped3A_341 = arith.constant 9 : i32
      "tpu.region"() ({
        %run_scoped3A_372 = tpu.sem_alloc : memref<!tpu.dma_semaphore, #tpu.memory_space<semaphore_mem>>
        %dma_start3A_373 = arith.constant 4608 : i32
        %dma_start3A_374 = tpu.memref_slice %arg7[%dma_start3A_373] : memref<100000xf32, #tpu.memory_space<vmem>> -> memref<512xf32, #tpu.memory_space<vmem>>
        %dma_start3A_375 = tpu.memref_slice %arg13[%run_scoped3A_341, %sub3A_340] : memref<16x4096xf32, #tpu.memory_space<vmem_shared>> -> memref<1x512xf32, #tpu.memory_space<vmem_shared>>
        %dma_start3A_376 = tpu.memref_squeeze %dma_start3A_375 : memref<1x512xf32, #tpu.memory_space<vmem_shared>> -> memref<512xf32, #tpu.memory_space<vmem_shared>>
        %dma_start3A_377 = arith.constant 4608 : i32
        %dma_start3A_378 = tpu.memref_slice %arg7[%dma_start3A_377] : memref<100000xf32, #tpu.memory_space<vmem>> -> memref<512xf32, #tpu.memory_space<vmem>>
        %dma_start3A_379 = tpu.memref_slice %arg13[%run_scoped3A_341, %sub3A_340] : memref<16x4096xf32, #tpu.memory_space<vmem_shared>> -> memref<1x512xf32, #tpu.memory_space<vmem_shared>>
        %dma_start3A_380 = tpu.memref_squeeze %dma_start3A_379 : memref<1x512xf32, #tpu.memory_space<vmem_shared>> -> memref<512xf32, #tpu.memory_space<vmem_shared>>
        tpu.enqueue_dma source(%dma_start3A_380 : memref<512xf32, #tpu.memory_space<vmem_shared>>) target(%dma_start3A_378 : memref<512xf32, #tpu.memory_space<vmem>>) target_semaphore(%run_scoped3A_372 : memref<!tpu.dma_semaphore, #tpu.memory_space<semaphore_mem>>)
        %dma_wait3A_381 = arith.constant 4608 : i32
        %dma_wait3A_382 = tpu.memref_slice %arg7[%dma_wait3A_381] : memref<100000xf32, #tpu.memory_space<vmem>> -> memref<512xf32, #tpu.memory_space<vmem>>
        %dma_wait3A_383 = tpu.memref_slice %arg13[%run_scoped3A_341, %sub3A_340] : memref<16x4096xf32, #tpu.memory_space<vmem_shared>> -> memref<1x512xf32, #tpu.memory_space<vmem_shared>>
        %dma_wait3A_384 = tpu.memref_squeeze %dma_wait3A_383 : memref<1x512xf32, #tpu.memory_space<vmem_shared>> -> memref<512xf32, #tpu.memory_space<vmem_shared>>
        %dma_wait3A_385 = arith.constant 4608 : i32
        %dma_wait3A_386 = tpu.memref_slice %arg7[%dma_wait3A_385] : memref<100000xf32, #tpu.memory_space<vmem>> -> memref<512xf32, #tpu.memory_space<vmem>>
        %dma_wait3A_387 = tpu.memref_slice %arg13[%run_scoped3A_341, %sub3A_340] : memref<16x4096xf32, #tpu.memory_space<vmem_shared>> -> memref<1x512xf32, #tpu.memory_space<vmem_shared>>
        %dma_wait3A_388 = tpu.memref_squeeze %dma_wait3A_387 : memref<1x512xf32, #tpu.memory_space<vmem_shared>> -> memref<512xf32, #tpu.memory_space<vmem_shared>>
        tpu.wait_dma2 semaphore(%run_scoped3A_372 : memref<!tpu.dma_semaphore, #tpu.memory_space<semaphore_mem>>) src(%dma_wait3A_388 : memref<512xf32, #tpu.memory_space<vmem_shared>>) dst(%dma_wait3A_386 : memref<512xf32, #tpu.memory_space<vmem>>)
        tpu.yield
      }) : () -> ()
      %mul3A_342 = arith.constant 512 : i32
      %mul3A_343 = arith.muli %arg1, %mul3A_342 : i32
      %sub3A_344 = arith.constant 4096 : i32
      %sub3A_345 = arith.subi %mul3A_343, %sub3A_344 : i32
      %run_scoped3A_346 = arith.constant 10 : i32
      "tpu.region"() ({
        %run_scoped3A_372 = tpu.sem_alloc : memref<!tpu.dma_semaphore, #tpu.memory_space<semaphore_mem>>
        %dma_start3A_373 = arith.constant 5120 : i32
        %dma_start3A_374 = tpu.memref_slice %arg7[%dma_start3A_373] : memref<100000xf32, #tpu.memory_space<vmem>> -> memref<512xf32, #tpu.memory_space<vmem>>
        %dma_start3A_375 = tpu.memref_slice %arg13[%run_scoped3A_346, %sub3A_345] : memref<16x4096xf32, #tpu.memory_space<vmem_shared>> -> memref<1x512xf32, #tpu.memory_space<vmem_shared>>
        %dma_start3A_376 = tpu.memref_squeeze %dma_start3A_375 : memref<1x512xf32, #tpu.memory_space<vmem_shared>> -> memref<512xf32, #tpu.memory_space<vmem_shared>>
        %dma_start3A_377 = arith.constant 5120 : i32
        %dma_start3A_378 = tpu.memref_slice %arg7[%dma_start3A_377] : memref<100000xf32, #tpu.memory_space<vmem>> -> memref<512xf32, #tpu.memory_space<vmem>>
        %dma_start3A_379 = tpu.memref_slice %arg13[%run_scoped3A_346, %sub3A_345] : memref<16x4096xf32, #tpu.memory_space<vmem_shared>> -> memref<1x512xf32, #tpu.memory_space<vmem_shared>>
        %dma_start3A_380 = tpu.memref_squeeze %dma_start3A_379 : memref<1x512xf32, #tpu.memory_space<vmem_shared>> -> memref<512xf32, #tpu.memory_space<vmem_shared>>
        tpu.enqueue_dma source(%dma_start3A_380 : memref<512xf32, #tpu.memory_space<vmem_shared>>) target(%dma_start3A_378 : memref<512xf32, #tpu.memory_space<vmem>>) target_semaphore(%run_scoped3A_372 : memref<!tpu.dma_semaphore, #tpu.memory_space<semaphore_mem>>)
        %dma_wait3A_381 = arith.constant 5120 : i32
        %dma_wait3A_382 = tpu.memref_slice %arg7[%dma_wait3A_381] : memref<100000xf32, #tpu.memory_space<vmem>> -> memref<512xf32, #tpu.memory_space<vmem>>
        %dma_wait3A_383 = tpu.memref_slice %arg13[%run_scoped3A_346, %sub3A_345] : memref<16x4096xf32, #tpu.memory_space<vmem_shared>> -> memref<1x512xf32, #tpu.memory_space<vmem_shared>>
        %dma_wait3A_384 = tpu.memref_squeeze %dma_wait3A_383 : memref<1x512xf32, #tpu.memory_space<vmem_shared>> -> memref<512xf32, #tpu.memory_space<vmem_shared>>
        %dma_wait3A_385 = arith.constant 5120 : i32
        %dma_wait3A_386 = tpu.memref_slice %arg7[%dma_wait3A_385] : memref<100000xf32, #tpu.memory_space<vmem>> -> memref<512xf32, #tpu.memory_space<vmem>>
        %dma_wait3A_387 = tpu.memref_slice %arg13[%run_scoped3A_346, %sub3A_345] : memref<16x4096xf32, #tpu.memory_space<vmem_shared>> -> memref<1x512xf32, #tpu.memory_space<vmem_shared>>
        %dma_wait3A_388 = tpu.memref_squeeze %dma_wait3A_387 : memref<1x512xf32, #tpu.memory_space<vmem_shared>> -> memref<512xf32, #tpu.memory_space<vmem_shared>>
        tpu.wait_dma2 semaphore(%run_scoped3A_372 : memref<!tpu.dma_semaphore, #tpu.memory_space<semaphore_mem>>) src(%dma_wait3A_388 : memref<512xf32, #tpu.memory_space<vmem_shared>>) dst(%dma_wait3A_386 : memref<512xf32, #tpu.memory_space<vmem>>)
        tpu.yield
      }) : () -> ()
      %mul3A_347 = arith.constant 512 : i32
      %mul3A_348 = arith.muli %arg1, %mul3A_347 : i32
      %sub3A_349 = arith.constant 4096 : i32
      %sub3A_350 = arith.subi %mul3A_348, %sub3A_349 : i32
      %run_scoped3A_351 = arith.constant 11 : i32
      "tpu.region"() ({
        %run_scoped3A_372 = tpu.sem_alloc : memref<!tpu.dma_semaphore, #tpu.memory_space<semaphore_mem>>
        %dma_start3A_373 = arith.constant 5632 : i32
        %dma_start3A_374 = tpu.memref_slice %arg7[%dma_start3A_373] : memref<100000xf32, #tpu.memory_space<vmem>> -> memref<512xf32, #tpu.memory_space<vmem>>
        %dma_start3A_375 = tpu.memref_slice %arg13[%run_scoped3A_351, %sub3A_350] : memref<16x4096xf32, #tpu.memory_space<vmem_shared>> -> memref<1x512xf32, #tpu.memory_space<vmem_shared>>
        %dma_start3A_376 = tpu.memref_squeeze %dma_start3A_375 : memref<1x512xf32, #tpu.memory_space<vmem_shared>> -> memref<512xf32, #tpu.memory_space<vmem_shared>>
        %dma_start3A_377 = arith.constant 5632 : i32
        %dma_start3A_378 = tpu.memref_slice %arg7[%dma_start3A_377] : memref<100000xf32, #tpu.memory_space<vmem>> -> memref<512xf32, #tpu.memory_space<vmem>>
        %dma_start3A_379 = tpu.memref_slice %arg13[%run_scoped3A_351, %sub3A_350] : memref<16x4096xf32, #tpu.memory_space<vmem_shared>> -> memref<1x512xf32, #tpu.memory_space<vmem_shared>>
        %dma_start3A_380 = tpu.memref_squeeze %dma_start3A_379 : memref<1x512xf32, #tpu.memory_space<vmem_shared>> -> memref<512xf32, #tpu.memory_space<vmem_shared>>
        tpu.enqueue_dma source(%dma_start3A_380 : memref<512xf32, #tpu.memory_space<vmem_shared>>) target(%dma_start3A_378 : memref<512xf32, #tpu.memory_space<vmem>>) target_semaphore(%run_scoped3A_372 : memref<!tpu.dma_semaphore, #tpu.memory_space<semaphore_mem>>)
        %dma_wait3A_381 = arith.constant 5632 : i32
        %dma_wait3A_382 = tpu.memref_slice %arg7[%dma_wait3A_381] : memref<100000xf32, #tpu.memory_space<vmem>> -> memref<512xf32, #tpu.memory_space<vmem>>
        %dma_wait3A_383 = tpu.memref_slice %arg13[%run_scoped3A_351, %sub3A_350] : memref<16x4096xf32, #tpu.memory_space<vmem_shared>> -> memref<1x512xf32, #tpu.memory_space<vmem_shared>>
        %dma_wait3A_384 = tpu.memref_squeeze %dma_wait3A_383 : memref<1x512xf32, #tpu.memory_space<vmem_shared>> -> memref<512xf32, #tpu.memory_space<vmem_shared>>
        %dma_wait3A_385 = arith.constant 5632 : i32
        %dma_wait3A_386 = tpu.memref_slice %arg7[%dma_wait3A_385] : memref<100000xf32, #tpu.memory_space<vmem>> -> memref<512xf32, #tpu.memory_space<vmem>>
        %dma_wait3A_387 = tpu.memref_slice %arg13[%run_scoped3A_351, %sub3A_350] : memref<16x4096xf32, #tpu.memory_space<vmem_shared>> -> memref<1x512xf32, #tpu.memory_space<vmem_shared>>
        %dma_wait3A_388 = tpu.memref_squeeze %dma_wait3A_387 : memref<1x512xf32, #tpu.memory_space<vmem_shared>> -> memref<512xf32, #tpu.memory_space<vmem_shared>>
        tpu.wait_dma2 semaphore(%run_scoped3A_372 : memref<!tpu.dma_semaphore, #tpu.memory_space<semaphore_mem>>) src(%dma_wait3A_388 : memref<512xf32, #tpu.memory_space<vmem_shared>>) dst(%dma_wait3A_386 : memref<512xf32, #tpu.memory_space<vmem>>)
        tpu.yield
      }) : () -> ()
      %mul3A_352 = arith.constant 512 : i32
      %mul3A_353 = arith.muli %arg1, %mul3A_352 : i32
      %sub3A_354 = arith.constant 4096 : i32
      %sub3A_355 = arith.subi %mul3A_353, %sub3A_354 : i32
      %run_scoped3A_356 = arith.constant 12 : i32
      "tpu.region"() ({
        %run_scoped3A_372 = tpu.sem_alloc : memref<!tpu.dma_semaphore, #tpu.memory_space<semaphore_mem>>
        %dma_start3A_373 = arith.constant 6144 : i32
        %dma_start3A_374 = tpu.memref_slice %arg7[%dma_start3A_373] : memref<100000xf32, #tpu.memory_space<vmem>> -> memref<512xf32, #tpu.memory_space<vmem>>
        %dma_start3A_375 = tpu.memref_slice %arg13[%run_scoped3A_356, %sub3A_355] : memref<16x4096xf32, #tpu.memory_space<vmem_shared>> -> memref<1x512xf32, #tpu.memory_space<vmem_shared>>
        %dma_start3A_376 = tpu.memref_squeeze %dma_start3A_375 : memref<1x512xf32, #tpu.memory_space<vmem_shared>> -> memref<512xf32, #tpu.memory_space<vmem_shared>>
        %dma_start3A_377 = arith.constant 6144 : i32
        %dma_start3A_378 = tpu.memref_slice %arg7[%dma_start3A_377] : memref<100000xf32, #tpu.memory_space<vmem>> -> memref<512xf32, #tpu.memory_space<vmem>>
        %dma_start3A_379 = tpu.memref_slice %arg13[%run_scoped3A_356, %sub3A_355] : memref<16x4096xf32, #tpu.memory_space<vmem_shared>> -> memref<1x512xf32, #tpu.memory_space<vmem_shared>>
        %dma_start3A_380 = tpu.memref_squeeze %dma_start3A_379 : memref<1x512xf32, #tpu.memory_space<vmem_shared>> -> memref<512xf32, #tpu.memory_space<vmem_shared>>
        tpu.enqueue_dma source(%dma_start3A_380 : memref<512xf32, #tpu.memory_space<vmem_shared>>) target(%dma_start3A_378 : memref<512xf32, #tpu.memory_space<vmem>>) target_semaphore(%run_scoped3A_372 : memref<!tpu.dma_semaphore, #tpu.memory_space<semaphore_mem>>)
        %dma_wait3A_381 = arith.constant 6144 : i32
        %dma_wait3A_382 = tpu.memref_slice %arg7[%dma_wait3A_381] : memref<100000xf32, #tpu.memory_space<vmem>> -> memref<512xf32, #tpu.memory_space<vmem>>
        %dma_wait3A_383 = tpu.memref_slice %arg13[%run_scoped3A_356, %sub3A_355] : memref<16x4096xf32, #tpu.memory_space<vmem_shared>> -> memref<1x512xf32, #tpu.memory_space<vmem_shared>>
        %dma_wait3A_384 = tpu.memref_squeeze %dma_wait3A_383 : memref<1x512xf32, #tpu.memory_space<vmem_shared>> -> memref<512xf32, #tpu.memory_space<vmem_shared>>
        %dma_wait3A_385 = arith.constant 6144 : i32
        %dma_wait3A_386 = tpu.memref_slice %arg7[%dma_wait3A_385] : memref<100000xf32, #tpu.memory_space<vmem>> -> memref<512xf32, #tpu.memory_space<vmem>>
        %dma_wait3A_387 = tpu.memref_slice %arg13[%run_scoped3A_356, %sub3A_355] : memref<16x4096xf32, #tpu.memory_space<vmem_shared>> -> memref<1x512xf32, #tpu.memory_space<vmem_shared>>
        %dma_wait3A_388 = tpu.memref_squeeze %dma_wait3A_387 : memref<1x512xf32, #tpu.memory_space<vmem_shared>> -> memref<512xf32, #tpu.memory_space<vmem_shared>>
        tpu.wait_dma2 semaphore(%run_scoped3A_372 : memref<!tpu.dma_semaphore, #tpu.memory_space<semaphore_mem>>) src(%dma_wait3A_388 : memref<512xf32, #tpu.memory_space<vmem_shared>>) dst(%dma_wait3A_386 : memref<512xf32, #tpu.memory_space<vmem>>)
        tpu.yield
      }) : () -> ()
      %mul3A_357 = arith.constant 512 : i32
      %mul3A_358 = arith.muli %arg1, %mul3A_357 : i32
      %sub3A_359 = arith.constant 4096 : i32
      %sub3A_360 = arith.subi %mul3A_358, %sub3A_359 : i32
      %run_scoped3A_361 = arith.constant 13 : i32
      "tpu.region"() ({
        %run_scoped3A_372 = tpu.sem_alloc : memref<!tpu.dma_semaphore, #tpu.memory_space<semaphore_mem>>
        %dma_start3A_373 = arith.constant 6656 : i32
        %dma_start3A_374 = tpu.memref_slice %arg7[%dma_start3A_373] : memref<100000xf32, #tpu.memory_space<vmem>> -> memref<512xf32, #tpu.memory_space<vmem>>
        %dma_start3A_375 = tpu.memref_slice %arg13[%run_scoped3A_361, %sub3A_360] : memref<16x4096xf32, #tpu.memory_space<vmem_shared>> -> memref<1x512xf32, #tpu.memory_space<vmem_shared>>
        %dma_start3A_376 = tpu.memref_squeeze %dma_start3A_375 : memref<1x512xf32, #tpu.memory_space<vmem_shared>> -> memref<512xf32, #tpu.memory_space<vmem_shared>>
        %dma_start3A_377 = arith.constant 6656 : i32
        %dma_start3A_378 = tpu.memref_slice %arg7[%dma_start3A_377] : memref<100000xf32, #tpu.memory_space<vmem>> -> memref<512xf32, #tpu.memory_space<vmem>>
        %dma_start3A_379 = tpu.memref_slice %arg13[%run_scoped3A_361, %sub3A_360] : memref<16x4096xf32, #tpu.memory_space<vmem_shared>> -> memref<1x512xf32, #tpu.memory_space<vmem_shared>>
        %dma_start3A_380 = tpu.memref_squeeze %dma_start3A_379 : memref<1x512xf32, #tpu.memory_space<vmem_shared>> -> memref<512xf32, #tpu.memory_space<vmem_shared>>
        tpu.enqueue_dma source(%dma_start3A_380 : memref<512xf32, #tpu.memory_space<vmem_shared>>) target(%dma_start3A_378 : memref<512xf32, #tpu.memory_space<vmem>>) target_semaphore(%run_scoped3A_372 : memref<!tpu.dma_semaphore, #tpu.memory_space<semaphore_mem>>)
        %dma_wait3A_381 = arith.constant 6656 : i32
        %dma_wait3A_382 = tpu.memref_slice %arg7[%dma_wait3A_381] : memref<100000xf32, #tpu.memory_space<vmem>> -> memref<512xf32, #tpu.memory_space<vmem>>
        %dma_wait3A_383 = tpu.memref_slice %arg13[%run_scoped3A_361, %sub3A_360] : memref<16x4096xf32, #tpu.memory_space<vmem_shared>> -> memref<1x512xf32, #tpu.memory_space<vmem_shared>>
        %dma_wait3A_384 = tpu.memref_squeeze %dma_wait3A_383 : memref<1x512xf32, #tpu.memory_space<vmem_shared>> -> memref<512xf32, #tpu.memory_space<vmem_shared>>
        %dma_wait3A_385 = arith.constant 6656 : i32
        %dma_wait3A_386 = tpu.memref_slice %arg7[%dma_wait3A_385] : memref<100000xf32, #tpu.memory_space<vmem>> -> memref<512xf32, #tpu.memory_space<vmem>>
        %dma_wait3A_387 = tpu.memref_slice %arg13[%run_scoped3A_361, %sub3A_360] : memref<16x4096xf32, #tpu.memory_space<vmem_shared>> -> memref<1x512xf32, #tpu.memory_space<vmem_shared>>
        %dma_wait3A_388 = tpu.memref_squeeze %dma_wait3A_387 : memref<1x512xf32, #tpu.memory_space<vmem_shared>> -> memref<512xf32, #tpu.memory_space<vmem_shared>>
        tpu.wait_dma2 semaphore(%run_scoped3A_372 : memref<!tpu.dma_semaphore, #tpu.memory_space<semaphore_mem>>) src(%dma_wait3A_388 : memref<512xf32, #tpu.memory_space<vmem_shared>>) dst(%dma_wait3A_386 : memref<512xf32, #tpu.memory_space<vmem>>)
        tpu.yield
      }) : () -> ()
      %mul3A_362 = arith.constant 512 : i32
      %mul3A_363 = arith.muli %arg1, %mul3A_362 : i32
      %sub3A_364 = arith.constant 4096 : i32
      %sub3A_365 = arith.subi %mul3A_363, %sub3A_364 : i32
      %run_scoped3A_366 = arith.constant 14 : i32
      "tpu.region"() ({
        %run_scoped3A_372 = tpu.sem_alloc : memref<!tpu.dma_semaphore, #tpu.memory_space<semaphore_mem>>
        %dma_start3A_373 = arith.constant 7168 : i32
        %dma_start3A_374 = tpu.memref_slice %arg7[%dma_start3A_373] : memref<100000xf32, #tpu.memory_space<vmem>> -> memref<512xf32, #tpu.memory_space<vmem>>
        %dma_start3A_375 = tpu.memref_slice %arg13[%run_scoped3A_366, %sub3A_365] : memref<16x4096xf32, #tpu.memory_space<vmem_shared>> -> memref<1x512xf32, #tpu.memory_space<vmem_shared>>
        %dma_start3A_376 = tpu.memref_squeeze %dma_start3A_375 : memref<1x512xf32, #tpu.memory_space<vmem_shared>> -> memref<512xf32, #tpu.memory_space<vmem_shared>>
        %dma_start3A_377 = arith.constant 7168 : i32
        %dma_start3A_378 = tpu.memref_slice %arg7[%dma_start3A_377] : memref<100000xf32, #tpu.memory_space<vmem>> -> memref<512xf32, #tpu.memory_space<vmem>>
        %dma_start3A_379 = tpu.memref_slice %arg13[%run_scoped3A_366, %sub3A_365] : memref<16x4096xf32, #tpu.memory_space<vmem_shared>> -> memref<1x512xf32, #tpu.memory_space<vmem_shared>>
        %dma_start3A_380 = tpu.memref_squeeze %dma_start3A_379 : memref<1x512xf32, #tpu.memory_space<vmem_shared>> -> memref<512xf32, #tpu.memory_space<vmem_shared>>
        tpu.enqueue_dma source(%dma_start3A_380 : memref<512xf32, #tpu.memory_space<vmem_shared>>) target(%dma_start3A_378 : memref<512xf32, #tpu.memory_space<vmem>>) target_semaphore(%run_scoped3A_372 : memref<!tpu.dma_semaphore, #tpu.memory_space<semaphore_mem>>)
        %dma_wait3A_381 = arith.constant 7168 : i32
        %dma_wait3A_382 = tpu.memref_slice %arg7[%dma_wait3A_381] : memref<100000xf32, #tpu.memory_space<vmem>> -> memref<512xf32, #tpu.memory_space<vmem>>
        %dma_wait3A_383 = tpu.memref_slice %arg13[%run_scoped3A_366, %sub3A_365] : memref<16x4096xf32, #tpu.memory_space<vmem_shared>> -> memref<1x512xf32, #tpu.memory_space<vmem_shared>>
        %dma_wait3A_384 = tpu.memref_squeeze %dma_wait3A_383 : memref<1x512xf32, #tpu.memory_space<vmem_shared>> -> memref<512xf32, #tpu.memory_space<vmem_shared>>
        %dma_wait3A_385 = arith.constant 7168 : i32
        %dma_wait3A_386 = tpu.memref_slice %arg7[%dma_wait3A_385] : memref<100000xf32, #tpu.memory_space<vmem>> -> memref<512xf32, #tpu.memory_space<vmem>>
        %dma_wait3A_387 = tpu.memref_slice %arg13[%run_scoped3A_366, %sub3A_365] : memref<16x4096xf32, #tpu.memory_space<vmem_shared>> -> memref<1x512xf32, #tpu.memory_space<vmem_shared>>
        %dma_wait3A_388 = tpu.memref_squeeze %dma_wait3A_387 : memref<1x512xf32, #tpu.memory_space<vmem_shared>> -> memref<512xf32, #tpu.memory_space<vmem_shared>>
        tpu.wait_dma2 semaphore(%run_scoped3A_372 : memref<!tpu.dma_semaphore, #tpu.memory_space<semaphore_mem>>) src(%dma_wait3A_388 : memref<512xf32, #tpu.memory_space<vmem_shared>>) dst(%dma_wait3A_386 : memref<512xf32, #tpu.memory_space<vmem>>)
        tpu.yield
      }) : () -> ()
      %mul3A_367 = arith.constant 512 : i32
      %mul3A_368 = arith.muli %arg1, %mul3A_367 : i32
      %sub3A_369 = arith.constant 4096 : i32
      %sub3A_370 = arith.subi %mul3A_368, %sub3A_369 : i32
      %run_scoped3A_371 = arith.constant 15 : i32
      "tpu.region"() ({
        %run_scoped3A_372 = tpu.sem_alloc : memref<!tpu.dma_semaphore, #tpu.memory_space<semaphore_mem>>
        %dma_start3A_373 = arith.constant 7680 : i32
        %dma_start3A_374 = tpu.memref_slice %arg7[%dma_start3A_373] : memref<100000xf32, #tpu.memory_space<vmem>> -> memref<512xf32, #tpu.memory_space<vmem>>
        %dma_start3A_375 = tpu.memref_slice %arg13[%run_scoped3A_371, %sub3A_370] : memref<16x4096xf32, #tpu.memory_space<vmem_shared>> -> memref<1x512xf32, #tpu.memory_space<vmem_shared>>
        %dma_start3A_376 = tpu.memref_squeeze %dma_start3A_375 : memref<1x512xf32, #tpu.memory_space<vmem_shared>> -> memref<512xf32, #tpu.memory_space<vmem_shared>>
        %dma_start3A_377 = arith.constant 7680 : i32
        %dma_start3A_378 = tpu.memref_slice %arg7[%dma_start3A_377] : memref<100000xf32, #tpu.memory_space<vmem>> -> memref<512xf32, #tpu.memory_space<vmem>>
        %dma_start3A_379 = tpu.memref_slice %arg13[%run_scoped3A_371, %sub3A_370] : memref<16x4096xf32, #tpu.memory_space<vmem_shared>> -> memref<1x512xf32, #tpu.memory_space<vmem_shared>>
        %dma_start3A_380 = tpu.memref_squeeze %dma_start3A_379 : memref<1x512xf32, #tpu.memory_space<vmem_shared>> -> memref<512xf32, #tpu.memory_space<vmem_shared>>
        tpu.enqueue_dma source(%dma_start3A_380 : memref<512xf32, #tpu.memory_space<vmem_shared>>) target(%dma_start3A_378 : memref<512xf32, #tpu.memory_space<vmem>>) target_semaphore(%run_scoped3A_372 : memref<!tpu.dma_semaphore, #tpu.memory_space<semaphore_mem>>)
        %dma_wait3A_381 = arith.constant 7680 : i32
        %dma_wait3A_382 = tpu.memref_slice %arg7[%dma_wait3A_381] : memref<100000xf32, #tpu.memory_space<vmem>> -> memref<512xf32, #tpu.memory_space<vmem>>
        %dma_wait3A_383 = tpu.memref_slice %arg13[%run_scoped3A_371, %sub3A_370] : memref<16x4096xf32, #tpu.memory_space<vmem_shared>> -> memref<1x512xf32, #tpu.memory_space<vmem_shared>>
        %dma_wait3A_384 = tpu.memref_squeeze %dma_wait3A_383 : memref<1x512xf32, #tpu.memory_space<vmem_shared>> -> memref<512xf32, #tpu.memory_space<vmem_shared>>
        %dma_wait3A_385 = arith.constant 7680 : i32
        %dma_wait3A_386 = tpu.memref_slice %arg7[%dma_wait3A_385] : memref<100000xf32, #tpu.memory_space<vmem>> -> memref<512xf32, #tpu.memory_space<vmem>>
        %dma_wait3A_387 = tpu.memref_slice %arg13[%run_scoped3A_371, %sub3A_370] : memref<16x4096xf32, #tpu.memory_space<vmem_shared>> -> memref<1x512xf32, #tpu.memory_space<vmem_shared>>
        %dma_wait3A_388 = tpu.memref_squeeze %dma_wait3A_387 : memref<1x512xf32, #tpu.memory_space<vmem_shared>> -> memref<512xf32, #tpu.memory_space<vmem_shared>>
        tpu.wait_dma2 semaphore(%run_scoped3A_372 : memref<!tpu.dma_semaphore, #tpu.memory_space<semaphore_mem>>) src(%dma_wait3A_388 : memref<512xf32, #tpu.memory_space<vmem_shared>>) dst(%dma_wait3A_386 : memref<512xf32, #tpu.memory_space<vmem>>)
        tpu.yield
      }) : () -> ()
    } else {
    }
    %barrier3A_286 = arith.constant 0 : index
    tpu.barrier barrier_id(%barrier3A_286)
    %parallel_loop3A_287 = arith.constant 0 : i32
    %parallel_loop3A_288 = arith.constant 512 : i32
    %parallel_loop3A_289 = arith.constant 16 : i32
    scf.for %parallel_loop3A_293 = %parallel_loop3A_287 to %parallel_loop3A_288 step %parallel_loop3A_289  : i32 {
      %parallel_loop3A_294 = arith.index_cast %parallel_loop3A_293 : i32 to index
      %parallel_loop3A_295 = tpu.vector_load %arg7[%parallel_loop3A_294] {strides = array<i32>} : memref<100000xf32, #tpu.memory_space<vmem>>, vector<16xf32>,
      %parallel_loop3A_296 = arith.constant 512 : i32
      %parallel_loop3A_297 = arith.addi %parallel_loop3A_296, %parallel_loop3A_293 : i32
      %parallel_loop3A_298 = arith.index_cast %parallel_loop3A_297 : i32 to index
      %parallel_loop3A_299 = tpu.vector_load %arg7[%parallel_loop3A_298] {strides = array<i32>} : memref<100000xf32, #tpu.memory_space<vmem>>, vector<16xf32>,
      %parallel_loop3A_300 = arith.addf %parallel_loop3A_295, %parallel_loop3A_299 : vector<16xf32>
      %parallel_loop3A_301 = arith.constant 1024 : i32
      %parallel_loop3A_302 = arith.addi %parallel_loop3A_301, %parallel_loop3A_293 : i32
      %parallel_loop3A_303 = arith.index_cast %parallel_loop3A_302 : i32 to index
      %parallel_loop3A_304 = tpu.vector_load %arg7[%parallel_loop3A_303] {strides = array<i32>} : memref<100000xf32, #tpu.memory_space<vmem>>, vector<16xf32>,
      %parallel_loop3A_305 = arith.addf %parallel_loop3A_300, %parallel_loop3A_304 : vector<16xf32>
      %parallel_loop3A_306 = arith.constant 1536 : i32
      %parallel_loop3A_307 = arith.addi %parallel_loop3A_306, %parallel_loop3A_293 : i32
      %parallel_loop3A_308 = arith.index_cast %parallel_loop3A_307 : i32 to index
      %parallel_loop3A_309 = tpu.vector_load %arg7[%parallel_loop3A_308] {strides = array<i32>} : memref<100000xf32, #tpu.memory_space<vmem>>, vector<16xf32>,
      %parallel_loop3A_310 = arith.addf %parallel_loop3A_305, %parallel_loop3A_309 : vector<16xf32>
      %parallel_loop3A_311 = arith.constant 2048 : i32
      %parallel_loop3A_312 = arith.addi %parallel_loop3A_311, %parallel_loop3A_293 : i32
      %parallel_loop3A_313 = arith.index_cast %parallel_loop3A_312 : i32 to index
      %parallel_loop3A_314 = tpu.vector_load %arg7[%parallel_loop3A_313] {strides = array<i32>} : memref<100000xf32, #tpu.memory_space<vmem>>, vector<16xf32>,
      %parallel_loop3A_315 = arith.addf %parallel_loop3A_310, %parallel_loop3A_314 : vector<16xf32>
      %parallel_loop3A_316 = arith.constant 2560 : i32
      %parallel_loop3A_317 = arith.addi %parallel_loop3A_316, %parallel_loop3A_293 : i32
      %parallel_loop3A_318 = arith.index_cast %parallel_loop3A_317 : i32 to index
      %parallel_loop3A_319 = tpu.vector_load %arg7[%parallel_loop3A_318] {strides = array<i32>} : memref<100000xf32, #tpu.memory_space<vmem>>, vector<16xf32>,
      %parallel_loop3A_320 = arith.addf %parallel_loop3A_315, %parallel_loop3A_319 : vector<16xf32>
      %parallel_loop3A_321 = arith.constant 3072 : i32
      %parallel_loop3A_322 = arith.addi %parallel_loop3A_321, %parallel_loop3A_293 : i32
      %parallel_loop3A_323 = arith.index_cast %parallel_loop3A_322 : i32 to index
      %parallel_loop3A_324 = tpu.vector_load %arg7[%parallel_loop3A_323] {strides = array<i32>} : memref<100000xf32, #tpu.memory_space<vmem>>, vector<16xf32>,
      %parallel_loop3A_325 = arith.addf %parallel_loop3A_320, %parallel_loop3A_324 : vector<16xf32>
      %parallel_loop3A_326 = arith.constant 3584 : i32
      %parallel_loop3A_327 = arith.addi %parallel_loop3A_326, %parallel_loop3A_293 : i32
      %parallel_loop3A_328 = arith.index_cast %parallel_loop3A_327 : i32 to index
      %parallel_loop3A_329 = tpu.vector_load %arg7[%parallel_loop3A_328] {strides = array<i32>} : memref<100000xf32, #tpu.memory_space<vmem>>, vector<16xf32>,
      %parallel_loop3A_330 = arith.addf %parallel_loop3A_325, %parallel_loop3A_329 : vector<16xf32>
      %parallel_loop3A_331 = arith.constant 4096 : i32
      %parallel_loop3A_332 = arith.addi %parallel_loop3A_331, %parallel_loop3A_293 : i32
      %parallel_loop3A_333 = arith.index_cast %parallel_loop3A_332 : i32 to index
      %parallel_loop3A_334 = tpu.vector_load %arg7[%parallel_loop3A_333] {strides = array<i32>} : memref<100000xf32, #tpu.memory_space<vmem>>, vector<16xf32>,
      %parallel_loop3A_335 = arith.addf %parallel_loop3A_330, %parallel_loop3A_334 : vector<16xf32>
      %parallel_loop3A_336 = arith.constant 4608 : i32
      %parallel_loop3A_337 = arith.addi %parallel_loop3A_336, %parallel_loop3A_293 : i32
      %parallel_loop3A_338 = arith.index_cast %parallel_loop3A_337 : i32 to index
      %parallel_loop3A_339 = tpu.vector_load %arg7[%parallel_loop3A_338] {strides = array<i32>} : memref<100000xf32, #tpu.memory_space<vmem>>, vector<16xf32>,
      %parallel_loop3A_340 = arith.addf %parallel_loop3A_335, %parallel_loop3A_339 : vector<16xf32>
      %parallel_loop3A_341 = arith.constant 5120 : i32
      %parallel_loop3A_342 = arith.addi %parallel_loop3A_341, %parallel_loop3A_293 : i32
      %parallel_loop3A_343 = arith.index_cast %parallel_loop3A_342 : i32 to index
      %parallel_loop3A_344 = tpu.vector_load %arg7[%parallel_loop3A_343] {strides = array<i32>} : memref<100000xf32, #tpu.memory_space<vmem>>, vector<16xf32>,
      %parallel_loop3A_345 = arith.addf %parallel_loop3A_340, %parallel_loop3A_344 : vector<16xf32>
      %parallel_loop3A_346 = arith.constant 5632 : i32
      %parallel_loop3A_347 = arith.addi %parallel_loop3A_346, %parallel_loop3A_293 : i32
      %parallel_loop3A_348 = arith.index_cast %parallel_loop3A_347 : i32 to index
      %parallel_loop3A_349 = tpu.vector_load %arg7[%parallel_loop3A_348] {strides = array<i32>} : memref<100000xf32, #tpu.memory_space<vmem>>, vector<16xf32>,
      %parallel_loop3A_350 = arith.addf %parallel_loop3A_345, %parallel_loop3A_349 : vector<16xf32>
      %parallel_loop3A_351 = arith.constant 6144 : i32
      %parallel_loop3A_352 = arith.addi %parallel_loop3A_351, %parallel_loop3A_293 : i32
      %parallel_loop3A_353 = arith.index_cast %parallel_loop3A_352 : i32 to index
      %parallel_loop3A_354 = tpu.vector_load %arg7[%parallel_loop3A_353] {strides = array<i32>} : memref<100000xf32, #tpu.memory_space<vmem>>, vector<16xf32>,
      %parallel_loop3A_355 = arith.addf %parallel_loop3A_350, %parallel_loop3A_354 : vector<16xf32>
      %parallel_loop3A_356 = arith.constant 6656 : i32
      %parallel_loop3A_357 = arith.addi %parallel_loop3A_356, %parallel_loop3A_293 : i32
      %parallel_loop3A_358 = arith.index_cast %parallel_loop3A_357 : i32 to index
      %parallel_loop3A_359 = tpu.vector_load %arg7[%parallel_loop3A_358] {strides = array<i32>} : memref<100000xf32, #tpu.memory_space<vmem>>, vector<16xf32>,
      %parallel_loop3A_360 = arith.addf %parallel_loop3A_355, %parallel_loop3A_359 : vector<16xf32>
      %parallel_loop3A_361 = arith.constant 7168 : i32
      %parallel_loop3A_362 = arith.addi %parallel_loop3A_361, %parallel_loop3A_293 : i32
      %parallel_loop3A_363 = arith.index_cast %parallel_loop3A_362 : i32 to index
      %parallel_loop3A_364 = tpu.vector_load %arg7[%parallel_loop3A_363] {strides = array<i32>} : memref<100000xf32, #tpu.memory_space<vmem>>, vector<16xf32>,
      %parallel_loop3A_365 = arith.addf %parallel_loop3A_360, %parallel_loop3A_364 : vector<16xf32>
      %parallel_loop3A_366 = arith.constant 7680 : i32
      %parallel_loop3A_367 = arith.addi %parallel_loop3A_366, %parallel_loop3A_293 : i32
      %parallel_loop3A_368 = arith.index_cast %parallel_loop3A_367 : i32 to index
      %parallel_loop3A_369 = tpu.vector_load %arg7[%parallel_loop3A_368] {strides = array<i32>} : memref<100000xf32, #tpu.memory_space<vmem>>, vector<16xf32>,
      %parallel_loop3A_370 = arith.addf %parallel_loop3A_365, %parallel_loop3A_369 : vector<16xf32>
      %parallel_loop3A_371 = arith.index_cast %parallel_loop3A_293 : i32 to index
      %parallel_loop3A_372 = tpu.vector_load %arg12[%parallel_loop3A_371] {strides = array<i32>} : memref<512xf32, #tpu.memory_space<vmem>>, vector<16xf32>,
      tpu.vector_store %arg12[%parallel_loop3A_371], %parallel_loop3A_370 {strides = array<i32>} : memref<512xf32, #tpu.memory_space<vmem>>, vector<16xf32>,
    } {sc.loop_unroll_factor = 1 : i64, sc.parallel_access}
    %mul3A_290 = arith.constant 512 : i32
    %mul3A_291 = arith.muli %arg1, %mul3A_290 : i32
    %add3A_292 = arith.addi %mul3A_0, %mul3A_291 : i32
    "tpu.region"() ({
      %run_scoped3A = tpu.sem_alloc : memref<!tpu.dma_semaphore, #tpu.memory_space<semaphore_mem>>
      %dma_start3A_293 = tpu.memref_slice %arg6[%add3A_292] : memref<16384xf32, #tpu.memory_space<hbm>> -> memref<512xf32, #tpu.memory_space<hbm>>
      %dma_start3A_294 = tpu.memref_slice %arg6[%add3A_292] : memref<16384xf32, #tpu.memory_space<hbm>> -> memref<512xf32, #tpu.memory_space<hbm>>
      tpu.enqueue_dma source(%arg12 : memref<512xf32, #tpu.memory_space<vmem>>) target(%dma_start3A_294 : memref<512xf32, #tpu.memory_space<hbm>>) target_semaphore(%run_scoped3A : memref<!tpu.dma_semaphore, #tpu.memory_space<semaphore_mem>>)
      %dma_wait3A_295 = tpu.memref_slice %arg6[%add3A_292] : memref<16384xf32, #tpu.memory_space<hbm>> -> memref<512xf32, #tpu.memory_space<hbm>>
      %dma_wait3A_296 = tpu.memref_slice %arg6[%add3A_292] : memref<16384xf32, #tpu.memory_space<hbm>> -> memref<512xf32, #tpu.memory_space<hbm>>
      tpu.wait_dma2 semaphore(%run_scoped3A : memref<!tpu.dma_semaphore, #tpu.memory_space<semaphore_mem>>) src(%arg12 : memref<512xf32, #tpu.memory_space<vmem>>) dst(%dma_wait3A_296 : memref<512xf32, #tpu.memory_space<hbm>>)
      tpu.yield
    }) : () -> ()
    return
  }
}

</mosaic_0001>

<sc_bundles>
// kernel: kernel.3.cloned.1.call-start
scs
__scs_entry_jumppad:
0x0: {  	(pc) =	sbr.rel $0x88, $3  }
0x1: {  	(tag) =	ssettag $0x0;
	lr =	simm.s32 $0x1  }
0x2: {  	[smem:$0x3F9D] =	sst lr;
	_ =	strace $0xD0000000  }
0x3: {  	_ = 	snop  }
0x4: {  	_ = 	snop  }
0x5: {  	_ = 	snop  }
0x6: {  	_ = 	snop  }
0x7: {  	_ = 	snop  }
__scs_overlays_trampoline_lowered:
0x8: {  	[smem:$0x3FAC] =	sst s0  }
0x9: {  	[smem:$0x3FAD] =	sst s1  }
0xa: {  	[smem:$0x3FAE] =	sst s2  }
0xb: {  	[smem:$0x3FAF] =	sst s3  }
0xc: {  	[smem:$0x3FB0] =	sst s4  }
0xd: {  	[smem:$0x3FB1] =	sst s5  }
0xe: {  	[smem:$0x3FB2] =	sst s6  }
0xf: {  	[smem:$0x3FB3] =	sst s7  }
0x10: {  	[smem:$0x3FB4] =	sst s8  }
0x11: {  	[smem:$0x3FB5] =	sst s9;
	s0 =	simm.s32 @!p0 $0x0  }
0x12: {  	s1 =	sld [smem:$0x3F9B];
	s0 =	simm.s32 @p0 $0x1  }
0x13: {  	[smem:$0x3FB6] =	sst s0;
	s0 =	simm.s32 @!p1 $0x0  }
0x14: {  	s2 =	sld [smem:$0x3F9A];
	s0 =	simm.s32 @p1 $0x1  }
0x15: {  	[smem:$0x3FB7] =	sst s0;
	s0 =	simm.s32 @!p2 $0x0  }
0x16: {  	s3 =	sld [smem:$0x3FDB];
	s0 =	simm.s32 @p2 $0x1  }
0x17: {  	s4 =	simm.s32 $0x1BF5;
	[smem:$0x3FB9] =	sst s0  }
0x18: {  	s0 =	sld [smem:$0x3F9C];
	_ =	swait.ge [sflag:s4], $0x0  }
0x19: {  	s7 =	sld [smem:$0x3F9D]  }
0x1a: {  	s8 =	sadd.s32 $0xFFFFE003, lr  }
0x1b: {  	s9 =	sadd.s32 $0xFFFFFEF7, lr;
	s5 =	simm.s32 $0xFFFFFFFF;
	p2 =	slt.u32 s8, $0xFFFFF086  }
0x1c: {  	p1 =	slt.u32 s9, $0xF7A;
	s5 =	simm.s32 @!p2 $0x0  }
0x1d: {  	s5 =	simm.s32 @p1 $0x1;
	p0 =	seq.s32 s7, s2  }
0x1e: {  	s7 =	smul.u32 @!p0 $0xF7A, s2;
	p2 =	seq.s32 @!p0 s5, $0x0  }
0x1f: {  	s9 =	smul.u32 $0xF7A, s1;
	s8 =	simm.s32 @!p0 $0x1BF5;
	p2 =	por !p2, p0  }
0x20: {  	[sflag:s8] =	ssyncset.s32 @!p0 $0xFFFFF086;
	s6 =	sadd.s32 @!p0 s3, s7;
	s7 =	simm.s32 @!p0 $0x108  }
0x21: {  	s3 =	sadd.s32 s3, s9;
	s6 =	sadd.s32 @!p0 $0x88, s6;
	s7 =	simm.s32 @p2 $0x1082  }
0x22: {  	[simem:s7], [sflag:s8] =	dma.local @!p0 [hbm:s6], $0xF7A  }
0x23: {  	s9 =	sor.u32 $0xD0000000, s2;
	s6 =	simm.s32 $0x108;
	_ =	swait.ge @!p0 [sflag:s8], $0x0  }
0x24: {  	s3 =	sadd.s32 $0x88, s3;
	s6 =	simm.s32 @!p1 $0x1082;
	[sflag:s4] =	ssyncset.s32 $0xFFFFF086  }
0x25: {  	[simem:s6], [sflag:s4] =	dma.local [hbm:s3], $0xF7A  }
0x26: {  	[smem:$0x3F9D] =	sst s1;
	(tag) =	ssettag s2;
	_ =	strace s9  }
0x27: {  	s1 =	sld [smem:$0x3FAD]  }
0x28: {  	s2 =	sld [smem:$0x3FAE]  }
0x29: {  	s4 =	sld [smem:$0x3FB0]  }
0x2a: {  	p0 =	seq.s32 s5, $0x0;
	s5 =	sld [smem:$0x3FB1]  }
0x2b: {  	s6 =	sld [smem:$0x3FB2]  }
0x2c: {  	s7 =	sld [smem:$0x3FB3]  }
0x2d: {  	s3 =	simm.s32 $0x108;
	s8 =	sld [smem:$0x3FB4]  }
0x2e: {  	s3 =	simm.s32 @!p0 $0x1082;
	s9 =	sld [smem:$0x3FB5]  }
0x2f: {  	lr =	sadd.s32 s0, s3;
	s0 =	sld [smem:$0x3FAC]  }
0x30: {  	s3 =	sld [smem:$0x3FAF]  }
0x31: {  	[smem:$0x3FB8] =	sst s10  }
0x32: {  	s10 =	sld [smem:$0x3FB6];
	_ =	sdelay $0x3  }
0x33: {  	p0 =	seq.s32 s10, $0x1;
	s10 =	sld [smem:$0x3FB8];
	_ =	sdelay $0x3  }
0x34: {  	[smem:$0x3FB8] =	sst s10  }
0x35: {  	s10 =	sld [smem:$0x3FB7];
	_ =	sdelay $0x3  }
0x36: {  	p1 =	seq.s32 s10, $0x1;
	s10 =	sld [smem:$0x3FB8];
	_ =	sdelay $0x3  }
0x37: {  	[smem:$0x3FB8] =	sst s10  }
0x38: {  	s10 =	sld [smem:$0x3FB9]  }
0x39: {  	_ = 	snop;
	(pc) =	sbr.ind lr, $3  }
0x3a: {  	_ = 	snop  }
0x3b: {  	_ = 	snop  }
0x3c: {  	p2 =	seq.s32 s10, $0x1;
	s10 =	sld [smem:$0x3FB8]  }
0x3d: {  	_ =	shalt  }
0x3e: {  	_ =	shalt  }
0x3f: {  	_ =	shalt  }
0x40: {  	_ =	shalt  }
0x41: {  	_ =	shalt  }
0x42: {  	_ =	shalt  }
0x43: {  	_ =	shalt  }
0x44: {  	_ =	shalt  }
0x45: {  	_ =	shalt  }
0x46: {  	_ =	shalt  }
0x47: {  	_ =	shalt  }
0x48: {  	_ =	shalt  }
0x49: {  	_ =	shalt  }
0x4a: {  	_ =	shalt  }
0x4b: {  	_ =	shalt  }
0x4c: {  	_ =	shalt  }
0x4d: {  	_ =	shalt  }
0x4e: {  	_ =	shalt  }
0x4f: {  	_ =	shalt  }
0x50: {  	_ =	shalt  }
0x51: {  	_ =	shalt  }
0x52: {  	_ =	shalt  }
0x53: {  	_ =	shalt  }
0x54: {  	_ =	shalt  }
0x55: {  	_ =	shalt  }
0x56: {  	_ =	shalt  }
0x57: {  	_ =	shalt  }
0x58: {  	_ =	shalt  }
0x59: {  	_ =	shalt  }
0x5a: {  	_ =	shalt  }
0x5b: {  	_ =	shalt  }
0x5c: {  	_ =	shalt  }
0x5d: {  	_ =	shalt  }
0x5e: {  	_ =	shalt  }
0x5f: {  	_ =	shalt  }
0x60: {  	_ =	shalt  }
0x61: {  	_ =	shalt  }
0x62: {  	_ =	shalt  }
0x63: {  	_ =	shalt  }
0x64: {  	_ =	shalt  }
0x65: {  	_ =	shalt  }
0x66: {  	_ =	shalt  }
0x67: {  	_ =	shalt  }
0x68: {  	_ =	shalt  }
0x69: {  	_ =	shalt  }
0x6a: {  	_ =	shalt  }
0x6b: {  	_ =	shalt  }
0x6c: {  	_ =	shalt  }
0x6d: {  	_ =	shalt  }
0x6e: {  	_ =	shalt  }
0x6f: {  	_ =	shalt  }
0x70: {  	_ =	shalt  }
0x71: {  	_ =	shalt  }
0x72: {  	_ =	shalt  }
0x73: {  	_ =	shalt  }
0x74: {  	_ =	shalt  }
0x75: {  	_ =	shalt  }
0x76: {  	_ =	shalt  }
0x77: {  	_ =	shalt  }
0x78: {  	_ =	shalt  }
0x79: {  	_ =	shalt  }
0x7a: {  	_ =	shalt  }
0x7b: {  	_ =	shalt  }
0x7c: {  	_ =	shalt  }
0x7d: {  	_ =	shalt  }
0x7e: {  	_ =	shalt  }
0x7f: {  	_ =	shalt  }
0x80: {  	_ =	shalt  }
0x81: {  	_ =	shalt  }
0x82: {  	_ =	shalt  }
0x83: {  	_ =	shalt  }
0x84: {  	_ =	shalt  }
0x85: {  	_ =	shalt  }
0x86: {  	_ =	shalt  }
0x87: {  	_ =	shalt  }
.Lfunc_end0:
.L_simem_size_0:
called_computation_lowered:
.L_overlay_start_0:
0x88: {  	s2 =	sld [smem:$0x3FD9]  }
0x89: {  	s3 =	sld [smem:$0x3FFE];
	_ =	sdelay $0x1  }
0x8a: {  	s1 =	srdreg.scid  }
0x8b: {  	s0 =	sand.u32 $0x1, s1  }
0x8c: {  	s18 =	sshll.u32 s0, $0xA;
	s2 =	sadd.s32 s3, s2  }
0x8d: {  	s2 =	sadd.s32 s2, s18  }
0x8e: {  	[smem:$0x3FC4] =	sst s2  }
0x8f: {  	_ = 	snop  }
0x90: {  	s2 =	sld [smem:$0x3FC9]  }
0x91: {  	s19 =	sld [smem:$0x3FC8]  }
0x92: {  	s4 =	sld [smem:$0x3FC7]  }
0x93: {  	s5 =	sld [smem:$0x3FC6]  }
0x94: {  	s6 =	sld [smem:$0x3FD0];
	(tm) =	ssettm $0x1  }
0x95: {  	s7 =	sld [smem:$0x3FFB];
	_ =	sdelay $0x3  }
0x96: {  	_ =	strace s7  }
0x97: {  	s7 =	sld [smem:$0x3FFC];
	_ =	sdelay $0x3  }
0x98: {  	_ =	strace s7  }
0x99: {  	s7 =	sld [smem:$0x3FFD];
	_ =	sdelay $0x3  }
0x9a: {  	_ =	strace s7  }
0x9b: {  	_ =	strace $0x8FFFFFFF  }
0x9c: {  	s20 =	sld [smem:$0x3FDB];
	_ =	sdelay $0x1  }
0x9d: {  	s8 =	simm.s32 $_scs_section_size  }
0x9e: {  	s9 =	simm.s32 $_size__tile_overlayer_lowered;
	s10 =	simm.s32 $_tile_overlayer_lowered  }
0x9f: {  	s23 =	simm.s32 $0x1BFF;
	s22 =	sshll.u32 s10, $0x1;
	s7 =	sadd.s32 s8, s20  }
0xa0: {  	s11 =	simm.s32 $0x0;
	s21 =	sshll.u32 s9, $0x1;
	s9 =	sadd.s32 s22, s7  }
0xa1: {  	[timem:s11], [sflag:s23] =	dma.local [hbm:s9], s21  }
0xa2: {  	_ =	swait.ge [sflag:s23], s21  }
0xa3: {  	s8 =	ssub.s32 $0x0, s21;
	[sflag:s23] =	ssyncset.done $0x0  }
0xa4: {  	[sflag:s23] =	ssyncadd.s32 s8;
	_ =	sdelay $0x1  }
0xa5: {  	s24 =	simm.s32 $0x1B8B  }
0xa6: {  	_ =	swait.ge [sflag:s24], $0x1  }
0xa7: {  	[sflag:s24] =	ssyncset.done $0x0  }
0xa8: {  	s25 =	simm.s32 $0x1B8E;
	[sflag:s24] =	ssyncadd.s32 $0xFFFFFFFF  }
0xa9: {  	s26 =	simm.s32 $execute0_lowered;
	[smem:$0x3FD2] =	sst s25  }
0xaa: {  	s8 =	sshll.u32 s26, $0x1;
	_ =	strace $0x80000046;
	[dreg:$0x1] =	wrdreg $0xFFFFFFFF  }
0xab: {  	s28 =	simm.s32 $_size_execute0_lowered;
	s7 =	sadd.s32 s7, s8;
	[dreg:$0x0] =	wrdreg $0x0  }
0xac: {  	s8 =	sshll.u32 s28, $0x1;
	[dreg:$0x2] =	wrdreg s7  }
0xad: {  	[dreg:$0x3] =	wrdreg s8  }
0xae: {  	[dreg:$0x4] =	wrdreg $0xC0  }
0xaf: {  	_ =	task [dreg:s11], $0x5FFFF  }
0xb0: {  	[dreg:$0x1] =	wrdreg $0xFFFFFFFF  }
0xb1: {  	[dreg:$0x0] =	wrdreg $0x60  }
0xb2: {  	[dreg:$0x2] =	wrdreg s2  }
0xb3: {  	[dreg:$0x3] =	wrdreg s19  }
0xb4: {  	[dreg:$0x4] =	wrdreg s4  }
0xb5: {  	[dreg:$0x5] =	wrdreg s5  }
0xb6: {  	[dreg:$0x6] =	wrdreg s6  }
0xb7: {  	[dreg:$0x7] =	wrdreg $0x1E9000  }
0xb8: {  	[dreg:$0x8] =	wrdreg $0x9  }
0xb9: {  	_ =	task.clear_ibuf [dreg:s11], $0x9FFFF;
	_ =	strace $0x90000046  }
0xba: {  	s29 =	simm.s32 $0x9;
	_ =	strace $0x80000048  }
0xbb: {  	_ =	swait.ge [sflag:s29], $0x1  }
0xbc: {  	[sflag:s29] =	ssyncadd.s32 $0xFFFFFFFF  }
0xbd: {  	_ =	strace $0x90000048  }
0xbe: {  	_ =	sfence  }
0xbf: {  	s30 =	sld [smem:$0x0];
	_ =	sdelay $0x2  }
0xc0: {  	s31 =	sshll.u32 s1, $0xD;
	s1 =	sshrl.u32 s1, $0x2  }
0xc1: {  	s3 =	sand.u32 $0x4000, s31;
	s1 =	sadd.s32 s1, s30  }
0xc2: {  	s0 =	sor.u32 s3, s0;
	s1 =	sshll.u32 s1, $0x11  }
0xc3: {  	s0 =	sor.u32 s1, s0  }
0xc4: {  	s0 =	sadd.s32 $0x8F2B, s0  }
0xc5: {  	[sflag:s0] =	ssyncadd.remote.s32 $0x1  }
0xc6: {  	_ =	sfence.sel $0xFFFF  }
0xc7: {  	[dreg:$0x0] =	wrdreg $0xFFFFFFFF;
	(pc) =	sbr.abs _section_cstart, $3  }
0xc8: {  	[dreg:$0x1] =	wrdreg $0xFFFFFFFF  }
0xc9: {  	_ =	task.clear_ibuf [dreg:s11], $0x2FFFF;
	_ =	strace $0x9FFFFFFF  }
0xca: {  	(tm) =	ssettm $0x7FFFFFFF  }
0xcb: {  	_ =	shalt  }
tec
execute0_lowered:
.L_overlay_start_1:
0x0: {  	(tag) =	ssettag $0x1  }
0x1: {  	s2 =	rddreg [dreg:$0x0]  }
0x2: {  	s3 =	rddreg [dreg:$0x2]  }
0x3: {  	s5 =	rddreg [dreg:$0x3]  }
0x4: {  	s0 =	srdreg.scid;
	s15 =	stileid.u32  }
0x5: {  	s4 =	rddreg [dreg:$0x5];
	s0 =	sand.u32 $0x1, s0;
	s6 =	sshll.u32 s15, $0x2  }
0x6: {  	s1 =	sand.u32 $0x3, s15;
	s8 =	sshrl.u32 s15, $0x1;
	s22 =	sadd.s32 $0x1, s15  }
0x7: {  	s7 =	ssub.s32 $0x2, s0;
	s1 =	sor.u32 s1, s6;
	s11 =	smul.u32 $0xC3800, s8  }
0x8: {  	s8 =	sshll.u32 s8, $0x11;
	s21 =	sshll.u32 s0, $0x10;
	s9 =	sshrl.u32 s7, $0x1  }
0x9: {  	s10 =	sshll.u32 s1, $0x7;
	s8 =	sor.u32 s21, s8;
	s21 =	sadd.s32 $0xFFFFFFFF, s15  }
0xa: {  	s1 =	ssub.s32 s7, s9;
	s19 =	sand.u32 $0x380, s10;
	s10 =	sand.u32 $0x3, s22  }
0xb: {  	s12 =	sor.u32 $0x8000, s8;
	s20 =	sor.u32 s11, s19;
	s23 =	sor.u32 s8, s19  }
0xc: {  	s10 =	sor.u32 s6, s10;
	s24 =	sor.u32 s12, s19;
	s7 =	sxor.u32 $0x100, s19  }
0xd: {  	s9 =	sshrl.u32 s20, $0x3;
	s10 =	sshll.u32 s10, $0x7;
	s25 =	sshrl.u32 s24, $0x3  }
0xe: {  	s20 =	sor.u32 s11, s7;
	s24 =	sor.u32 s8, s7;
	s7 =	sor.u32 s12, s7  }
0xf: {  	s9 =	sadd.s32 s5, s9;
	s10 =	sand.u32 $0x380, s10;
	s22 =	sshrl.u32 s20, $0x3  }
0x10: {  	s7 =	sshrl.u32 s7, $0x3;
	[dreg:$0x7] =	wrdreg s9;
	s9 =	sshrl.u32 s23, $0x3  }
0x11: {  	s26 =	sor.u32 s11, s10;
	s23 =	sand.u32 $0x3, s21;
	s21 =	simm.s32 $0x0  }
0x12: {  	s14 =	sor.u32 s8, s10;
	s13 =	sadd.s32 s2, s9;
	[smem:$0x7FF] =	sst s21  }
0x13: {  	s17 =	sor.u32 s12, s10;
	s9 =	sadd.s32 s3, s9;
	[dreg:$0x8] =	wrdreg s13  }
0x14: {  	s14 =	sshrl.u32 s14, $0x3;
	[dreg:$0x9] =	wrdreg s9;
	s13 =	sadd.s32 s2, s25  }
0x15: {  	s6 =	sor.u32 s6, s23;
	s9 =	sadd.s32 s3, s25;
	[dreg:$0xa] =	wrdreg s13  }
0x16: {  	s23 =	sshll.u32 s15, $0x7;
	s16 =	sadd.s32 s2, s14;
	[dreg:$0xb] =	wrdreg s9  }
0x17: {  	s18 =	sadd.s32 s3, s14;
	s6 =	sshll.u32 s6, $0x7;
	[dreg:$0xd] =	wrdreg s16  }
0x18: {  	s13 =	sshrl.u32 s26, $0x3;
	[dreg:$0xe] =	wrdreg s18;
	s26 =	sadd.s32 s2, s7  }
0x19: {  	s6 =	sand.u32 $0x380, s6;
	s7 =	sadd.s32 s3, s7;
	[dreg:$0x14] =	wrdreg s26  }
0x1a: {  	s9 =	sadd.s32 s5, s13;
	s10 =	sor.u32 s11, s6;
	[dreg:$0x15] =	wrdreg s7  }
0x1b: {  	s8 =	sor.u32 s8, s6;
	[dreg:$0xc] =	wrdreg s9;
	s9 =	sshrl.u32 s17, $0x3  }
0x1c: {  	s6 =	sor.u32 s12, s6;
	s11 =	sshrl.u32 s10, $0x3;
	s19 =	sadd.s32 s2, s9  }
0x1d: {  	s13 =	sshrl.u32 s8, $0x3;
	s9 =	sadd.s32 s3, s9;
	[dreg:$0xf] =	wrdreg s19  }
0x1e: {  	s16 =	sshrl.u32 s6, $0x3;
	s14 =	sadd.s32 s2, s13;
	[dreg:$0x10] =	wrdreg s9  }
0x1f: {  	s17 =	sshll.u32 s15, $0xC;
	s9 =	sadd.s32 s5, s22;
	[dreg:$0x17] =	wrdreg s14  }
0x20: {  	s18 =	sadd.s32 s3, s13;
	s5 =	sadd.s32 s5, s11;
	[dreg:$0x11] =	wrdreg s9  }
0x21: {  	s20 =	sadd.s32 s3, s16;
	s9 =	sshrl.u32 s24, $0x3;
	[dreg:$0x16] =	wrdreg s5  }
0x22: {  	s19 =	sadd.s32 s2, s16;
	s24 =	rddreg [dreg:$0x1];
	s25 =	sadd.s32 s2, s9  }
0x23: {  	s22 =	sand.u32 $0x8000, s17;
	s9 =	sadd.s32 s3, s9;
	[dreg:$0x12] =	wrdreg s25  }
0x24: {  	s5 =	sand.u32 $0x380, s23;
	s23 =	sadd.s32 s17, s4;
	[dreg:$0x13] =	wrdreg s9  }
0x25: {  	s3 =	sadd.s32 s22, s4;
	s2 =	sadd.s32 $0xFFFF8000, s23;
	s25 =	rddreg [dreg:$0x4]  }
0x26: {  	s4 =	sadd.s32 $0xFFFF8100, s23;
	_ =	strace $0x80000047;
	[dreg:$0x18] =	wrdreg s2  }
0x27: {  	s22 =	sadd.s32 s5, s3;
	s5 =	sadd.s32 $0xFFFF8180, s23;
	[dreg:$0x1a] =	wrdreg s4  }
0x28: {  	s6 =	sadd.s32 $0xFFFF8200, s23;
	[dreg:$0x1b] =	wrdreg s5  }
0x29: {  	p0 =	sgt.u32 s15, $0x7;
	s7 =	sadd.s32 $0xFFFF8280, s23;
	[dreg:$0x1c] =	wrdreg s6  }
0x2a: {  	s0 =	sshll.u32 s0, $0xA;
	s8 =	sadd.s32 $0xFFFF8300, s23;
	[dreg:$0x1d] =	wrdreg s7  }
0x2b: {  	s28 =	smax.u32 s1, $0x1;
	s9 =	sadd.s32 $0xFFFF8380, s23;
	[dreg:$0x1e] =	wrdreg s8  }
0x2c: {  	s26 =	sshll.u32 s15, $0x6;
	s10 =	sadd.s32 $0x8000, s23;
	[dreg:$0x1f] =	wrdreg s9  }
0x2d: {  	s29 =	sadd.s32 $0x180, s23;
	s11 =	sadd.s32 $0x8080, s23;
	[smem:$0x7F6] =	sst s10  }
0x2e: {  	s30 =	sadd.s32 $0x200, s23;
	s12 =	sadd.s32 $0x8100, s23;
	[smem:$0x7F7] =	sst s11  }
0x2f: {  	s31 =	sadd.s32 $0x280, s23;
	s13 =	sadd.s32 $0x8180, s23;
	[smem:$0x7F8] =	sst s12  }
0x30: {  	s1 =	sadd.s32 $0x300, s23;
	s14 =	sadd.s32 $0x8200, s23;
	[smem:$0x7F9] =	sst s13  }
0x31: {  	s15 =	sadd.s32 $0x8280, s23;
	s16 =	sadd.s32 $0x8300, s23;
	[smem:$0x7FA] =	sst s14  }
0x32: {  	s17 =	sadd.s32 $0x8380, s23;
	s3 =	sadd.s32 s25, s26;
	[smem:$0x7FB] =	sst s15  }
0x33: {  	s25 =	sadd.s32 s24, s0;
	s24 =	sadd.s32 $0x80, s23;
	[smem:$0x7FC] =	sst s16  }
0x34: {  	s2 =	sadd.s32 $0x380, s23;
	[smem:$0x7FD] =	sst s17;
	s4 =	simm.s32 $0x400  }
0x35: {  	s5 =	simm.s32 $0x3;
	s6 =	simm.s32 $0x1A700;
	s7 =	simm.s32 $0x1B700  }
0x36: {  	s8 =	simm.s32 $0x1;
	s9 =	simm.s32 $0x2;
	s10 =	simm.s32 $0x4  }
0x37: {  	s11 =	simm.s32 $0x0;
	s26 =	sadd.s32 s0, s3;
	s3 =	sadd.s32 $0xFFFF8080, s23  }
0x38: {  	s0 =	sadd.s32 $0x100, s23;
	[dreg:$0x19] =	wrdreg s3;
	s3 =	simm.s32 $0x80  }
.LBB2_1:
0x39: {  	s12 =	simm.s32 $0x18700  }
0x3a: {  	[tilespmem:s12], [sflag:$0x3] =	stream.linear.gather [hbm4b:s25+s21], $0x2000, $0x38;
	[tilespmem:$0x1F900] =	vst v63  }
0x3b: {  	s13 =	rddreg [dreg:$0x7]  }
0x3c: {  	[tilespmem:s21], [sflag:$0x1] =	stream.strided.gather [hbm4b:s13+s3], $0x18700, s4, s3, $0x38;
	[tilespmem:$0x1F900] =	vst v63  }
0x3d: {  	_ =	swait.ge [sflag:s5], $0x2000  }
0x3e: {  	[sflag:s5] =	ssyncset.done $0x0  }
0x3f: {  	s14 =	rddreg [dreg:$0x8];
	[sflag:s5] =	ssyncadd.s32 $0xFFFFE000  }
0x40: {  	[tilespmem:s6], [sflag:$0x2] =	stream.strided.gather [hbm4b:s14+s3], $0x1000, s4, s3, $0x38;
	[tilespmem:$0x1F900] =	vst v63  }
0x41: {  	s15 =	rddreg [dreg:$0x9]  }
0x42: {  	[tilespmem:s7], [sflag:$0x2] =	stream.strided.gather [hbm4b:s15+s3], $0x1000, s4, s3, $0x38;
	[tilespmem:$0x1F900] =	vst v63  }
0x43: {  	_ =	swait.ge [sflag:s8], $0x18700  }
0x44: {  	[sflag:s8] =	ssyncset.done $0x0  }
0x45: {  	[sflag:s8] =	ssyncadd.s32 $0xFFFE7900  }
0x46: {  	_ =	swait.ge [sflag:s9], $0x1000  }
0x47: {  	[sflag:s9] =	ssyncset.done $0x0  }
0x48: {  	[sflag:s9] =	ssyncadd.s32 $0xFFFFF000  }
0x49: {  	_ =	swait.ge [sflag:s9], $0x1000  }
0x4a: {  	[sflag:s9] =	ssyncset.done $0x0  }
0x4b: {  	s16 =	simm.s32 $0x18720;
	[sflag:s9] =	ssyncadd.s32 $0xFFFFF000  }
0x4c: {  	v0 =	vld [tilespmem:s16+$0x10]  }
0x4d: {  	v1 =	vld [tilespmem:s16+$0xFFFFFFF0]  }
0x4e: {  	v2 =	vld [tilespmem:s16+$0xFFFFFFE0]  }
0x4f: {  	s17 =	simm.s32 $0x1A720;
	v3 =	vld [tilespmem:s16+$0x0]  }
0x50: {  	s13 =	simm.s32 $0x1B720;
	v4 =	vld [tilespmem:s17+$0x10]  }
0x51: {  	v5 =	vld [tilespmem:s13+$0x10]  }
0x52: {  	v6 =	vld [tilespmem:s17+$0xFFFFFFE0]  }
0x53: {  	s14 =	simm.s32 $0x18760;
	v7 =	vld [tilespmem:s17+$0xFFFFFFF0]  }
0x54: {  	v8 =	vld [tilespmem:s14+$0x10]  }
0x55: {  	v9 =	vld [tilespmem:s14+$0xFFFFFFF0]  }
0x56: {  	v10 =	vld [tilespmem:s14+$0x0]  }
0x57: {  	v11 =	vld [tilespmem:s14+$0xFFFFFFE0]  }
0x58: {  	v12 =	vld [tilespmem:s17+$0x0]  }
0x59: {  	v13 =	vld [tilespmem:s13+$0xFFFFFFE0]  }
0x5a: {  	v14 =	vld [tilespmem:s13+$0xFFFFFFF0]  }
0x5b: {  	v0 =	vld.idx.msk [tilespmem:v0+s21+$0x0], $0xffff  }
0x5c: {  	v2 =	vld.idx.msk [tilespmem:v2+s21+$0x0], $0xffff  }
0x5d: {  	v1 =	vld.idx.msk [tilespmem:v1+s21+$0x0], $0xffff  }
0x5e: {  	v3 =	vld.idx.msk [tilespmem:v3+s21+$0x0], $0xffff  }
0x5f: {  	v15 =	vld [tilespmem:s13+$0x0]  }
0x60: {  	s12 =	simm.s32 $0x1A760;
	v8 =	vld.idx.msk [tilespmem:v8+s21+$0x0], $0xffff;
	v0 =	vmul.f32 v4, v0  }
0x61: {  	v2 =	vmul.f32 v6, v2;
	v6 =	vld [tilespmem:s12+$0x10]  }
0x62: {  	s14 =	simm.s32 $0x1B760;
	v1 =	vmul.f32 v7, v1;
	v4 =	vmul.f32 v5, v0;
	v0 =	vld.idx.msk [tilespmem:v9+s21+$0x0], $0xffff  }
0x63: {  	s13 =	simm.s32 $0x1C720;
	v5 =	vmul.f32 v12, v3;
	v7 =	vmul.f32 v13, v2;
	v3 =	vld [tilespmem:s14+$0x10]  }
0x64: {  	v2 =	vld.idx.msk [tilespmem:v11+s21+$0x0], $0xffff;
	[tilespmem:s13+$0x10] =	vst v4;
	v4 =	vmul.f32 v14, v1  }
0x65: {  	[tilespmem:s13+$0xFFFFFFE0] =	vst v7;
	v5 =	vmul.f32 v15, v5;
	v1 =	vld.idx.msk [tilespmem:v10+s21+$0x0], $0xffff  }
0x66: {  	v6 =	vmul.f32 v6, v8;
	[tilespmem:s13+$0xFFFFFFF0] =	vst v4;
	v4 =	vld [tilespmem:s12+$0xFFFFFFE0]  }
0x67: {  	s15 =	simm.s32 $0x40;
	s16 =	simm.s32 $0x187A0;
	[tilespmem:s13+$0x0] =	vst v5;
	v5 =	vld [tilespmem:s12+$0xFFFFFFF0]  }
.LBB2_2:
0x68: {  	v7 =	vld [tilespmem:s16+$0x10];
	s15 =	sadd.s32 $0x40, s15;
	v3 =	vmul.f32 v3, v6  }
0x69: {  	s13 =	sadd.s32 $0x40, s13;
	v6 =	vld [tilespmem:s16+$0xFFFFFFF0];
	p1 =	slt.u32 s15, $0xFC0  }
0x6a: {  	v8 =	vld [tilespmem:s16+$0x0];
	[tilespmem:s13+$0x10] =	vst v3  }
0x6b: {  	v9 =	vld [tilespmem:s16+$0xFFFFFFE0];
	v2 =	vmul.f32 v4, v2  }
0x6c: {  	v4 =	vmul.f32 v5, v0;
	v0 =	vld [tilespmem:s12+$0x0]  }
0x6d: {  	v3 =	vld [tilespmem:s14+$0xFFFFFFE0]  }
0x6e: {  	v5 =	vld [tilespmem:s14+$0xFFFFFFF0]  }
0x6f: {  	v10 =	vld [tilespmem:s14+$0x0]  }
0x70: {  	s12 =	sadd.s32 $0x40, s12;
	v7 =	vld.idx.msk [tilespmem:v7+s21+$0x0], $0xffff  }
0x71: {  	v11 =	vld [tilespmem:s12+$0x10];
	v1 =	vmul.f32 v0, v1  }
0x72: {  	s14 =	sadd.s32 $0x40, s14;
	v0 =	vld.idx.msk [tilespmem:v6+s21+$0x0], $0xffff;
	v6 =	vmul.f32 v3, v2  }
.Ltmp0:
0x73: {  	v3 =	vld [tilespmem:s14+$0x10];
	v4 =	vmul.f32 v5, v4;
	(pc) =	sbr.rel @p1 .LBB2_2-.Ltmp0, $4  }
0x74: {  	v2 =	vld.idx.msk [tilespmem:v9+s21+$0x0], $0xffff;
	[tilespmem:s13+$0xFFFFFFE0] =	vst v6;
	v5 =	vmul.f32 v10, v1  }
0x75: {  	v1 =	vld.idx.msk [tilespmem:v8+s21+$0x0], $0xffff;
	[tilespmem:s13+$0xFFFFFFF0] =	vst v4  }
0x76: {  	v4 =	vld [tilespmem:s12+$0xFFFFFFE0];
	v6 =	vmul.f32 v11, v7;
	[tilespmem:s13+$0x0] =	vst v5  }
0x77: {  	s16 =	sadd.s32 $0x40, s16;
	v5 =	vld [tilespmem:s12+$0xFFFFFFF0]  }
0x78: {  	v7 =	vld [tilespmem:s12+$0x0]  }
0x79: {  	v8 =	vld [tilespmem:s14+$0xFFFFFFE0]  }
0x7a: {  	v9 =	vld [tilespmem:s14+$0xFFFFFFF0]  }
0x7b: {  	v10 =	vld [tilespmem:s14+$0x0]  }
0x7c: {  	v2 =	vmul.f32 v4, v2  }
0x7d: {  	v3 =	vmul.f32 v3, v6;
	v0 =	vmul.f32 v5, v0  }
0x7e: {  	s17 =	sadd.s32 $0x40, s13;
	v1 =	vmul.f32 v7, v1;
	v2 =	vmul.f32 v8, v2  }
0x7f: {  	[tilespmem:s17+$0x10] =	vst v3;
	v0 =	vmul.f32 v9, v0  }
0x80: {  	[tilespmem:s17+$0xFFFFFFE0] =	vst v2;
	v1 =	vmul.f32 v10, v1  }
0x81: {  	[tilespmem:s17+$0xFFFFFFF0] =	vst v0  }
0x82: {  	[tilespmem:s17+$0x0] =	vst v1  }
0x83: {  	s12 =	rddreg [dreg:$0xa]  }
0x84: {  	[tilespmem:s6], [sflag:$0x2] =	stream.strided.gather [hbm4b:s12+s3], $0x1000, s4, s3, $0x38;
	[tilespmem:$0x1F900] =	vst v63  }
0x85: {  	s13 =	rddreg [dreg:$0xb]  }
0x86: {  	[tilespmem:s7], [sflag:$0x2] =	stream.strided.gather [hbm4b:s13+s3], $0x1000, s4, s3, $0x38;
	[tilespmem:$0x1F900] =	vst v63  }
0x87: {  	_ =	swait.ge [sflag:s9], $0x1000  }
0x88: {  	[sflag:s9] =	ssyncset.done $0x0  }
0x89: {  	[sflag:s9] =	ssyncadd.s32 $0xFFFFF000  }
0x8a: {  	_ =	swait.ge [sflag:s9], $0x1000  }
0x8b: {  	[sflag:s9] =	ssyncset.done $0x0  }
0x8c: {  	s14 =	simm.s32 $0x19730;
	[sflag:s9] =	ssyncadd.s32 $0xFFFFF000  }
0x8d: {  	v0 =	vld [tilespmem:s14+$0x0]  }
0x8e: {  	v1 =	vld [tilespmem:s14+$0xFFFFFFE0]  }
0x8f: {  	v2 =	vld [tilespmem:s14+$0xFFFFFFD0]  }
0x90: {  	s15 =	simm.s32 $0x1A720;
	v3 =	vld [tilespmem:s14+$0xFFFFFFF0]  }
0x91: {  	s16 =	simm.s32 $0x1B720;
	v4 =	vld [tilespmem:s15+$0x10]  }
0x92: {  	v5 =	vld [tilespmem:s16+$0x10]  }
0x93: {  	v6 =	vld [tilespmem:s15+$0xFFFFFFE0]  }
0x94: {  	s17 =	simm.s32 $0x19770;
	v7 =	vld [tilespmem:s15+$0xFFFFFFF0]  }
0x95: {  	v8 =	vld [tilespmem:s17+$0x0]  }
0x96: {  	v62 =	vld [tilespmem:s17+$0xFFFFFFE0]  }
0x97: {  	v63 =	vld [tilespmem:s17+$0xFFFFFFF0]  }
0x98: {  	v11 =	vld [tilespmem:s17+$0xFFFFFFD0]  }
0x99: {  	v12 =	vld [tilespmem:s15+$0x0]  }
0x9a: {  	v13 =	vld [tilespmem:s16+$0xFFFFFFE0]  }
0x9b: {  	v14 =	vld [tilespmem:s16+$0xFFFFFFF0]  }
0x9c: {  	v0 =	vld.idx.msk [tilespmem:v0+s21+$0x0], $0xffff  }
0x9d: {  	v2 =	vld.idx.msk [tilespmem:v2+s21+$0x0], $0xffff  }
0x9e: {  	v1 =	vld.idx.msk [tilespmem:v1+s21+$0x0], $0xffff  }
0x9f: {  	v3 =	vld.idx.msk [tilespmem:v3+s21+$0x0], $0xffff  }
0xa0: {  	v15 =	vld [tilespmem:s16+$0x0]  }
0xa1: {  	s12 =	simm.s32 $0x1A760;
	v8 =	vld.idx.msk [tilespmem:v8+s21+$0x0], $0xffff;
	v0 =	vmul.f32 v4, v0  }
0xa2: {  	v2 =	vmul.f32 v6, v2;
	v6 =	vld [tilespmem:s12+$0x10]  }
0xa3: {  	s14 =	simm.s32 $0x1B760;
	v1 =	vmul.f32 v7, v1;
	v4 =	vmul.f32 v5, v0;
	v0 =	vld.idx.msk [tilespmem:v62+s21+$0x0], $0xffff  }
0xa4: {  	s13 =	simm.s32 $0x1D730;
	v5 =	vmul.f32 v12, v3;
	v7 =	vmul.f32 v13, v2;
	v3 =	vld [tilespmem:s14+$0x10]  }
0xa5: {  	v2 =	vld.idx.msk [tilespmem:v11+s21+$0x0], $0xffff;
	[tilespmem:s13+$0x0] =	vst v4;
	v4 =	vmul.f32 v14, v1  }
0xa6: {  	[tilespmem:s13+$0xFFFFFFD0] =	vst v7;
	v5 =	vmul.f32 v15, v5;
	v1 =	vld.idx.msk [tilespmem:v63+s21+$0x0], $0xffff  }
0xa7: {  	v6 =	vmul.f32 v6, v8;
	[tilespmem:s13+$0xFFFFFFE0] =	vst v4;
	v4 =	vld [tilespmem:s12+$0xFFFFFFE0]  }
0xa8: {  	s15 =	simm.s32 $0x40;
	s16 =	simm.s32 $0x197B0;
	[tilespmem:s13+$0xFFFFFFF0] =	vst v5;
	v5 =	vld [tilespmem:s12+$0xFFFFFFF0]  }
.LBB2_4:
0xa9: {  	v7 =	vld [tilespmem:s16+$0x0];
	s15 =	sadd.s32 $0x40, s15;
	v3 =	vmul.f32 v3, v6  }
0xaa: {  	s13 =	sadd.s32 $0x40, s13;
	v6 =	vld [tilespmem:s16+$0xFFFFFFE0];
	p1 =	slt.u32 s15, $0xFC0  }
0xab: {  	v8 =	vld [tilespmem:s16+$0xFFFFFFF0];
	[tilespmem:s13+$0x0] =	vst v3  }
0xac: {  	v9 =	vld [tilespmem:s16+$0xFFFFFFD0];
	v2 =	vmul.f32 v4, v2  }
0xad: {  	v4 =	vmul.f32 v5, v0;
	v0 =	vld [tilespmem:s12+$0x0]  }
0xae: {  	v3 =	vld [tilespmem:s14+$0xFFFFFFE0]  }
0xaf: {  	v5 =	vld [tilespmem:s14+$0xFFFFFFF0]  }
0xb0: {  	v10 =	vld [tilespmem:s14+$0x0]  }
0xb1: {  	s12 =	sadd.s32 $0x40, s12;
	v7 =	vld.idx.msk [tilespmem:v7+s21+$0x0], $0xffff  }
0xb2: {  	v11 =	vld [tilespmem:s12+$0x10];
	v1 =	vmul.f32 v0, v1  }
0xb3: {  	s14 =	sadd.s32 $0x40, s14;
	v0 =	vld.idx.msk [tilespmem:v6+s21+$0x0], $0xffff;
	v6 =	vmul.f32 v3, v2  }
.Ltmp1:
0xb4: {  	v3 =	vld [tilespmem:s14+$0x10];
	v4 =	vmul.f32 v5, v4;
	(pc) =	sbr.rel @p1 .LBB2_4-.Ltmp1, $4  }
0xb5: {  	v2 =	vld.idx.msk [tilespmem:v9+s21+$0x0], $0xffff;
	[tilespmem:s13+$0xFFFFFFD0] =	vst v6;
	v5 =	vmul.f32 v10, v1  }
0xb6: {  	v1 =	vld.idx.msk [tilespmem:v8+s21+$0x0], $0xffff;
	[tilespmem:s13+$0xFFFFFFE0] =	vst v4  }
0xb7: {  	v4 =	vld [tilespmem:s12+$0xFFFFFFE0];
	v6 =	vmul.f32 v11, v7;
	[tilespmem:s13+$0xFFFFFFF0] =	vst v5  }
0xb8: {  	s16 =	sadd.s32 $0x40, s16;
	v5 =	vld [tilespmem:s12+$0xFFFFFFF0]  }
0xb9: {  	v7 =	vld [tilespmem:s12+$0x0]  }
0xba: {  	v8 =	vld [tilespmem:s14+$0xFFFFFFE0]  }
0xbb: {  	v9 =	vld [tilespmem:s14+$0xFFFFFFF0]  }
0xbc: {  	v10 =	vld [tilespmem:s14+$0x0]  }
0xbd: {  	v2 =	vmul.f32 v4, v2  }
0xbe: {  	v3 =	vmul.f32 v3, v6;
	v0 =	vmul.f32 v5, v0  }
0xbf: {  	s14 =	sadd.s32 $0x40, s13;
	v1 =	vmul.f32 v7, v1;
	v2 =	vmul.f32 v8, v2  }
0xc0: {  	[tilespmem:s14+$0x0] =	vst v3;
	v0 =	vmul.f32 v9, v0  }
0xc1: {  	[tilespmem:s14+$0xFFFFFFD0] =	vst v2;
	v1 =	vmul.f32 v10, v1  }
0xc2: {  	[tilespmem:s14+$0xFFFFFFE0] =	vst v0  }
0xc3: {  	[tilespmem:s14+$0xFFFFFFF0] =	vst v1  }
0xc4: {  	s12 =	rddreg [dreg:$0xc]  }
0xc5: {  	[tilespmem:s21], [sflag:$0x1] =	stream.strided.gather [hbm4b:s12+s3], $0x18700, s4, s3, $0x38;
	[tilespmem:$0x1F900] =	vst v63  }
0xc6: {  	s15 =	rddreg [dreg:$0xd]  }
0xc7: {  	[tilespmem:s6], [sflag:$0x2] =	stream.strided.gather [hbm4b:s15+s3], $0x1000, s4, s3, $0x38;
	[tilespmem:$0x1F900] =	vst v63  }
0xc8: {  	s16 =	rddreg [dreg:$0xe]  }
0xc9: {  	[tilespmem:s7], [sflag:$0x2] =	stream.strided.gather [hbm4b:s16+s3], $0x1000, s4, s3, $0x38;
	[tilespmem:$0x1F900] =	vst v63  }
0xca: {  	_ =	swait.ge [sflag:s8], $0x18700  }
0xcb: {  	[sflag:s8] =	ssyncset.done $0x0  }
0xcc: {  	[sflag:s8] =	ssyncadd.s32 $0xFFFE7900  }
0xcd: {  	_ =	swait.ge [sflag:s9], $0x1000  }
0xce: {  	[sflag:s9] =	ssyncset.done $0x0  }
0xcf: {  	[sflag:s9] =	ssyncadd.s32 $0xFFFFF000  }
0xd0: {  	_ =	swait.ge [sflag:s9], $0x1000  }
0xd1: {  	[sflag:s9] =	ssyncset.done $0x0  }
0xd2: {  	s17 =	simm.s32 $0x18720;
	[sflag:s9] =	ssyncadd.s32 $0xFFFFF000  }
0xd3: {  	v0 =	vld [tilespmem:s17+$0x10];
	_ =	sdelay $0x3  }
0xd4: {  	v1 =	vld [tilespmem:s17+$0xFFFFFFF0]  }
0xd5: {  	v3 =	vld [tilespmem:s17+$0x0]  }
0xd6: {  	s13 =	simm.s32 $0x1A720;
	v2 =	vld [tilespmem:s17+$0xFFFFFFE0]  }
0xd7: {  	v5 =	vld [tilespmem:s13+$0x10]  }
0xd8: {  	s14 =	simm.s32 $0x1B720;
	v4 =	vld.idx.msk [tilespmem:v0+s21+$0x0], $0xffff  }
0xd9: {  	s12 =	simm.s32 $0x1C720;
	v6 =	vld [tilespmem:s14+$0x10]  }
0xda: {  	v8 =	vld [tilespmem:s12+$0x10]  }
0xdb: {  	v7 =	vld [tilespmem:s13+$0xFFFFFFE0]  }
0xdc: {  	v0 =	vld.idx.msk [tilespmem:v1+s21+$0x0], $0xffff  }
0xdd: {  	v1 =	vld.idx.msk [tilespmem:v3+s21+$0x0], $0xffff;
	v3 =	vmul.f32 v5, v4  }
0xde: {  	v2 =	vld.idx.msk [tilespmem:v2+s21+$0x0], $0xffff  }
0xdf: {  	v4 =	vld [tilespmem:s13+$0xFFFFFFF0];
	v6 =	vmul.f32 v6, v3  }
0xe0: {  	v5 =	vld [tilespmem:s13+$0x0]  }
0xe1: {  	v3 =	vld [tilespmem:s14+$0xFFFFFFE0];
	v8 =	vadd.f32 v6, v8  }
0xe2: {  	s15 =	simm.s32 $0x1C720;
	s16 =	simm.s32 $0x0;
	s17 =	simm.s32 $0x18760;
	v6 =	vld [tilespmem:s14+$0xFFFFFFF0]  }
.LBB2_6:
0xe3: {  	v9 =	vld [tilespmem:s17+$0x10];
	s16 =	sadd.s32 $0x40, s16;
	v2 =	vmul.f32 v7, v2;
	[tilespmem:s12+$0x10] =	vst v8  }
0xe4: {  	v7 =	vld [tilespmem:s17+$0xFFFFFFF0];
	p1 =	slt.u32 s16, $0xFC0;
	v0 =	vmul.f32 v4, v0  }
0xe5: {  	v4 =	vld [tilespmem:s17+$0x0];
	v1 =	vmul.f32 v5, v1  }
0xe6: {  	v5 =	vld [tilespmem:s17+$0xFFFFFFE0];
	v2 =	vmul.f32 v3, v2  }
0xe7: {  	v3 =	vmul.f32 v6, v0;
	v0 =	vld [tilespmem:s14+$0x0]  }
0xe8: {  	v6 =	vld [tilespmem:s12+$0xFFFFFFE0]  }
0xe9: {  	v8 =	vld [tilespmem:s12+$0xFFFFFFF0]  }
0xea: {  	v10 =	vld [tilespmem:s12+$0x0]  }
0xeb: {  	s13 =	sadd.s32 $0x40, s13;
	v9 =	vld.idx.msk [tilespmem:v9+s21+$0x0], $0xffff  }
0xec: {  	v11 =	vld [tilespmem:s13+$0x10];
	v1 =	vmul.f32 v0, v1  }
0xed: {  	s14 =	sadd.s32 $0x40, s14;
	v0 =	vld.idx.msk [tilespmem:v7+s21+$0x0], $0xffff;
	v6 =	vadd.f32 v2, v6  }
0xee: {  	v12 =	vld [tilespmem:s14+$0x10];
	v3 =	vadd.f32 v3, v8  }
0xef: {  	s12 =	sadd.s32 $0x40, s12;
	v2 =	vld.idx.msk [tilespmem:v5+s21+$0x0], $0xffff;
	[tilespmem:s15+$0xFFFFFFE0] =	vst v6;
	v5 =	vadd.f32 v1, v10  }
0xf0: {  	v6 =	vld [tilespmem:s12+$0x10];
	[tilespmem:s15+$0xFFFFFFF0] =	vst v3  }
0xf1: {  	v1 =	vld.idx.msk [tilespmem:v4+s21+$0x0], $0xffff;
	v3 =	vmul.f32 v11, v9;
	[tilespmem:s15+$0x0] =	vst v5;
	s15 =	smov.u32 s12  }
.Ltmp2:
0xf2: {  	v7 =	vld [tilespmem:s13+$0xFFFFFFE0];
	(pc) =	sbr.rel @p1 .LBB2_6-.Ltmp2, $4  }
0xf3: {  	v4 =	vld [tilespmem:s13+$0xFFFFFFF0];
	v8 =	vmul.f32 v12, v3  }
0xf4: {  	v5 =	vld [tilespmem:s13+$0x0]  }
0xf5: {  	v3 =	vld [tilespmem:s14+$0xFFFFFFE0];
	v8 =	vadd.f32 v8, v6  }
0xf6: {  	s17 =	sadd.s32 $0x40, s17;
	v6 =	vld [tilespmem:s14+$0xFFFFFFF0]  }
0xf7: {  	v9 =	vld [tilespmem:s14+$0x0]  }
0xf8: {  	v10 =	vld [tilespmem:s12+$0xFFFFFFE0]  }
0xf9: {  	v2 =	vmul.f32 v7, v2;
	v7 =	vld [tilespmem:s12+$0xFFFFFFF0]  }
0xfa: {  	v0 =	vmul.f32 v4, v0;
	v4 =	vld [tilespmem:s12+$0x0]  }
0xfb: {  	v1 =	vmul.f32 v5, v1;
	v2 =	vmul.f32 v3, v2  }
0xfc: {  	v0 =	vmul.f32 v6, v0  }
0xfd: {  	v1 =	vmul.f32 v9, v1;
	v2 =	vadd.f32 v2, v10  }
0xfe: {  	[tilespmem:s12+$0x10] =	vst v8;
	v0 =	vadd.f32 v0, v7  }
0xff: {  	[tilespmem:s15+$0xFFFFFFE0] =	vst v2;
	v1 =	vadd.f32 v1, v4  }
0x100: {  	[tilespmem:s15+$0xFFFFFFF0] =	vst v0  }
0x101: {  	[tilespmem:s15+$0x0] =	vst v1  }
0x102: {  	s12 =	rddreg [dreg:$0xf]  }
0x103: {  	[tilespmem:s6], [sflag:$0x2] =	stream.strided.gather [hbm4b:s12+s3], $0x1000, s4, s3, $0x38;
	[tilespmem:$0x1F900] =	vst v63  }
0x104: {  	s16 =	rddreg [dreg:$0x10]  }
0x105: {  	[tilespmem:s7], [sflag:$0x2] =	stream.strided.gather [hbm4b:s16+s3], $0x1000, s4, s3, $0x38;
	[tilespmem:$0x1F900] =	vst v63  }
0x106: {  	_ =	swait.ge [sflag:s9], $0x1000  }
0x107: {  	[sflag:s9] =	ssyncset.done $0x0  }
0x108: {  	[sflag:s9] =	ssyncadd.s32 $0xFFFFF000  }
0x109: {  	_ =	swait.ge [sflag:s9], $0x1000  }
0x10a: {  	[sflag:s9] =	ssyncset.done $0x0  }
0x10b: {  	s17 =	simm.s32 $0x19730;
	[sflag:s9] =	ssyncadd.s32 $0xFFFFF000  }
0x10c: {  	v0 =	vld [tilespmem:s17+$0x0];
	_ =	sdelay $0x3  }
0x10d: {  	v1 =	vld [tilespmem:s17+$0xFFFFFFE0]  }
0x10e: {  	v3 =	vld [tilespmem:s17+$0xFFFFFFF0]  }
0x10f: {  	s13 =	simm.s32 $0x1A720;
	v2 =	vld [tilespmem:s17+$0xFFFFFFD0]  }
0x110: {  	v5 =	vld [tilespmem:s13+$0x10]  }
0x111: {  	s14 =	simm.s32 $0x1B720;
	v4 =	vld.idx.msk [tilespmem:v0+s21+$0x0], $0xffff  }
0x112: {  	s12 =	simm.s32 $0x1D730;
	v6 =	vld [tilespmem:s14+$0x10]  }
0x113: {  	v8 =	vld [tilespmem:s12+$0x0]  }
0x114: {  	v7 =	vld [tilespmem:s13+$0xFFFFFFE0]  }
0x115: {  	v0 =	vld.idx.msk [tilespmem:v1+s21+$0x0], $0xffff  }
0x116: {  	v1 =	vld.idx.msk [tilespmem:v3+s21+$0x0], $0xffff;
	v3 =	vmul.f32 v5, v4  }
0x117: {  	v2 =	vld.idx.msk [tilespmem:v2+s21+$0x0], $0xffff  }
0x118: {  	v4 =	vld [tilespmem:s13+$0xFFFFFFF0];
	v6 =	vmul.f32 v6, v3  }
0x119: {  	v5 =	vld [tilespmem:s13+$0x0]  }
0x11a: {  	v3 =	vld [tilespmem:s14+$0xFFFFFFE0];
	v8 =	vadd.f32 v6, v8  }
0x11b: {  	s15 =	simm.s32 $0x1D730;
	s16 =	simm.s32 $0x0;
	s17 =	simm.s32 $0x19770;
	v6 =	vld [tilespmem:s14+$0xFFFFFFF0]  }
.LBB2_8:
0x11c: {  	v9 =	vld [tilespmem:s17+$0x0];
	s16 =	sadd.s32 $0x40, s16;
	v2 =	vmul.f32 v7, v2;
	[tilespmem:s12+$0x0] =	vst v8  }
0x11d: {  	v7 =	vld [tilespmem:s17+$0xFFFFFFE0];
	p1 =	slt.u32 s16, $0xFC0;
	v0 =	vmul.f32 v4, v0  }
0x11e: {  	v4 =	vld [tilespmem:s17+$0xFFFFFFF0];
	v1 =	vmul.f32 v5, v1  }
0x11f: {  	v5 =	vld [tilespmem:s17+$0xFFFFFFD0];
	v2 =	vmul.f32 v3, v2  }
0x120: {  	v3 =	vmul.f32 v6, v0;
	v0 =	vld [tilespmem:s14+$0x0]  }
0x121: {  	v6 =	vld [tilespmem:s12+$0xFFFFFFD0]  }
0x122: {  	v8 =	vld [tilespmem:s12+$0xFFFFFFE0]  }
0x123: {  	v10 =	vld [tilespmem:s12+$0xFFFFFFF0]  }
0x124: {  	s13 =	sadd.s32 $0x40, s13;
	v9 =	vld.idx.msk [tilespmem:v9+s21+$0x0], $0xffff  }
0x125: {  	v11 =	vld [tilespmem:s13+$0x10];
	v1 =	vmul.f32 v0, v1  }
0x126: {  	s14 =	sadd.s32 $0x40, s14;
	v0 =	vld.idx.msk [tilespmem:v7+s21+$0x0], $0xffff;
	v6 =	vadd.f32 v2, v6  }
0x127: {  	v12 =	vld [tilespmem:s14+$0x10];
	v3 =	vadd.f32 v3, v8  }
0x128: {  	s12 =	sadd.s32 $0x40, s12;
	v2 =	vld.idx.msk [tilespmem:v5+s21+$0x0], $0xffff;
	[tilespmem:s15+$0xFFFFFFD0] =	vst v6;
	v5 =	vadd.f32 v1, v10  }
0x129: {  	v6 =	vld [tilespmem:s12+$0x0];
	[tilespmem:s15+$0xFFFFFFE0] =	vst v3  }
0x12a: {  	v1 =	vld.idx.msk [tilespmem:v4+s21+$0x0], $0xffff;
	v3 =	vmul.f32 v11, v9;
	[tilespmem:s15+$0xFFFFFFF0] =	vst v5;
	s15 =	smov.u32 s12  }
.Ltmp3:
0x12b: {  	v7 =	vld [tilespmem:s13+$0xFFFFFFE0];
	(pc) =	sbr.rel @p1 .LBB2_8-.Ltmp3, $4  }
0x12c: {  	v4 =	vld [tilespmem:s13+$0xFFFFFFF0];
	v8 =	vmul.f32 v12, v3  }
0x12d: {  	v5 =	vld [tilespmem:s13+$0x0]  }
0x12e: {  	v3 =	vld [tilespmem:s14+$0xFFFFFFE0];
	v8 =	vadd.f32 v8, v6  }
0x12f: {  	s17 =	sadd.s32 $0x40, s17;
	v6 =	vld [tilespmem:s14+$0xFFFFFFF0]  }
0x130: {  	v9 =	vld [tilespmem:s14+$0x0]  }
0x131: {  	v10 =	vld [tilespmem:s12+$0xFFFFFFD0]  }
0x132: {  	v2 =	vmul.f32 v7, v2;
	v7 =	vld [tilespmem:s12+$0xFFFFFFE0]  }
0x133: {  	v0 =	vmul.f32 v4, v0;
	v4 =	vld [tilespmem:s12+$0xFFFFFFF0]  }
0x134: {  	v1 =	vmul.f32 v5, v1;
	v2 =	vmul.f32 v3, v2  }
0x135: {  	v0 =	vmul.f32 v6, v0  }
0x136: {  	v1 =	vmul.f32 v9, v1;
	v2 =	vadd.f32 v2, v10  }
0x137: {  	[tilespmem:s12+$0x0] =	vst v8;
	v0 =	vadd.f32 v0, v7  }
0x138: {  	[tilespmem:s15+$0xFFFFFFD0] =	vst v2;
	v1 =	vadd.f32 v1, v4  }
0x139: {  	[tilespmem:s15+$0xFFFFFFE0] =	vst v0  }
0x13a: {  	[tilespmem:s15+$0xFFFFFFF0] =	vst v1  }
0x13b: {  	s12 =	rddreg [dreg:$0x11]  }
0x13c: {  	[tilespmem:s21], [sflag:$0x1] =	stream.strided.gather [hbm4b:s12+s3], $0x18700, s4, s3, $0x38;
	[tilespmem:$0x1F900] =	vst v63  }
0x13d: {  	s15 =	rddreg [dreg:$0x12]  }
0x13e: {  	[tilespmem:s6], [sflag:$0x2] =	stream.strided.gather [hbm4b:s15+s3], $0x1000, s4, s3, $0x38;
	[tilespmem:$0x1F900] =	vst v63  }
0x13f: {  	s16 =	rddreg [dreg:$0x13]  }
0x140: {  	[tilespmem:s7], [sflag:$0x2] =	stream.strided.gather [hbm4b:s16+s3], $0x1000, s4, s3, $0x38;
	[tilespmem:$0x1F900] =	vst v63  }
0x141: {  	_ =	swait.ge [sflag:s8], $0x18700  }
0x142: {  	[sflag:s8] =	ssyncset.done $0x0  }
0x143: {  	[sflag:s8] =	ssyncadd.s32 $0xFFFE7900  }
0x144: {  	_ =	swait.ge [sflag:s9], $0x1000  }
0x145: {  	[sflag:s9] =	ssyncset.done $0x0  }
0x146: {  	[sflag:s9] =	ssyncadd.s32 $0xFFFFF000  }
0x147: {  	_ =	swait.ge [sflag:s9], $0x1000  }
0x148: {  	[sflag:s9] =	ssyncset.done $0x0  }
0x149: {  	s17 =	simm.s32 $0x18720;
	[sflag:s9] =	ssyncadd.s32 $0xFFFFF000  }
0x14a: {  	v0 =	vld [tilespmem:s17+$0x10];
	_ =	sdelay $0x3  }
0x14b: {  	v1 =	vld [tilespmem:s17+$0xFFFFFFF0]  }
0x14c: {  	v3 =	vld [tilespmem:s17+$0x0]  }
0x14d: {  	s13 =	simm.s32 $0x1A720;
	v2 =	vld [tilespmem:s17+$0xFFFFFFE0]  }
0x14e: {  	v5 =	vld [tilespmem:s13+$0x10]  }
0x14f: {  	s14 =	simm.s32 $0x1B720;
	v4 =	vld.idx.msk [tilespmem:v0+s21+$0x0], $0xffff  }
0x150: {  	s12 =	simm.s32 $0x1C720;
	v6 =	vld [tilespmem:s14+$0x10]  }
0x151: {  	v8 =	vld [tilespmem:s12+$0x10]  }
0x152: {  	v7 =	vld [tilespmem:s13+$0xFFFFFFE0]  }
0x153: {  	v0 =	vld.idx.msk [tilespmem:v1+s21+$0x0], $0xffff  }
0x154: {  	v1 =	vld.idx.msk [tilespmem:v3+s21+$0x0], $0xffff;
	v3 =	vmul.f32 v5, v4  }
0x155: {  	v2 =	vld.idx.msk [tilespmem:v2+s21+$0x0], $0xffff  }
0x156: {  	v4 =	vld [tilespmem:s13+$0xFFFFFFF0];
	v6 =	vmul.f32 v6, v3  }
0x157: {  	v5 =	vld [tilespmem:s13+$0x0]  }
0x158: {  	v3 =	vld [tilespmem:s14+$0xFFFFFFE0];
	v8 =	vadd.f32 v6, v8  }
0x159: {  	s15 =	simm.s32 $0x1C720;
	s16 =	simm.s32 $0x0;
	s17 =	simm.s32 $0x18760;
	v6 =	vld [tilespmem:s14+$0xFFFFFFF0]  }
.LBB2_10:
0x15a: {  	v9 =	vld [tilespmem:s17+$0x10];
	s16 =	sadd.s32 $0x40, s16;
	v2 =	vmul.f32 v7, v2;
	[tilespmem:s12+$0x10] =	vst v8  }
0x15b: {  	v7 =	vld [tilespmem:s17+$0xFFFFFFF0];
	p1 =	slt.u32 s16, $0xFC0;
	v0 =	vmul.f32 v4, v0  }
0x15c: {  	v4 =	vld [tilespmem:s17+$0x0];
	v1 =	vmul.f32 v5, v1  }
0x15d: {  	v5 =	vld [tilespmem:s17+$0xFFFFFFE0];
	v2 =	vmul.f32 v3, v2  }
0x15e: {  	v3 =	vmul.f32 v6, v0;
	v0 =	vld [tilespmem:s14+$0x0]  }
0x15f: {  	v6 =	vld [tilespmem:s12+$0xFFFFFFE0]  }
0x160: {  	v8 =	vld [tilespmem:s12+$0xFFFFFFF0]  }
0x161: {  	v10 =	vld [tilespmem:s12+$0x0]  }
0x162: {  	s13 =	sadd.s32 $0x40, s13;
	v9 =	vld.idx.msk [tilespmem:v9+s21+$0x0], $0xffff  }
0x163: {  	v11 =	vld [tilespmem:s13+$0x10];
	v1 =	vmul.f32 v0, v1  }
0x164: {  	s14 =	sadd.s32 $0x40, s14;
	v0 =	vld.idx.msk [tilespmem:v7+s21+$0x0], $0xffff;
	v6 =	vadd.f32 v2, v6  }
0x165: {  	v12 =	vld [tilespmem:s14+$0x10];
	v3 =	vadd.f32 v3, v8  }
0x166: {  	s12 =	sadd.s32 $0x40, s12;
	v2 =	vld.idx.msk [tilespmem:v5+s21+$0x0], $0xffff;
	[tilespmem:s15+$0xFFFFFFE0] =	vst v6;
	v5 =	vadd.f32 v1, v10  }
0x167: {  	v6 =	vld [tilespmem:s12+$0x10];
	[tilespmem:s15+$0xFFFFFFF0] =	vst v3  }
0x168: {  	v1 =	vld.idx.msk [tilespmem:v4+s21+$0x0], $0xffff;
	v3 =	vmul.f32 v11, v9;
	[tilespmem:s15+$0x0] =	vst v5;
	s15 =	smov.u32 s12  }
.Ltmp4:
0x169: {  	v7 =	vld [tilespmem:s13+$0xFFFFFFE0];
	(pc) =	sbr.rel @p1 .LBB2_10-.Ltmp4, $4  }
0x16a: {  	v4 =	vld [tilespmem:s13+$0xFFFFFFF0];
	v8 =	vmul.f32 v12, v3  }
0x16b: {  	v5 =	vld [tilespmem:s13+$0x0]  }
0x16c: {  	v3 =	vld [tilespmem:s14+$0xFFFFFFE0];
	v8 =	vadd.f32 v8, v6  }
0x16d: {  	s17 =	sadd.s32 $0x40, s17;
	v6 =	vld [tilespmem:s14+$0xFFFFFFF0]  }
0x16e: {  	v9 =	vld [tilespmem:s14+$0x0]  }
0x16f: {  	v10 =	vld [tilespmem:s12+$0xFFFFFFE0]  }
0x170: {  	v2 =	vmul.f32 v7, v2;
	v7 =	vld [tilespmem:s12+$0xFFFFFFF0]  }
0x171: {  	v0 =	vmul.f32 v4, v0;
	v4 =	vld [tilespmem:s12+$0x0]  }
0x172: {  	v1 =	vmul.f32 v5, v1;
	v2 =	vmul.f32 v3, v2  }
0x173: {  	v0 =	vmul.f32 v6, v0  }
0x174: {  	v1 =	vmul.f32 v9, v1;
	v2 =	vadd.f32 v2, v10  }
0x175: {  	[tilespmem:s12+$0x10] =	vst v8;
	v0 =	vadd.f32 v0, v7  }
0x176: {  	[tilespmem:s15+$0xFFFFFFE0] =	vst v2;
	v1 =	vadd.f32 v1, v4  }
0x177: {  	[tilespmem:s15+$0xFFFFFFF0] =	vst v0  }
0x178: {  	[tilespmem:s15+$0x0] =	vst v1  }
0x179: {  	s12 =	rddreg [dreg:$0x14]  }
0x17a: {  	[tilespmem:s6], [sflag:$0x2] =	stream.strided.gather [hbm4b:s12+s3], $0x1000, s4, s3, $0x38;
	[tilespmem:$0x1F900] =	vst v63  }
0x17b: {  	s16 =	rddreg [dreg:$0x15]  }
0x17c: {  	[tilespmem:s7], [sflag:$0x2] =	stream.strided.gather [hbm4b:s16+s3], $0x1000, s4, s3, $0x38;
	[tilespmem:$0x1F900] =	vst v63  }
0x17d: {  	_ =	swait.ge [sflag:s9], $0x1000  }
0x17e: {  	[sflag:s9] =	ssyncset.done $0x0  }
0x17f: {  	[sflag:s9] =	ssyncadd.s32 $0xFFFFF000  }
0x180: {  	_ =	swait.ge [sflag:s9], $0x1000  }
0x181: {  	[sflag:s9] =	ssyncset.done $0x0  }
0x182: {  	s17 =	simm.s32 $0x19730;
	[sflag:s9] =	ssyncadd.s32 $0xFFFFF000  }
0x183: {  	v0 =	vld [tilespmem:s17+$0x0];
	_ =	sdelay $0x3  }
0x184: {  	v1 =	vld [tilespmem:s17+$0xFFFFFFE0]  }
0x185: {  	v3 =	vld [tilespmem:s17+$0xFFFFFFF0]  }
0x186: {  	s13 =	simm.s32 $0x1A720;
	v2 =	vld [tilespmem:s17+$0xFFFFFFD0]  }
0x187: {  	v5 =	vld [tilespmem:s13+$0x10]  }
0x188: {  	s14 =	simm.s32 $0x1B720;
	v4 =	vld.idx.msk [tilespmem:v0+s21+$0x0], $0xffff  }
0x189: {  	s12 =	simm.s32 $0x1D730;
	v6 =	vld [tilespmem:s14+$0x10]  }
0x18a: {  	v8 =	vld [tilespmem:s12+$0x0]  }
0x18b: {  	v7 =	vld [tilespmem:s13+$0xFFFFFFE0]  }
0x18c: {  	v0 =	vld.idx.msk [tilespmem:v1+s21+$0x0], $0xffff  }
0x18d: {  	v1 =	vld.idx.msk [tilespmem:v3+s21+$0x0], $0xffff;
	v3 =	vmul.f32 v5, v4  }
0x18e: {  	v2 =	vld.idx.msk [tilespmem:v2+s21+$0x0], $0xffff  }
0x18f: {  	v4 =	vld [tilespmem:s13+$0xFFFFFFF0];
	v6 =	vmul.f32 v6, v3  }
0x190: {  	v5 =	vld [tilespmem:s13+$0x0]  }
0x191: {  	v3 =	vld [tilespmem:s14+$0xFFFFFFE0];
	v8 =	vadd.f32 v6, v8  }
0x192: {  	s15 =	simm.s32 $0x1D730;
	s16 =	simm.s32 $0x0;
	s17 =	simm.s32 $0x19770;
	v6 =	vld [tilespmem:s14+$0xFFFFFFF0]  }
.LBB2_12:
0x193: {  	v9 =	vld [tilespmem:s17+$0x0];
	s16 =	sadd.s32 $0x40, s16;
	v2 =	vmul.f32 v7, v2;
	[tilespmem:s12+$0x0] =	vst v8  }
0x194: {  	v7 =	vld [tilespmem:s17+$0xFFFFFFE0];
	p1 =	slt.u32 s16, $0xFC0;
	v0 =	vmul.f32 v4, v0  }
0x195: {  	v4 =	vld [tilespmem:s17+$0xFFFFFFF0];
	v1 =	vmul.f32 v5, v1  }
0x196: {  	v5 =	vld [tilespmem:s17+$0xFFFFFFD0];
	v2 =	vmul.f32 v3, v2  }
0x197: {  	v3 =	vmul.f32 v6, v0;
	v0 =	vld [tilespmem:s14+$0x0]  }
0x198: {  	v6 =	vld [tilespmem:s12+$0xFFFFFFD0]  }
0x199: {  	v8 =	vld [tilespmem:s12+$0xFFFFFFE0]  }
0x19a: {  	v10 =	vld [tilespmem:s12+$0xFFFFFFF0]  }
0x19b: {  	s13 =	sadd.s32 $0x40, s13;
	v9 =	vld.idx.msk [tilespmem:v9+s21+$0x0], $0xffff  }
0x19c: {  	v11 =	vld [tilespmem:s13+$0x10];
	v1 =	vmul.f32 v0, v1  }
0x19d: {  	s14 =	sadd.s32 $0x40, s14;
	v0 =	vld.idx.msk [tilespmem:v7+s21+$0x0], $0xffff;
	v6 =	vadd.f32 v2, v6  }
0x19e: {  	v12 =	vld [tilespmem:s14+$0x10];
	v3 =	vadd.f32 v3, v8  }
0x19f: {  	s12 =	sadd.s32 $0x40, s12;
	v2 =	vld.idx.msk [tilespmem:v5+s21+$0x0], $0xffff;
	[tilespmem:s15+$0xFFFFFFD0] =	vst v6;
	v5 =	vadd.f32 v1, v10  }
0x1a0: {  	v6 =	vld [tilespmem:s12+$0x0];
	[tilespmem:s15+$0xFFFFFFE0] =	vst v3  }
0x1a1: {  	v1 =	vld.idx.msk [tilespmem:v4+s21+$0x0], $0xffff;
	v3 =	vmul.f32 v11, v9;
	[tilespmem:s15+$0xFFFFFFF0] =	vst v5;
	s15 =	smov.u32 s12  }
.Ltmp5:
0x1a2: {  	v7 =	vld [tilespmem:s13+$0xFFFFFFE0];
	(pc) =	sbr.rel @p1 .LBB2_12-.Ltmp5, $4  }
0x1a3: {  	v4 =	vld [tilespmem:s13+$0xFFFFFFF0];
	v8 =	vmul.f32 v12, v3  }
0x1a4: {  	v5 =	vld [tilespmem:s13+$0x0]  }
0x1a5: {  	v3 =	vld [tilespmem:s14+$0xFFFFFFE0];
	v8 =	vadd.f32 v8, v6  }
0x1a6: {  	s17 =	sadd.s32 $0x40, s17;
	v6 =	vld [tilespmem:s14+$0xFFFFFFF0]  }
0x1a7: {  	v9 =	vld [tilespmem:s14+$0x0]  }
0x1a8: {  	v10 =	vld [tilespmem:s12+$0xFFFFFFD0]  }
0x1a9: {  	v2 =	vmul.f32 v7, v2;
	v7 =	vld [tilespmem:s12+$0xFFFFFFE0]  }
0x1aa: {  	v0 =	vmul.f32 v4, v0;
	v4 =	vld [tilespmem:s12+$0xFFFFFFF0]  }
0x1ab: {  	v1 =	vmul.f32 v5, v1;
	v2 =	vmul.f32 v3, v2  }
0x1ac: {  	v0 =	vmul.f32 v6, v0  }
0x1ad: {  	v1 =	vmul.f32 v9, v1;
	v2 =	vadd.f32 v2, v10  }
0x1ae: {  	[tilespmem:s12+$0x0] =	vst v8;
	v0 =	vadd.f32 v0, v7  }
0x1af: {  	[tilespmem:s15+$0xFFFFFFD0] =	vst v2;
	v1 =	vadd.f32 v1, v4  }
0x1b0: {  	[tilespmem:s15+$0xFFFFFFE0] =	vst v0  }
0x1b1: {  	[tilespmem:s15+$0xFFFFFFF0] =	vst v1  }
0x1b2: {  	s12 =	rddreg [dreg:$0x16]  }
0x1b3: {  	[tilespmem:s21], [sflag:$0x1] =	stream.strided.gather [hbm4b:s12+s3], $0x18700, s4, s3, $0x38;
	[tilespmem:$0x1F900] =	vst v63  }
0x1b4: {  	s16 =	rddreg [dreg:$0x17]  }
0x1b5: {  	[tilespmem:s6], [sflag:$0x2] =	stream.strided.gather [hbm4b:s16+s3], $0x1000, s4, s3, $0x38;
	[tilespmem:$0x1F900] =	vst v63  }
0x1b6: {  	_ = 	snop  }
0x1b7: {  	[tilespmem:s7], [sflag:$0x2] =	stream.strided.gather [hbm4b:s18+s3], $0x1000, s4, s3, $0x38;
	[tilespmem:$0x1F900] =	vst v63  }
0x1b8: {  	_ =	swait.ge [sflag:s8], $0x18700  }
0x1b9: {  	[sflag:s8] =	ssyncset.done $0x0  }
0x1ba: {  	[sflag:s8] =	ssyncadd.s32 $0xFFFE7900  }
0x1bb: {  	_ =	swait.ge [sflag:s9], $0x1000  }
0x1bc: {  	[sflag:s9] =	ssyncset.done $0x0  }
0x1bd: {  	[sflag:s9] =	ssyncadd.s32 $0xFFFFF000  }
0x1be: {  	_ =	swait.ge [sflag:s9], $0x1000  }
0x1bf: {  	[sflag:s9] =	ssyncset.done $0x0  }
0x1c0: {  	s17 =	simm.s32 $0x18720;
	[sflag:s9] =	ssyncadd.s32 $0xFFFFF000  }
0x1c1: {  	v0 =	vld [tilespmem:s17+$0x10];
	_ =	sdelay $0x3  }
0x1c2: {  	v1 =	vld [tilespmem:s17+$0xFFFFFFF0]  }
0x1c3: {  	v3 =	vld [tilespmem:s17+$0x0]  }
0x1c4: {  	s13 =	simm.s32 $0x1A720;
	v2 =	vld [tilespmem:s17+$0xFFFFFFE0]  }
0x1c5: {  	v5 =	vld [tilespmem:s13+$0x10]  }
0x1c6: {  	s14 =	simm.s32 $0x1B720;
	v4 =	vld.idx.msk [tilespmem:v0+s21+$0x0], $0xffff  }
0x1c7: {  	s12 =	simm.s32 $0x1C720;
	v6 =	vld [tilespmem:s14+$0x10]  }
0x1c8: {  	v8 =	vld [tilespmem:s12+$0x10]  }
0x1c9: {  	v7 =	vld [tilespmem:s13+$0xFFFFFFE0]  }
0x1ca: {  	v0 =	vld.idx.msk [tilespmem:v1+s21+$0x0], $0xffff  }
0x1cb: {  	v1 =	vld.idx.msk [tilespmem:v3+s21+$0x0], $0xffff;
	v3 =	vmul.f32 v5, v4  }
0x1cc: {  	v2 =	vld.idx.msk [tilespmem:v2+s21+$0x0], $0xffff  }
0x1cd: {  	v4 =	vld [tilespmem:s13+$0xFFFFFFF0];
	v6 =	vmul.f32 v6, v3  }
0x1ce: {  	v5 =	vld [tilespmem:s13+$0x0]  }
0x1cf: {  	v3 =	vld [tilespmem:s14+$0xFFFFFFE0];
	v8 =	vadd.f32 v6, v8  }
0x1d0: {  	s15 =	simm.s32 $0x1C720;
	s16 =	simm.s32 $0x0;
	s17 =	simm.s32 $0x18760;
	v6 =	vld [tilespmem:s14+$0xFFFFFFF0]  }
.LBB2_14:
0x1d1: {  	v9 =	vld [tilespmem:s17+$0x10];
	s16 =	sadd.s32 $0x40, s16;
	v2 =	vmul.f32 v7, v2;
	[tilespmem:s12+$0x10] =	vst v8  }
0x1d2: {  	v7 =	vld [tilespmem:s17+$0xFFFFFFF0];
	p1 =	slt.u32 s16, $0xFC0;
	v0 =	vmul.f32 v4, v0  }
0x1d3: {  	v4 =	vld [tilespmem:s17+$0x0];
	v1 =	vmul.f32 v5, v1  }
0x1d4: {  	v5 =	vld [tilespmem:s17+$0xFFFFFFE0];
	v2 =	vmul.f32 v3, v2  }
0x1d5: {  	v3 =	vmul.f32 v6, v0;
	v0 =	vld [tilespmem:s14+$0x0]  }
0x1d6: {  	v6 =	vld [tilespmem:s12+$0xFFFFFFE0]  }
0x1d7: {  	v8 =	vld [tilespmem:s12+$0xFFFFFFF0]  }
0x1d8: {  	v10 =	vld [tilespmem:s12+$0x0]  }
0x1d9: {  	s13 =	sadd.s32 $0x40, s13;
	v9 =	vld.idx.msk [tilespmem:v9+s21+$0x0], $0xffff  }
0x1da: {  	v11 =	vld [tilespmem:s13+$0x10];
	v1 =	vmul.f32 v0, v1  }
0x1db: {  	s14 =	sadd.s32 $0x40, s14;
	v0 =	vld.idx.msk [tilespmem:v7+s21+$0x0], $0xffff;
	v6 =	vadd.f32 v2, v6  }
0x1dc: {  	v12 =	vld [tilespmem:s14+$0x10];
	v3 =	vadd.f32 v3, v8  }
0x1dd: {  	s12 =	sadd.s32 $0x40, s12;
	v2 =	vld.idx.msk [tilespmem:v5+s21+$0x0], $0xffff;
	[tilespmem:s15+$0xFFFFFFE0] =	vst v6;
	v5 =	vadd.f32 v1, v10  }
0x1de: {  	v6 =	vld [tilespmem:s12+$0x10];
	[tilespmem:s15+$0xFFFFFFF0] =	vst v3  }
0x1df: {  	v1 =	vld.idx.msk [tilespmem:v4+s21+$0x0], $0xffff;
	v3 =	vmul.f32 v11, v9;
	[tilespmem:s15+$0x0] =	vst v5;
	s15 =	smov.u32 s12  }
.Ltmp6:
0x1e0: {  	v7 =	vld [tilespmem:s13+$0xFFFFFFE0];
	(pc) =	sbr.rel @p1 .LBB2_14-.Ltmp6, $4  }
0x1e1: {  	v4 =	vld [tilespmem:s13+$0xFFFFFFF0];
	v8 =	vmul.f32 v12, v3  }
0x1e2: {  	v5 =	vld [tilespmem:s13+$0x0]  }
0x1e3: {  	v3 =	vld [tilespmem:s14+$0xFFFFFFE0];
	v8 =	vadd.f32 v8, v6  }
0x1e4: {  	s17 =	sadd.s32 $0x40, s17;
	v6 =	vld [tilespmem:s14+$0xFFFFFFF0]  }
0x1e5: {  	v9 =	vld [tilespmem:s14+$0x0]  }
0x1e6: {  	v10 =	vld [tilespmem:s12+$0xFFFFFFE0]  }
0x1e7: {  	v2 =	vmul.f32 v7, v2;
	v7 =	vld [tilespmem:s12+$0xFFFFFFF0]  }
0x1e8: {  	v0 =	vmul.f32 v4, v0;
	v4 =	vld [tilespmem:s12+$0x0]  }
0x1e9: {  	v1 =	vmul.f32 v5, v1;
	v2 =	vmul.f32 v3, v2  }
0x1ea: {  	v0 =	vmul.f32 v6, v0  }
0x1eb: {  	v1 =	vmul.f32 v9, v1;
	v2 =	vadd.f32 v2, v10  }
0x1ec: {  	[tilespmem:s12+$0x10] =	vst v8;
	v0 =	vadd.f32 v0, v7  }
0x1ed: {  	[tilespmem:s15+$0xFFFFFFE0] =	vst v2;
	v1 =	vadd.f32 v1, v4  }
0x1ee: {  	[tilespmem:s15+$0xFFFFFFF0] =	vst v0  }
0x1ef: {  	[tilespmem:s15+$0x0] =	vst v1  }
0x1f0: {  	[tilespmem:s6], [sflag:$0x2] =	stream.strided.gather [hbm4b:s19+s3], $0x1000, s4, s3, $0x38;
	[tilespmem:$0x1F900] =	vst v63  }
0x1f1: {  	_ = 	snop  }
0x1f2: {  	[tilespmem:s7], [sflag:$0x2] =	stream.strided.gather [hbm4b:s20+s3], $0x1000, s4, s3, $0x38;
	[tilespmem:$0x1F900] =	vst v63  }
0x1f3: {  	_ =	swait.ge [sflag:s9], $0x1000  }
0x1f4: {  	[sflag:s9] =	ssyncset.done $0x0  }
0x1f5: {  	[sflag:s9] =	ssyncadd.s32 $0xFFFFF000  }
0x1f6: {  	_ =	swait.ge [sflag:s9], $0x1000  }
0x1f7: {  	[sflag:s9] =	ssyncset.done $0x0  }
0x1f8: {  	s17 =	simm.s32 $0x19730;
	[sflag:s9] =	ssyncadd.s32 $0xFFFFF000  }
0x1f9: {  	v0 =	vld [tilespmem:s17+$0x0];
	_ =	sdelay $0x3  }
0x1fa: {  	v1 =	vld [tilespmem:s17+$0xFFFFFFE0]  }
0x1fb: {  	v3 =	vld [tilespmem:s17+$0xFFFFFFF0]  }
0x1fc: {  	s13 =	simm.s32 $0x1A720;
	v2 =	vld [tilespmem:s17+$0xFFFFFFD0]  }
0x1fd: {  	v5 =	vld [tilespmem:s13+$0x10]  }
0x1fe: {  	s14 =	simm.s32 $0x1B720;
	v4 =	vld.idx.msk [tilespmem:v0+s21+$0x0], $0xffff  }
0x1ff: {  	s12 =	simm.s32 $0x1D730;
	v6 =	vld [tilespmem:s14+$0x10]  }
0x200: {  	v8 =	vld [tilespmem:s12+$0x0]  }
0x201: {  	v7 =	vld [tilespmem:s13+$0xFFFFFFE0]  }
0x202: {  	v0 =	vld.idx.msk [tilespmem:v1+s21+$0x0], $0xffff  }
0x203: {  	v1 =	vld.idx.msk [tilespmem:v3+s21+$0x0], $0xffff;
	v3 =	vmul.f32 v5, v4  }
0x204: {  	v2 =	vld.idx.msk [tilespmem:v2+s21+$0x0], $0xffff  }
0x205: {  	v4 =	vld [tilespmem:s13+$0xFFFFFFF0];
	v6 =	vmul.f32 v6, v3  }
0x206: {  	v5 =	vld [tilespmem:s13+$0x0]  }
0x207: {  	v3 =	vld [tilespmem:s14+$0xFFFFFFE0];
	v8 =	vadd.f32 v6, v8  }
0x208: {  	s16 =	simm.s32 $0x0;
	s15 =	simm.s32 $0x1D730;
	s17 =	simm.s32 $0x19770;
	v6 =	vld [tilespmem:s14+$0xFFFFFFF0]  }
.LBB2_16:
0x209: {  	v9 =	vld [tilespmem:s17+$0x0];
	s16 =	sadd.s32 $0x40, s16;
	v2 =	vmul.f32 v7, v2;
	[tilespmem:s12+$0x0] =	vst v8  }
0x20a: {  	v7 =	vld [tilespmem:s17+$0xFFFFFFE0];
	p1 =	slt.u32 s16, $0xFC0;
	v0 =	vmul.f32 v4, v0  }
0x20b: {  	v4 =	vld [tilespmem:s17+$0xFFFFFFF0];
	v1 =	vmul.f32 v5, v1  }
0x20c: {  	v5 =	vld [tilespmem:s17+$0xFFFFFFD0];
	v2 =	vmul.f32 v3, v2  }
0x20d: {  	v3 =	vmul.f32 v6, v0;
	v0 =	vld [tilespmem:s14+$0x0]  }
0x20e: {  	v6 =	vld [tilespmem:s12+$0xFFFFFFD0]  }
0x20f: {  	v8 =	vld [tilespmem:s12+$0xFFFFFFE0]  }
0x210: {  	v10 =	vld [tilespmem:s12+$0xFFFFFFF0]  }
0x211: {  	s13 =	sadd.s32 $0x40, s13;
	v9 =	vld.idx.msk [tilespmem:v9+s21+$0x0], $0xffff  }
0x212: {  	v11 =	vld [tilespmem:s13+$0x10];
	v1 =	vmul.f32 v0, v1  }
0x213: {  	s14 =	sadd.s32 $0x40, s14;
	v0 =	vld.idx.msk [tilespmem:v7+s21+$0x0], $0xffff;
	v6 =	vadd.f32 v2, v6  }
0x214: {  	v12 =	vld [tilespmem:s14+$0x10];
	v3 =	vadd.f32 v3, v8  }
0x215: {  	s12 =	sadd.s32 $0x40, s12;
	v2 =	vld.idx.msk [tilespmem:v5+s21+$0x0], $0xffff;
	[tilespmem:s15+$0xFFFFFFD0] =	vst v6;
	v5 =	vadd.f32 v1, v10  }
0x216: {  	v6 =	vld [tilespmem:s12+$0x0];
	[tilespmem:s15+$0xFFFFFFE0] =	vst v3  }
0x217: {  	v1 =	vld.idx.msk [tilespmem:v4+s21+$0x0], $0xffff;
	v3 =	vmul.f32 v11, v9;
	[tilespmem:s15+$0xFFFFFFF0] =	vst v5;
	s15 =	smov.u32 s12  }
.Ltmp7:
0x218: {  	v7 =	vld [tilespmem:s13+$0xFFFFFFE0];
	(pc) =	sbr.rel @p1 .LBB2_16-.Ltmp7, $4  }
0x219: {  	v4 =	vld [tilespmem:s13+$0xFFFFFFF0];
	v8 =	vmul.f32 v12, v3  }
0x21a: {  	v5 =	vld [tilespmem:s13+$0x0]  }
0x21b: {  	v3 =	vld [tilespmem:s14+$0xFFFFFFE0];
	v8 =	vadd.f32 v8, v6  }
0x21c: {  	s17 =	sadd.s32 $0x40, s17;
	v6 =	vld [tilespmem:s14+$0xFFFFFFF0]  }
0x21d: {  	v9 =	vld [tilespmem:s14+$0x0]  }
0x21e: {  	v10 =	vld [tilespmem:s12+$0xFFFFFFD0]  }
0x21f: {  	v2 =	vmul.f32 v7, v2;
	v62 =	vld [tilespmem:s12+$0xFFFFFFE0]  }
0x220: {  	v63 =	vld [tilespmem:s12+$0xFFFFFFF0];
	v0 =	vmul.f32 v4, v0  }
0x221: {  	v1 =	vmul.f32 v5, v1;
	v2 =	vmul.f32 v3, v2  }
0x222: {  	v0 =	vmul.f32 v6, v0  }
0x223: {  	v1 =	vmul.f32 v9, v1;
	v2 =	vadd.f32 v2, v10  }
0x224: {  	[tilespmem:s12+$0x0] =	vst v8;
	v0 =	vadd.f32 v0, v62  }
0x225: {  	[tilespmem:s15+$0xFFFFFFD0] =	vst v2;
	v1 =	vadd.f32 v1, v63  }
0x226: {  	[tilespmem:s15+$0xFFFFFFE0] =	vst v0  }
0x227: {  	s17 =	simm.s32 $0x1C700;
	[tilespmem:s15+$0xFFFFFFF0] =	vst v1  }
0x228: {  	[spmem:s22] =	stream.strided.scatter [tilespmem:s17], [sflag:$0x4], $0x1000, s4, s3, $0x38;
	[tilespmem:$0x1F900] =	vst v63  }
.Ltmp8:
0x229: {  	_ =	swait.ge [sflag:s10], $0x1000;
	(pc) =	sbr.rel @p0 .LBB2_19-.Ltmp8, $3  }
0x22a: {  	[sflag:s10] =	ssyncset.done $0x0  }
0x22b: {  	[sflag:s10] =	ssyncadd.s32 $0xFFFFF000  }
0x22c: {  	[bflag:$0x0] =	sbarrier.arrive $0xFFFF;
	_ =	sdelay $0x1  }
0x22d: {  	[tilespmem:s21], [sflag:$0x4] =	stream.strided.gather [spmem:s23], $0x200, s4, s3, $0x38;
	[tilespmem:$0x1F900] =	vst v63  }
0x22e: {  	_ =	swait.ge [sflag:s10], $0x200  }
0x22f: {  	[sflag:s10] =	ssyncset.done $0x0  }
0x230: {  	s12 =	simm.s32 $0x200;
	[sflag:s10] =	ssyncadd.s32 $0xFFFFFE00  }
0x231: {  	[tilespmem:s12], [sflag:$0x4] =	stream.strided.gather [spmem:s24], $0x200, s4, s3, $0x38;
	[tilespmem:$0x1F900] =	vst v63  }
0x232: {  	_ =	swait.ge [sflag:s10], $0x200  }
0x233: {  	[sflag:s10] =	ssyncset.done $0x0  }
0x234: {  	[sflag:s10] =	ssyncadd.s32 $0xFFFFFE00  }
0x235: {  	[tilespmem:s4], [sflag:$0x4] =	stream.strided.gather [spmem:s0], $0x200, s4, s3, $0x38;
	[tilespmem:$0x1F900] =	vst v63  }
0x236: {  	_ =	swait.ge [sflag:s10], $0x200  }
0x237: {  	[sflag:s10] =	ssyncset.done $0x0  }
0x238: {  	s15 =	simm.s32 $0x600;
	[sflag:s10] =	ssyncadd.s32 $0xFFFFFE00  }
0x239: {  	[tilespmem:s15], [sflag:$0x4] =	stream.strided.gather [spmem:s29], $0x200, s4, s3, $0x38;
	[tilespmem:$0x1F900] =	vst v63  }
0x23a: {  	_ =	swait.ge [sflag:s10], $0x200  }
0x23b: {  	[sflag:s10] =	ssyncset.done $0x0  }
0x23c: {  	s16 =	simm.s32 $0x800;
	[sflag:s10] =	ssyncadd.s32 $0xFFFFFE00  }
0x23d: {  	[tilespmem:s16], [sflag:$0x4] =	stream.strided.gather [spmem:s30], $0x200, s4, s3, $0x38;
	[tilespmem:$0x1F900] =	vst v63  }
0x23e: {  	_ =	swait.ge [sflag:s10], $0x200  }
0x23f: {  	[sflag:s10] =	ssyncset.done $0x0  }
0x240: {  	s17 =	simm.s32 $0xA00;
	[sflag:s10] =	ssyncadd.s32 $0xFFFFFE00  }
0x241: {  	[tilespmem:s17], [sflag:$0x4] =	stream.strided.gather [spmem:s31], $0x200, s4, s3, $0x38;
	[tilespmem:$0x1F900] =	vst v63  }
0x242: {  	_ =	swait.ge [sflag:s10], $0x200  }
0x243: {  	[sflag:s10] =	ssyncset.done $0x0  }
0x244: {  	s13 =	simm.s32 $0xC00;
	[sflag:s10] =	ssyncadd.s32 $0xFFFFFE00  }
0x245: {  	[tilespmem:s13], [sflag:$0x4] =	stream.strided.gather [spmem:s1], $0x200, s4, s3, $0x38;
	[tilespmem:$0x1F900] =	vst v63  }
0x246: {  	_ =	swait.ge [sflag:s10], $0x200  }
0x247: {  	[sflag:s10] =	ssyncset.done $0x0  }
0x248: {  	s14 =	simm.s32 $0xE00;
	[sflag:s10] =	ssyncadd.s32 $0xFFFFFE00  }
0x249: {  	[tilespmem:s14], [sflag:$0x4] =	stream.strided.gather [spmem:s2], $0x200, s4, s3, $0x38;
	[tilespmem:$0x1F900] =	vst v63  }
0x24a: {  	_ =	swait.ge [sflag:s10], $0x200  }
0x24b: {  	s15 =	sld [smem:$0x7F6]  }
0x24c: {  	[sflag:s10] =	ssyncset.done $0x0  }
0x24d: {  	s13 =	simm.s32 $0x1000;
	[sflag:s10] =	ssyncadd.s32 $0xFFFFFE00  }
0x24e: {  	[tilespmem:s13], [sflag:$0x4] =	stream.strided.gather [spmem:s15], $0x200, s4, s3, $0x38;
	[tilespmem:$0x1F900] =	vst v63  }
0x24f: {  	_ =	swait.ge [sflag:s10], $0x200  }
0x250: {  	s16 =	sld [smem:$0x7F7]  }
0x251: {  	[sflag:s10] =	ssyncset.done $0x0  }
0x252: {  	s17 =	simm.s32 $0x1200;
	[sflag:s10] =	ssyncadd.s32 $0xFFFFFE00  }
0x253: {  	[tilespmem:s17], [sflag:$0x4] =	stream.strided.gather [spmem:s16], $0x200, s4, s3, $0x38;
	[tilespmem:$0x1F900] =	vst v63  }
0x254: {  	_ =	swait.ge [sflag:s10], $0x200  }
0x255: {  	s14 =	sld [smem:$0x7F8]  }
0x256: {  	[sflag:s10] =	ssyncset.done $0x0  }
0x257: {  	s15 =	simm.s32 $0x1400;
	[sflag:s10] =	ssyncadd.s32 $0xFFFFFE00  }
0x258: {  	[tilespmem:s15], [sflag:$0x4] =	stream.strided.gather [spmem:s14], $0x200, s4, s3, $0x38;
	[tilespmem:$0x1F900] =	vst v63  }
0x259: {  	_ =	swait.ge [sflag:s10], $0x200  }
0x25a: {  	s16 =	sld [smem:$0x7F9]  }
0x25b: {  	[sflag:s10] =	ssyncset.done $0x0  }
0x25c: {  	s17 =	simm.s32 $0x1600;
	[sflag:s10] =	ssyncadd.s32 $0xFFFFFE00  }
0x25d: {  	[tilespmem:s17], [sflag:$0x4] =	stream.strided.gather [spmem:s16], $0x200, s4, s3, $0x38;
	[tilespmem:$0x1F900] =	vst v63  }
0x25e: {  	_ =	swait.ge [sflag:s10], $0x200  }
0x25f: {  	s14 =	sld [smem:$0x7FA]  }
0x260: {  	[sflag:s10] =	ssyncset.done $0x0  }
0x261: {  	s15 =	simm.s32 $0x1800;
	[sflag:s10] =	ssyncadd.s32 $0xFFFFFE00  }
0x262: {  	[tilespmem:s15], [sflag:$0x4] =	stream.strided.gather [spmem:s14], $0x200, s4, s3, $0x38;
	[tilespmem:$0x1F900] =	vst v63  }
0x263: {  	_ =	swait.ge [sflag:s10], $0x200  }
0x264: {  	s16 =	sld [smem:$0x7FB]  }
0x265: {  	[sflag:s10] =	ssyncset.done $0x0  }
0x266: {  	s17 =	simm.s32 $0x1A00;
	[sflag:s10] =	ssyncadd.s32 $0xFFFFFE00  }
0x267: {  	[tilespmem:s17], [sflag:$0x4] =	stream.strided.gather [spmem:s16], $0x200, s4, s3, $0x38;
	[tilespmem:$0x1F900] =	vst v63  }
0x268: {  	_ =	swait.ge [sflag:s10], $0x200  }
0x269: {  	s13 =	sld [smem:$0x7FC]  }
0x26a: {  	[sflag:s10] =	ssyncset.done $0x0  }
0x26b: {  	s14 =	simm.s32 $0x1C00;
	[sflag:s10] =	ssyncadd.s32 $0xFFFFFE00  }
0x26c: {  	[tilespmem:s14], [sflag:$0x4] =	stream.strided.gather [spmem:s13], $0x200, s4, s3, $0x38;
	[tilespmem:$0x1F900] =	vst v63  }
0x26d: {  	_ =	swait.ge [sflag:s10], $0x200  }
0x26e: {  	s15 =	sld [smem:$0x7FD]  }
0x26f: {  	[sflag:s10] =	ssyncset.done $0x0  }
0x270: {  	s16 =	simm.s32 $0x1E00;
	[sflag:s10] =	ssyncadd.s32 $0xFFFFFE00  }
0x271: {  	[tilespmem:s16], [sflag:$0x4] =	stream.strided.gather [spmem:s15], $0x200, s4, s3, $0x38;
	[tilespmem:$0x1F900] =	vst v63  }
0x272: {  	_ =	swait.ge [sflag:s10], $0x200  }
0x273: {  	[sflag:s10] =	ssyncset.done $0x0  }
0x274: {  	[sflag:s10] =	ssyncadd.s32 $0xFFFFFE00  }
0x275: {  	s17 =	simm.s32 $0x1D700;
	[bflag:$0x0] =	sbarrier.arrive $0xFFFF  }
0x276: {  	[spmem:s22] =	stream.strided.scatter [tilespmem:s17], [sflag:$0x4], $0x1000, s4, s3, $0x38;
	[tilespmem:$0x1F900] =	vst v63  }
.Ltmp9:
0x277: {  	_ =	swait.ge [sflag:s10], $0x1000;
	(pc) =	sbr.rel .LBB2_20-.Ltmp9, $3  }
0x278: {  	[sflag:s10] =	ssyncset.done $0x0  }
0x279: {  	[sflag:s10] =	ssyncadd.s32 $0xFFFFF000  }
0x27a: {  	[bflag:$0x0] =	sbarrier.arrive $0xFFFF;
	_ =	sdelay $0x1  }
.LBB2_19:
0x27b: {  	[bflag:$0x0] =	sbarrier.arrive $0xFFFF;
	s12 =	simm.s32 $0x1D700  }
0x27c: {  	[spmem:s22] =	stream.strided.scatter [tilespmem:s12], [sflag:$0x4], $0x1000, s4, s3, $0x38;
	[tilespmem:$0x1F900] =	vst v63  }
0x27d: {  	_ =	swait.ge [sflag:s10], $0x1000  }
0x27e: {  	[sflag:s10] =	ssyncset.done $0x0  }
0x27f: {  	[sflag:s10] =	ssyncadd.s32 $0xFFFFF000  }
0x280: {  	[bflag:$0x0] =	sbarrier.arrive $0xFFFF  }
0x281: {  	s16 =	rddreg [dreg:$0x18]  }
0x282: {  	[tilespmem:s21], [sflag:$0x4] =	stream.strided.gather [spmem:s16], $0x200, s4, s3, $0x38;
	[tilespmem:$0x1F900] =	vst v63  }
0x283: {  	_ =	swait.ge [sflag:s10], $0x200  }
0x284: {  	[sflag:s10] =	ssyncset.done $0x0  }
0x285: {  	s13 =	simm.s32 $0x200;
	s17 =	rddreg [dreg:$0x19];
	[sflag:s10] =	ssyncadd.s32 $0xFFFFFE00  }
0x286: {  	[tilespmem:s13], [sflag:$0x4] =	stream.strided.gather [spmem:s17], $0x200, s4, s3, $0x38;
	[tilespmem:$0x1F900] =	vst v63  }
0x287: {  	_ =	swait.ge [sflag:s10], $0x200  }
0x288: {  	[sflag:s10] =	ssyncset.done $0x0  }
0x289: {  	s13 =	rddreg [dreg:$0x1a];
	[sflag:s10] =	ssyncadd.s32 $0xFFFFFE00  }
0x28a: {  	[tilespmem:s4], [sflag:$0x4] =	stream.strided.gather [spmem:s13], $0x200, s4, s3, $0x38;
	[tilespmem:$0x1F900] =	vst v63  }
0x28b: {  	_ =	swait.ge [sflag:s10], $0x200  }
0x28c: {  	[sflag:s10] =	ssyncset.done $0x0  }
0x28d: {  	s15 =	simm.s32 $0x600;
	s14 =	rddreg [dreg:$0x1b];
	[sflag:s10] =	ssyncadd.s32 $0xFFFFFE00  }
0x28e: {  	[tilespmem:s15], [sflag:$0x4] =	stream.strided.gather [spmem:s14], $0x200, s4, s3, $0x38;
	[tilespmem:$0x1F900] =	vst v63  }
0x28f: {  	_ =	swait.ge [sflag:s10], $0x200  }
0x290: {  	[sflag:s10] =	ssyncset.done $0x0  }
0x291: {  	s17 =	simm.s32 $0x800;
	s16 =	rddreg [dreg:$0x1c];
	[sflag:s10] =	ssyncadd.s32 $0xFFFFFE00  }
0x292: {  	[tilespmem:s17], [sflag:$0x4] =	stream.strided.gather [spmem:s16], $0x200, s4, s3, $0x38;
	[tilespmem:$0x1F900] =	vst v63  }
0x293: {  	_ =	swait.ge [sflag:s10], $0x200  }
0x294: {  	[sflag:s10] =	ssyncset.done $0x0  }
0x295: {  	s15 =	simm.s32 $0xA00;
	s14 =	rddreg [dreg:$0x1d];
	[sflag:s10] =	ssyncadd.s32 $0xFFFFFE00  }
0x296: {  	[tilespmem:s15], [sflag:$0x4] =	stream.strided.gather [spmem:s14], $0x200, s4, s3, $0x38;
	[tilespmem:$0x1F900] =	vst v63  }
0x297: {  	_ =	swait.ge [sflag:s10], $0x200  }
0x298: {  	[sflag:s10] =	ssyncset.done $0x0  }
0x299: {  	s17 =	simm.s32 $0xC00;
	s16 =	rddreg [dreg:$0x1e];
	[sflag:s10] =	ssyncadd.s32 $0xFFFFFE00  }
0x29a: {  	[tilespmem:s17], [sflag:$0x4] =	stream.strided.gather [spmem:s16], $0x200, s4, s3, $0x38;
	[tilespmem:$0x1F900] =	vst v63  }
0x29b: {  	_ =	swait.ge [sflag:s10], $0x200  }
0x29c: {  	[sflag:s10] =	ssyncset.done $0x0  }
0x29d: {  	s14 =	simm.s32 $0xE00;
	s13 =	rddreg [dreg:$0x1f];
	[sflag:s10] =	ssyncadd.s32 $0xFFFFFE00  }
0x29e: {  	[tilespmem:s14], [sflag:$0x4] =	stream.strided.gather [spmem:s13], $0x200, s4, s3, $0x38;
	[tilespmem:$0x1F900] =	vst v63  }
0x29f: {  	_ =	swait.ge [sflag:s10], $0x200  }
0x2a0: {  	[sflag:s10] =	ssyncset.done $0x0  }
0x2a1: {  	s15 =	simm.s32 $0x1000;
	[sflag:s10] =	ssyncadd.s32 $0xFFFFFE00  }
0x2a2: {  	[tilespmem:s15], [sflag:$0x4] =	stream.strided.gather [spmem:s23], $0x200, s4, s3, $0x38;
	[tilespmem:$0x1F900] =	vst v63  }
0x2a3: {  	_ =	swait.ge [sflag:s10], $0x200  }
0x2a4: {  	[sflag:s10] =	ssyncset.done $0x0  }
0x2a5: {  	s16 =	simm.s32 $0x1200;
	[sflag:s10] =	ssyncadd.s32 $0xFFFFFE00  }
0x2a6: {  	[tilespmem:s16], [sflag:$0x4] =	stream.strided.gather [spmem:s24], $0x200, s4, s3, $0x38;
	[tilespmem:$0x1F900] =	vst v63  }
0x2a7: {  	_ =	swait.ge [sflag:s10], $0x200  }
0x2a8: {  	[sflag:s10] =	ssyncset.done $0x0  }
0x2a9: {  	s17 =	simm.s32 $0x1400;
	[sflag:s10] =	ssyncadd.s32 $0xFFFFFE00  }
0x2aa: {  	[tilespmem:s17], [sflag:$0x4] =	stream.strided.gather [spmem:s0], $0x200, s4, s3, $0x38;
	[tilespmem:$0x1F900] =	vst v63  }
0x2ab: {  	_ =	swait.ge [sflag:s10], $0x200  }
0x2ac: {  	[sflag:s10] =	ssyncset.done $0x0  }
0x2ad: {  	s13 =	simm.s32 $0x1600;
	[sflag:s10] =	ssyncadd.s32 $0xFFFFFE00  }
0x2ae: {  	[tilespmem:s13], [sflag:$0x4] =	stream.strided.gather [spmem:s29], $0x200, s4, s3, $0x38;
	[tilespmem:$0x1F900] =	vst v63  }
0x2af: {  	_ =	swait.ge [sflag:s10], $0x200  }
0x2b0: {  	[sflag:s10] =	ssyncset.done $0x0  }
0x2b1: {  	s14 =	simm.s32 $0x1800;
	[sflag:s10] =	ssyncadd.s32 $0xFFFFFE00  }
0x2b2: {  	[tilespmem:s14], [sflag:$0x4] =	stream.strided.gather [spmem:s30], $0x200, s4, s3, $0x38;
	[tilespmem:$0x1F900] =	vst v63  }
0x2b3: {  	_ =	swait.ge [sflag:s10], $0x200  }
0x2b4: {  	[sflag:s10] =	ssyncset.done $0x0  }
0x2b5: {  	s15 =	simm.s32 $0x1A00;
	[sflag:s10] =	ssyncadd.s32 $0xFFFFFE00  }
0x2b6: {  	[tilespmem:s15], [sflag:$0x4] =	stream.strided.gather [spmem:s31], $0x200, s4, s3, $0x38;
	[tilespmem:$0x1F900] =	vst v63  }
0x2b7: {  	_ =	swait.ge [sflag:s10], $0x200  }
0x2b8: {  	[sflag:s10] =	ssyncset.done $0x0  }
0x2b9: {  	s16 =	simm.s32 $0x1C00;
	[sflag:s10] =	ssyncadd.s32 $0xFFFFFE00  }
0x2ba: {  	[tilespmem:s16], [sflag:$0x4] =	stream.strided.gather [spmem:s1], $0x200, s4, s3, $0x38;
	[tilespmem:$0x1F900] =	vst v63  }
0x2bb: {  	_ =	swait.ge [sflag:s10], $0x200  }
0x2bc: {  	[sflag:s10] =	ssyncset.done $0x0  }
0x2bd: {  	s17 =	simm.s32 $0x1E00;
	[sflag:s10] =	ssyncadd.s32 $0xFFFFFE00  }
0x2be: {  	[tilespmem:s17], [sflag:$0x4] =	stream.strided.gather [spmem:s2], $0x200, s4, s3, $0x38;
	[tilespmem:$0x1F900] =	vst v63  }
0x2bf: {  	_ =	swait.ge [sflag:s10], $0x200  }
0x2c0: {  	[sflag:s10] =	ssyncset.done $0x0  }
0x2c1: {  	[sflag:s10] =	ssyncadd.s32 $0xFFFFFE00  }
.LBB2_20:
0x2c2: {  	[bflag:$0x0] =	sbarrier.arrive $0xFFFF;
	s12 =	simm.s32 $0x0;
	s13 =	simm.s32 $0x0  }
0x2c3: {  	v0 =	vld [tilespmem:s12+$0x0];
	s14 =	sand.u32 $0x1F0, s13  }
0x2c4: {  	v1 =	vld [tilespmem:s14+$0x200]  }
0x2c5: {  	v2 =	vld [tilespmem:s14+$0x400]  }
0x2c6: {  	v3 =	vld [tilespmem:s14+$0x600]  }
0x2c7: {  	v4 =	vld [tilespmem:s14+$0x800]  }
0x2c8: {  	v5 =	vld [tilespmem:s14+$0xA00]  }
0x2c9: {  	v6 =	vld [tilespmem:s14+$0xC00]  }
0x2ca: {  	v7 =	vld [tilespmem:s14+$0xE00]  }
0x2cb: {  	s15 =	simm.s32 $0x10;
	s16 =	simm.s32 $0x10;
	v8 =	vld [tilespmem:s14+$0x1000];
	v0 =	vadd.f32 v1, v0  }
0x2cc: {  	s13 =	simm.s32 $0x20;
	v1 =	vld [tilespmem:s15+$0x0];
	s15 =	sand.u32 $0x1F0, s16  }
0x2cd: {  	s12 =	sand.u32 $0x1F0, s13;
	v9 =	vld [tilespmem:s15+$0x200];
	v0 =	vadd.f32 v2, v0  }
0x2ce: {  	v60 =	vld [tilespmem:s12+$0x200]  }
0x2cf: {  	v10 =	vld [tilespmem:s15+$0x400];
	v0 =	vadd.f32 v3, v0  }
0x2d0: {  	v61 =	vld [tilespmem:s12+$0x400]  }
0x2d1: {  	v11 =	vld [tilespmem:s15+$0x600];
	v0 =	vadd.f32 v4, v0  }
0x2d2: {  	v62 =	vld [tilespmem:s12+$0x600];
	v1 =	vadd.f32 v9, v1  }
0x2d3: {  	v55 =	vld [tilespmem:s15+$0x800];
	v0 =	vadd.f32 v5, v0  }
0x2d4: {  	v56 =	vld [tilespmem:s15+$0xA00];
	v1 =	vadd.f32 v10, v1  }
0x2d5: {  	v57 =	vld [tilespmem:s15+$0xC00];
	v0 =	vadd.f32 v6, v0  }
0x2d6: {  	v2 =	vld [tilespmem:s14+$0x1200];
	v1 =	vadd.f32 v11, v1  }
0x2d7: {  	v58 =	vld [tilespmem:s15+$0xE00];
	v0 =	vadd.f32 v7, v0  }
0x2d8: {  	v3 =	vld [tilespmem:s14+$0x1400];
	v1 =	vadd.f32 v55, v1  }
0x2d9: {  	v59 =	vld [tilespmem:s15+$0x1000];
	v0 =	vadd.f32 v8, v0  }
0x2da: {  	v4 =	vld [tilespmem:s14+$0x1600];
	v1 =	vadd.f32 v56, v1  }
0x2db: {  	v5 =	vld [tilespmem:s14+$0x1800];
	v0 =	vadd.f32 v2, v0  }
0x2dc: {  	v6 =	vld [tilespmem:s14+$0x1A00];
	v1 =	vadd.f32 v57, v1  }
0x2dd: {  	s17 =	simm.s32 $0x20;
	v0 =	vadd.f32 v3, v0;
	v3 =	vld [tilespmem:s15+$0x1200]  }
0x2de: {  	v2 =	vld [tilespmem:s17+$0x0];
	v1 =	vadd.f32 v58, v1  }
0x2df: {  	v0 =	vadd.f32 v4, v0;
	v4 =	vld [tilespmem:s15+$0x1400]  }
0x2e0: {  	v7 =	vld [tilespmem:s14+$0x1C00];
	v1 =	vadd.f32 v59, v1  }
0x2e1: {  	v0 =	vadd.f32 v5, v0;
	v5 =	vld [tilespmem:s15+$0x1600]  }
0x2e2: {  	v8 =	vld [tilespmem:s14+$0x1E00];
	v3 =	vadd.f32 v3, v1  }
0x2e3: {  	v63 =	vld [tilespmem:s12+$0x800];
	v2 =	vadd.f32 v60, v2;
	v0 =	vadd.f32 v6, v0  }
0x2e4: {  	v6 =	vld [tilespmem:s15+$0x1800];
	v4 =	vadd.f32 v4, v3  }
0x2e5: {  	v1 =	vld [tilespmem:s15+$0x1A00];
	v2 =	vadd.f32 v61, v2;
	v0 =	vadd.f32 v7, v0  }
0x2e6: {  	v3 =	vld [tilespmem:s12+$0xA00];
	v5 =	vadd.f32 v5, v4  }
0x2e7: {  	v4 =	vld [tilespmem:s12+$0xC00];
	v7 =	vadd.f32 v8, v0;
	v8 =	vadd.f32 v62, v2  }
0x2e8: {  	s14 =	simm.s32 $0x1E700;
	v0 =	vld [tilespmem:s15+$0x1C00]  }
0x2e9: {  	v2 =	vld [tilespmem:s15+$0x1E00];
	v5 =	vadd.f32 v6, v5;
	[tilespmem:s14+$0x0] =	vst v7;
	v7 =	vadd.f32 v63, v8  }
0x2ea: {  	s15 =	simm.s32 $0x30;
	v6 =	vld [tilespmem:s12+$0xE00]  }
.LBB2_21:
0x2eb: {  	v8 =	vld [tilespmem:s15+$0x0];
	v3 =	vadd.f32 v3, v7;
	v1 =	vadd.f32 v1, v5  }
0x2ec: {  	s13 =	sadd.s32 $0x10, s13;
	v5 =	vld [tilespmem:s12+$0x1000]  }
0x2ed: {  	s16 =	sand.u32 $0x1F0, s13;
	p1 =	slt.u32 s13, $0x1F0;
	v3 =	vadd.f32 v4, v3;
	v4 =	vld [tilespmem:s12+$0x1200];
	v0 =	vadd.f32 v0, v1  }
0x2ee: {  	v1 =	vld [tilespmem:s16+$0x200]  }
0x2ef: {  	v3 =	vadd.f32 v6, v3;
	v6 =	vld [tilespmem:s12+$0x1400];
	v0 =	vadd.f32 v2, v0  }
0x2f0: {  	s14 =	sadd.s32 $0x10, s14;
	v2 =	vld [tilespmem:s16+$0x400]  }
0x2f1: {  	v3 =	vadd.f32 v5, v3;
	v5 =	vld [tilespmem:s12+$0x1600];
	[tilespmem:s14+$0x0] =	vst v0  }
0x2f2: {  	v0 =	vld [tilespmem:s16+$0x600]  }
0x2f3: {  	v1 =	vadd.f32 v1, v8;
	v3 =	vadd.f32 v4, v3;
	v8 =	vld [tilespmem:s12+$0x1800]  }
0x2f4: {  	v7 =	vld [tilespmem:s16+$0x800]  }
0x2f5: {  	v2 =	vadd.f32 v2, v1;
	v4 =	vadd.f32 v6, v3;
	v1 =	vld [tilespmem:s12+$0x1A00]  }
.Ltmp10:
0x2f6: {  	v3 =	vld [tilespmem:s16+$0xA00];
	(pc) =	sbr.rel @p1 .LBB2_21-.Ltmp10, $4  }
0x2f7: {  	v2 =	vadd.f32 v0, v2;
	v5 =	vadd.f32 v5, v4;
	v0 =	vld [tilespmem:s12+$0x1C00]  }
0x2f8: {  	v4 =	vld [tilespmem:s16+$0xC00]  }
0x2f9: {  	v7 =	vadd.f32 v7, v2;
	v5 =	vadd.f32 v8, v5;
	v2 =	vld [tilespmem:s12+$0x1E00];
	s12 =	smov.u32 s16  }
0x2fa: {  	s15 =	sadd.s32 $0x10, s15;
	v6 =	vld [tilespmem:s12+$0xE00]  }
0x2fb: {  	v3 =	vadd.f32 v3, v7  }
0x2fc: {  	v55 =	vld [tilespmem:s12+$0x1000]  }
0x2fd: {  	v3 =	vadd.f32 v4, v3  }
0x2fe: {  	v56 =	vld [tilespmem:s12+$0x1200]  }
0x2ff: {  	v3 =	vadd.f32 v6, v3  }
0x300: {  	v57 =	vld [tilespmem:s12+$0x1400]  }
0x301: {  	v3 =	vadd.f32 v55, v3  }
0x302: {  	v58 =	vld [tilespmem:s12+$0x1600]  }
0x303: {  	v3 =	vadd.f32 v56, v3  }
0x304: {  	v59 =	vld [tilespmem:s12+$0x1800]  }
0x305: {  	v3 =	vadd.f32 v57, v3  }
0x306: {  	v60 =	vld [tilespmem:s12+$0x1A00]  }
0x307: {  	v3 =	vadd.f32 v58, v3  }
0x308: {  	v61 =	vld [tilespmem:s12+$0x1C00]  }
0x309: {  	v3 =	vadd.f32 v59, v3  }
0x30a: {  	v1 =	vadd.f32 v1, v5;
	v62 =	vld [tilespmem:s12+$0x1E00]  }
0x30b: {  	v3 =	vadd.f32 v60, v3  }
0x30c: {  	v0 =	vadd.f32 v0, v1  }
0x30d: {  	v63 =	vadd.f32 v61, v3  }
0x30e: {  	v0 =	vadd.f32 v2, v0  }
0x30f: {  	s16 =	sadd.s32 $0x10, s14;
	s11 =	sadd.s32 $0x1, s11;
	v1 =	vadd.f32 v62, v63  }
0x310: {  	s12 =	sadd.s32 $0x10, s16;
	p1 =	sne.s32 s11, s28;
	[tilespmem:s16+$0x0] =	vst v0  }
.Ltmp11:
0x311: {  	s17 =	simm.s32 $0x1E700;
	[tilespmem:s12+$0x0] =	vst v1;
	(pc) =	sbr.rel @p1 .LBB2_1-.Ltmp11, $4  }
0x312: {  	[hbm4b:s26+s21] =	stream.linear.scatter [tilespmem:s17], [sflag:$0x4], $0x200, $0x38;
	[tilespmem:$0x1F900] =	vst v63  }
0x313: {  	_ =	swait.ge [sflag:s10], $0x200  }
0x314: {  	[sflag:s10] =	ssyncset.done $0x0  }
0x315: {  	[sflag:s10] =	ssyncadd.s32 $0xFFFFFE00  }
0x316: {  	_ =	sfence.sel $0x180000  }
0x317: {  	[bflag:$0x0] =	sbarrier.arrive $0xFFFF  }
0x318: {  	_ =	strace $0x90000047  }
0x319: {  	s0 =	stileid.u32;
	[bflag:$0x2] =	sbarrier.arrive $0xFFFF  }
0x31a: {  	p0 =	sne.s32 s0, $0x0;
	s0 =	rddreg [dreg:$0x6]  }
0x31b: {  	s0 =	sadd.s32 @!p0 $0x100000, s0  }
0x31c: {  	[sflag:s0] =	ssyncadd.tile.s32 @!p0 $0x1;
	_ =	shalt  }
.Lfunc_end2:
_tile_overlayer_lowered:
.L_overlay_start_2:
0x31d: {  	(tag) =	ssettag $0x2  }
0x31e: {  	s0 =	rddreg [dreg:$0x0];
	s2 =	stileid.u32  }
0x31f: {  	s1 =	rddreg [dreg:$0x1];
	p0 =	sne.s32 s2, $0x0  }
0x320: {  	s3 =	rddreg [dreg:$0x2];
	[bflag:$0x3] =	sbarrier.arrive $0xFFFF;
	s2 =	simm.s32 @!p0 $0x1C04  }
0x321: {  	[timem:s3], [sflag:s2] =	dma.local @!p0 [hbm:s0], s1  }
0x322: {  	s0 =	simm.s32 @!p0 $0x4  }
0x323: {  	_ =	swait.ge @!p0 [sflag:s0], s1  }
0x324: {  	s1 =	ssub.s32 @!p0 $0x0, s1;
	[sflag:s0] =	ssyncset.done @!p0 $0x0  }
0x325: {  	[sflag:s0] =	ssyncadd.s32 @!p0 s1  }
0x326: {  	[bflag:$0x3] =	sbarrier.arrive $0xFFFF  }
0x327: {  	_ =	shalt  }

</sc_bundles>
